<compile_context>
chip_gen: v7x
topology: tpu7x:2x2x1
jax: 0.10.2.dev20260603
libtpu: 0.0.44.dev20260713+nightly
codegen_flags: <defaults>
</compile_context>

<pallas_src>
import functools

import jax
import jax.numpy as jnp
from jax import lax
from jax.experimental import pallas as pl
from jax.experimental.pallas import tpu as pltpu
from jax.experimental.pallas import tpu_sc as plsc

NUM_CORES = 2
NUM_SUBCORES = 16
NUM_WORKERS = NUM_CORES * NUM_SUBCORES


@functools.cache
def _make_gather(hist: int, batch: int, dim: int):
    assert batch % (NUM_WORKERS * 128) == 0 and dim == 32 and hist % 2 == 0
    bw = batch // NUM_WORKERS
    nct = bw // 128
    rbs = dim // 8
    mesh = plsc.VectorSubcoreMesh(core_axis_name="c", subcore_axis_name="s")

    @functools.partial(
        pl.kernel,
        out_type=jax.ShapeDtypeStruct((hist, rbs, batch // 128, 8, 128),
                                      jnp.float32),
        mesh=mesh,
        scratch_types=[
            pltpu.VMEM((hist, bw), jnp.int32),
            pltpu.VMEM((bw, dim), jnp.float32),
            pltpu.VMEM((bw, dim), jnp.float32),
            pltpu.VMEM((rbs, nct, 8, 128), jnp.float32),
            pltpu.VMEM((rbs, nct, 8, 128), jnp.float32),
            pltpu.SemaphoreType.DMA,
            pltpu.SemaphoreType.DMA,
            pltpu.SemaphoreType.DMA,
            pltpu.SemaphoreType.DMA,
        ],
        compiler_params=pltpu.CompilerParams(use_tc_tiling_on_sc=False,
                                             needs_layout_passes=False),
    )
    def gather_kernel(idxt_hbm, table_hbm, out_hbm, idx_v, rows0, rows1,
                      slab0, slab1, gsem0, gsem1, osem0, osem1):
        wid = lax.axis_index("s") * NUM_CORES + lax.axis_index("c")
        b0 = wid * bw
        ct0 = wid * nct
        pltpu.sync_copy(idxt_hbm.at[:, pl.ds(b0, bw)], idx_v)

        def gdesc(h, rbuf, gsem):
            return pltpu.make_async_copy(
                table_hbm.at[idx_v.at[h]], rbuf, gsem)

        def odesc(h, sbuf, osem):
            return pltpu.make_async_copy(
                sbuf, out_hbm.at[h, :, pl.ds(ct0, nct)], osem)

        gdesc(0, rows0, gsem0).start()
        gdesc(1, rows1, gsem1).start()

        @pl.loop(0, hist, step=2)
        def _(i):
            for sub, rbuf, sbuf, gsem, osem in (
                (0, rows0, slab0, gsem0, osem0),
                (1, rows1, slab1, gsem1, osem1),
            ):
                h = i + sub
                gdesc(h, rbuf, gsem).wait()

                @pl.when(h >= 2)
                def _():
                    odesc(h - 2, sbuf, osem).wait()

                base = lax.iota(jnp.int32, 16)

                @plsc.parallel_loop(0, bw // 16, unroll=2)
                def _(bg):
                    ctoff = bg // 8
                    bs0 = (bg % 8) * 16
                    bvec = bg * 16 + base
                    for rb in range(rbs):
                        for ds in range(8):
                            dvec = jnp.full((16,), rb * 8 + ds,
                                            jnp.int32)
                            vals = plsc.load_gather(rbuf, [bvec, dvec])
                            sbuf[rb, ctoff, ds, pl.ds(bs0, 16)] = vals

                @pl.when(h + 2 < hist)
                def _():
                    gdesc(h + 2, rbuf, gsem).start()

                odesc(h, sbuf, osem).start()

        odesc(hist - 2, slab0, osem0).wait()
        odesc(hist - 1, slab1, osem1).wait()

    return gather_kernel


def kernel(idx, weight):
    batch, hist = idx.shape
    dim = weight.shape[1]
    idxt = jnp.transpose(idx).astype(jnp.int32)
    out5 = _make_gather(hist, batch, dim)(idxt, weight)
    return jnp.reshape(jnp.transpose(out5, (2, 4, 0, 1, 3)),
                       (batch, hist, dim))

# --- scband reference (transcript-rebuilt; emitter-appended) ---
"""Pipeline reference for scband-geometry-embedding-53747220742773 (READ-ONLY COPY).

The authoritative reference and input builder live on the scoring server;
editing this copy changes nothing except your own understanding.
"""

import jax, jax.numpy as jnp
import numpy as np

NUM_NODES = 1000000
DIM = 32
BATCH = 16384
HIST = 50


def setup_inputs(seed: int = 0) -> dict:
    key = jax.random.key(seed)
    k_idx, k_w = jax.random.split(key)
    idx = jax.random.randint(k_idx, (BATCH, HIST), 0, NUM_NODES, dtype=jnp.int64 if jax.config.jax_enable_x64 else jnp.int32)
    weight = 0.001 * jax.random.normal(k_w, (NUM_NODES, DIM), dtype=jnp.float32)
    return {"idx": idx, "weight": weight}


def reference(idx, weight):
    # GeometryEmbedding.forward: return self.weight[idx]
    return weight[idx]

if __name__ == "__main__":
    import jax
    _d = setup_inputs()
    print(jax.jit(kernel)(*tuple(_d.values())))

</pallas_src>

<mosaic_0001>
#map = affine_map<(d0, d1) -> (0, 0)>
#map1 = affine_map<(d0, d1) -> (0, 0, 0, 0, 0)>
module attributes {stable_mosaic.version = 14 : i64} {
  func.func @gather_kernel(%arg0: i32, %arg1: i32, %arg2: memref<50x16384xi32, #tpu.memory_space<hbm>>, %arg3: memref<1000000x32xf32, #tpu.memory_space<hbm>>, %arg4: memref<50x4x128x8x128xf32, #tpu.memory_space<hbm>>, %arg5: memref<50x512xi32, #tpu.memory_space<vmem>>, %arg6: memref<512x32xf32, #tpu.memory_space<vmem>>, %arg7: memref<512x32xf32, #tpu.memory_space<vmem>>, %arg8: memref<4x4x8x128xf32, #tpu.memory_space<vmem>>, %arg9: memref<4x4x8x128xf32, #tpu.memory_space<vmem>>, %arg10: memref<!tpu.dma_semaphore, #tpu.memory_space<semaphore_mem>>, %arg11: memref<!tpu.dma_semaphore, #tpu.memory_space<semaphore_mem>>, %arg12: memref<!tpu.dma_semaphore, #tpu.memory_space<semaphore_mem>>, %arg13: memref<!tpu.dma_semaphore, #tpu.memory_space<semaphore_mem>>) attributes {dimension_semantics = [#tpu.dimension_semantics<core_parallel>, #tpu.dimension_semantics<subcore_parallel>], iteration_bounds = array<i64: 2, 16>, scalar_prefetch = 0 : i64, scratch_operands = 9 : i64, tpu.core_type = #tpu.core_type<sc_vector_subcore>, window_params = [{transform_indices = #map}, {transform_indices = #map}, {transform_indices = #map1}]} {
    %mul3A = arith.constant 2 : i32
    %mul3A_0 = arith.muli %arg1, %mul3A : i32
    %add3A = arith.addi %mul3A_0, %arg0 : i32
    %mul3A_1 = arith.constant 512 : i32
    %mul3A_2 = arith.muli %add3A, %mul3A_1 : i32
    %mul3A_3 = arith.constant 4 : i32
    %mul3A_4 = arith.muli %add3A, %mul3A_3 : i32
    "tpu.region"() ({
      %run_scoped3A = tpu.sem_alloc : memref<!tpu.dma_semaphore, #tpu.memory_space<semaphore_mem>>
      %dma_start3A_43 = arith.constant 0 : i32
      %dma_start3A_44 = tpu.memref_slice %arg2[%dma_start3A_43, %mul3A_2] : memref<50x16384xi32, #tpu.memory_space<hbm>> -> memref<50x512xi32, #tpu.memory_space<hbm>>
      %dma_start3A_45 = arith.constant 0 : i32
      %dma_start3A_46 = tpu.memref_slice %arg2[%dma_start3A_45, %mul3A_2] : memref<50x16384xi32, #tpu.memory_space<hbm>> -> memref<50x512xi32, #tpu.memory_space<hbm>>
      tpu.enqueue_dma source(%dma_start3A_46 : memref<50x512xi32, #tpu.memory_space<hbm>>) target(%arg5 : memref<50x512xi32, #tpu.memory_space<vmem>>) target_semaphore(%run_scoped3A : memref<!tpu.dma_semaphore, #tpu.memory_space<semaphore_mem>>)
      %dma_wait3A_47 = arith.constant 0 : i32
      %dma_wait3A_48 = tpu.memref_slice %arg2[%dma_wait3A_47, %mul3A_2] : memref<50x16384xi32, #tpu.memory_space<hbm>> -> memref<50x512xi32, #tpu.memory_space<hbm>>
      %dma_wait3A_49 = arith.constant 0 : i32
      %dma_wait3A_50 = tpu.memref_slice %arg2[%dma_wait3A_49, %mul3A_2] : memref<50x16384xi32, #tpu.memory_space<hbm>> -> memref<50x512xi32, #tpu.memory_space<hbm>>
      tpu.wait_dma2 semaphore(%run_scoped3A : memref<!tpu.dma_semaphore, #tpu.memory_space<semaphore_mem>>) src(%dma_wait3A_50 : memref<50x512xi32, #tpu.memory_space<hbm>>) dst(%arg5 : memref<50x512xi32, #tpu.memory_space<vmem>>)
      tpu.yield
    }) : () -> ()
    %dma_start3A = arith.constant 0 : i32
    %dma_start3A_5 = arith.constant 0 : i32
    %dma_start3A_6 = tpu.memref_slice %arg5[%dma_start3A, %dma_start3A_5] : memref<50x512xi32, #tpu.memory_space<vmem>> -> memref<1x512xi32, #tpu.memory_space<vmem>>
    %dma_start3A_7 = tpu.memref_squeeze %dma_start3A_6 : memref<1x512xi32, #tpu.memory_space<vmem>> -> memref<512xi32, #tpu.memory_space<vmem>>
    %dma_start3A_8 = arith.constant 0 : i32
    %dma_start3A_9 = arith.constant 0 : i32
    %dma_start3A_10 = tpu.memref_slice %arg3[%dma_start3A_8, %dma_start3A_9] : memref<1000000x32xf32, #tpu.memory_space<hbm>> -> memref<1000000x32xf32, #tpu.memory_space<hbm>>
    tpu.enqueue_indirect_dma source(%dma_start3A_10 : memref<1000000x32xf32, #tpu.memory_space<hbm>>) target(%arg6 : memref<512x32xf32, #tpu.memory_space<vmem>>) offsets(%dma_start3A_7 : memref<512xi32, #tpu.memory_space<vmem>>) semaphore(%arg10 : memref<!tpu.dma_semaphore, #tpu.memory_space<semaphore_mem>>)
    %dma_start3A_11 = arith.constant 1 : i32
    %dma_start3A_12 = arith.constant 0 : i32
    %dma_start3A_13 = tpu.memref_slice %arg5[%dma_start3A_11, %dma_start3A_12] : memref<50x512xi32, #tpu.memory_space<vmem>> -> memref<1x512xi32, #tpu.memory_space<vmem>>
    %dma_start3A_14 = tpu.memref_squeeze %dma_start3A_13 : memref<1x512xi32, #tpu.memory_space<vmem>> -> memref<512xi32, #tpu.memory_space<vmem>>
    %dma_start3A_15 = arith.constant 0 : i32
    %dma_start3A_16 = arith.constant 0 : i32
    %dma_start3A_17 = tpu.memref_slice %arg3[%dma_start3A_15, %dma_start3A_16] : memref<1000000x32xf32, #tpu.memory_space<hbm>> -> memref<1000000x32xf32, #tpu.memory_space<hbm>>
    tpu.enqueue_indirect_dma source(%dma_start3A_17 : memref<1000000x32xf32, #tpu.memory_space<hbm>>) target(%arg7 : memref<512x32xf32, #tpu.memory_space<vmem>>) offsets(%dma_start3A_14 : memref<512xi32, #tpu.memory_space<vmem>>) semaphore(%arg11 : memref<!tpu.dma_semaphore, #tpu.memory_space<semaphore_mem>>)
    %scan3A = arith.constant 0 : i32
    %scan3A_18 = arith.constant 25 : i32
    %scan3A_19 = arith.addi %scan3A, %scan3A_18 : i32
    %scan3A_20 = arith.constant 1 : i32
    scf.for %scan3A_43 = %scan3A to %scan3A_19 step %scan3A_20  : i32 {
      %mul3A_44 = arith.constant 2 : i32
      %mul3A_45 = arith.muli %scan3A_43, %mul3A_44 : i32
      %add3A_46 = arith.constant 0 : i32
      %add3A_47 = arith.addi %add3A_46, %mul3A_45 : i32
      %add3A_48 = arith.constant 0 : i32
      %add3A_49 = arith.addi %add3A_47, %add3A_48 : i32
      %dma_wait3A_50 = arith.constant 0 : i32
      %dma_wait3A_51 = tpu.memref_slice %arg5[%add3A_49, %dma_wait3A_50] : memref<50x512xi32, #tpu.memory_space<vmem>> -> memref<1x512xi32, #tpu.memory_space<vmem>>
      %dma_wait3A_52 = tpu.memref_squeeze %dma_wait3A_51 : memref<1x512xi32, #tpu.memory_space<vmem>> -> memref<512xi32, #tpu.memory_space<vmem>>
      %dma_wait3A_53 = arith.constant 0 : i32
      %dma_wait3A_54 = arith.constant 0 : i32
      %dma_wait3A_55 = tpu.memref_slice %arg3[%dma_wait3A_53, %dma_wait3A_54] : memref<1000000x32xf32, #tpu.memory_space<hbm>> -> memref<1000000x32xf32, #tpu.memory_space<hbm>>
      tpu.wait_indirect_dma semaphore(%arg10 : memref<!tpu.dma_semaphore, #tpu.memory_space<semaphore_mem>>) src(%dma_wait3A_55 : memref<1000000x32xf32, #tpu.memory_space<hbm>>) dst(%arg6 : memref<512x32xf32, #tpu.memory_space<vmem>>)
      %ge3A = arith.constant 2 : i32
      %ge3A_56 = arith.cmpi sge, %add3A_49, %ge3A : i32
      %convert_element_type3A = arith.extui %ge3A_56 : i1 to i32
      %cond3A = arith.constant 0 : i32
      %cond3A_57 = arith.cmpi ne, %convert_element_type3A, %cond3A : i32
      scf.if %cond3A_57 {
        %sub3A = arith.constant 2 : i32
        %sub3A_110 = arith.subi %add3A_49, %sub3A : i32
        %dma_wait3A_111 = arith.constant 0 : i32
        %dma_wait3A_112 = arith.constant 0 : i32
        %dma_wait3A_113 = arith.constant 0 : i32
        %dma_wait3A_114 = tpu.memref_slice %arg4[%sub3A_110, %dma_wait3A_111, %mul3A_4, %dma_wait3A_112, %dma_wait3A_113] : memref<50x4x128x8x128xf32, #tpu.memory_space<hbm>> -> memref<1x4x4x8x128xf32, #tpu.memory_space<hbm>>
        %dma_wait3A_115 = tpu.memref_squeeze %dma_wait3A_114 : memref<1x4x4x8x128xf32, #tpu.memory_space<hbm>> -> memref<4x4x8x128xf32, #tpu.memory_space<hbm>>
        %dma_wait3A_116 = arith.constant 0 : i32
        %dma_wait3A_117 = arith.constant 0 : i32
        %dma_wait3A_118 = arith.constant 0 : i32
        %dma_wait3A_119 = tpu.memref_slice %arg4[%sub3A_110, %dma_wait3A_116, %mul3A_4, %dma_wait3A_117, %dma_wait3A_118] : memref<50x4x128x8x128xf32, #tpu.memory_space<hbm>> -> memref<1x4x4x8x128xf32, #tpu.memory_space<hbm>>
        %dma_wait3A_120 = tpu.memref_squeeze %dma_wait3A_119 : memref<1x4x4x8x128xf32, #tpu.memory_space<hbm>> -> memref<4x4x8x128xf32, #tpu.memory_space<hbm>>
        tpu.wait_dma2 semaphore(%arg12 : memref<!tpu.dma_semaphore, #tpu.memory_space<semaphore_mem>>) src(%arg8 : memref<4x4x8x128xf32, #tpu.memory_space<vmem>>) dst(%dma_wait3A_120 : memref<4x4x8x128xf32, #tpu.memory_space<hbm>>)
      } else {
      }
      %iota3A = tpu.iota {dimensions = array<i32: 0>} : vector<16xi32>
      %parallel_loop3A = arith.constant 0 : i32
      %parallel_loop3A_58 = arith.constant 32 : i32
      %parallel_loop3A_59 = arith.constant 1 : i32
      scf.for %parallel_loop3A_110 = %parallel_loop3A to %parallel_loop3A_58 step %parallel_loop3A_59  : i32 {
        %parallel_loop3A_111 = arith.constant 8 : i32
        %parallel_loop3A_112 = arith.divsi %parallel_loop3A_110, %parallel_loop3A_111 : i32
        %parallel_loop3A_113 = arith.constant 0 : i32
        %parallel_loop3A_114 = arith.cmpi sgt, %parallel_loop3A_110, %parallel_loop3A_113 : i32
        %parallel_loop3A_115 = arith.extui %parallel_loop3A_114 : i1 to i32
        %parallel_loop3A_116 = arith.constant 0 : i32
        %parallel_loop3A_117 = arith.cmpi slt, %parallel_loop3A_110, %parallel_loop3A_116 : i32
        %parallel_loop3A_118 = arith.extui %parallel_loop3A_117 : i1 to i32
        %parallel_loop3A_119 = arith.subi %parallel_loop3A_115, %parallel_loop3A_118 : i32
        %parallel_loop3A_120 = arith.constant 0 : i32
        %parallel_loop3A_121 = arith.cmpi sgt, %parallel_loop3A_111, %parallel_loop3A_120 : i32
        %parallel_loop3A_122 = arith.extui %parallel_loop3A_121 : i1 to i32
        %parallel_loop3A_123 = arith.constant 0 : i32
        %parallel_loop3A_124 = arith.cmpi slt, %parallel_loop3A_111, %parallel_loop3A_123 : i32
        %parallel_loop3A_125 = arith.extui %parallel_loop3A_124 : i1 to i32
        %parallel_loop3A_126 = arith.subi %parallel_loop3A_122, %parallel_loop3A_125 : i32
        %parallel_loop3A_127 = arith.cmpi ne, %parallel_loop3A_119, %parallel_loop3A_126 : i32
        %parallel_loop3A_128 = arith.remsi %parallel_loop3A_110, %parallel_loop3A_111 : i32
        %parallel_loop3A_129 = arith.constant 0 : i32
        %parallel_loop3A_130 = arith.cmpi ne, %parallel_loop3A_128, %parallel_loop3A_129 : i32
        %parallel_loop3A_131 = arith.andi %parallel_loop3A_127, %parallel_loop3A_130 : i1
        %parallel_loop3A_132 = arith.constant 1 : i32
        %parallel_loop3A_133 = arith.subi %parallel_loop3A_112, %parallel_loop3A_132 : i32
        %parallel_loop3A_134 = arith.select %parallel_loop3A_131, %parallel_loop3A_133, %parallel_loop3A_112 : i32
        %parallel_loop3A_135 = arith.constant 8 : i32
        %parallel_loop3A_136 = arith.constant 0 : i32
        %parallel_loop3A_137 = arith.cmpi eq, %parallel_loop3A_135, %parallel_loop3A_136 : i32
        %parallel_loop3A_138 = arith.constant 1 : i32
        %parallel_loop3A_139 = arith.select %parallel_loop3A_137, %parallel_loop3A_138, %parallel_loop3A_135 : i32
        %parallel_loop3A_140 = arith.remsi %parallel_loop3A_110, %parallel_loop3A_139 : i32
        %parallel_loop3A_141 = arith.constant 0 : i32
        %parallel_loop3A_142 = arith.cmpi ne, %parallel_loop3A_140, %parallel_loop3A_141 : i32
        %parallel_loop3A_143 = arith.constant 0 : i32
        %parallel_loop3A_144 = arith.cmpi slt, %parallel_loop3A_140, %parallel_loop3A_143 : i32
        %parallel_loop3A_145 = arith.constant 0 : i32
        %parallel_loop3A_146 = arith.cmpi slt, %parallel_loop3A_139, %parallel_loop3A_145 : i32
        %parallel_loop3A_147 = arith.xori %parallel_loop3A_144, %parallel_loop3A_146 : i1
        %parallel_loop3A_148 = arith.andi %parallel_loop3A_147, %parallel_loop3A_142 : i1
        %parallel_loop3A_149 = arith.addi %parallel_loop3A_140, %parallel_loop3A_139 : i32
        %parallel_loop3A_150 = arith.select %parallel_loop3A_148, %parallel_loop3A_149, %parallel_loop3A_140 : i32
        %parallel_loop3A_151 = arith.constant 16 : i32
        %parallel_loop3A_152 = arith.muli %parallel_loop3A_150, %parallel_loop3A_151 : i32
        %parallel_loop3A_153 = arith.constant 16 : i32
        %parallel_loop3A_154 = arith.muli %parallel_loop3A_110, %parallel_loop3A_153 : i32
        %parallel_loop3A_155 = vector.broadcast %parallel_loop3A_154 : i32 to vector<16xi32>
        %parallel_loop3A_156 = arith.addi %parallel_loop3A_155, %iota3A : vector<16xi32>
        %parallel_loop3A_157 = arith.constant 0 : i32
        %parallel_loop3A_158 = vector.broadcast %parallel_loop3A_157 : i32 to vector<16xi32>
        %parallel_loop3A_159 = tpu.vector_load_idx %arg6[%parallel_loop3A_156, %parallel_loop3A_158] : memref<512x32xf32, #tpu.memory_space<vmem>>[vector<16xi32>, vector<16xi32>], vector<16xf32>,
        %parallel_loop3A_160 = arith.constant 0 : i32
        %parallel_loop3A_161 = arith.constant 0 : i32
        %parallel_loop3A_162 = arith.index_cast %parallel_loop3A_160 : i32 to index
        %parallel_loop3A_163 = arith.index_cast %parallel_loop3A_134 : i32 to index
        %parallel_loop3A_164 = arith.index_cast %parallel_loop3A_161 : i32 to index
        %parallel_loop3A_165 = arith.index_cast %parallel_loop3A_152 : i32 to index
        %parallel_loop3A_166 = tpu.vector_load %arg8[%parallel_loop3A_162, %parallel_loop3A_163, %parallel_loop3A_164, %parallel_loop3A_165] {strides = array<i32>} : memref<4x4x8x128xf32, #tpu.memory_space<vmem>>, vector<16xf32>,
        tpu.vector_store %arg8[%parallel_loop3A_162, %parallel_loop3A_163, %parallel_loop3A_164, %parallel_loop3A_165], %parallel_loop3A_159 {strides = array<i32>} : memref<4x4x8x128xf32, #tpu.memory_space<vmem>>, vector<16xf32>,
        %parallel_loop3A_167 = arith.constant 1 : i32
        %parallel_loop3A_168 = vector.broadcast %parallel_loop3A_167 : i32 to vector<16xi32>
        %parallel_loop3A_169 = tpu.vector_load_idx %arg6[%parallel_loop3A_156, %parallel_loop3A_168] : memref<512x32xf32, #tpu.memory_space<vmem>>[vector<16xi32>, vector<16xi32>], vector<16xf32>,
        %parallel_loop3A_170 = arith.constant 0 : i32
        %parallel_loop3A_171 = arith.constant 1 : i32
        %parallel_loop3A_172 = arith.index_cast %parallel_loop3A_170 : i32 to index
        %parallel_loop3A_173 = arith.index_cast %parallel_loop3A_134 : i32 to index
        %parallel_loop3A_174 = arith.index_cast %parallel_loop3A_171 : i32 to index
        %parallel_loop3A_175 = arith.index_cast %parallel_loop3A_152 : i32 to index
        %parallel_loop3A_176 = tpu.vector_load %arg8[%parallel_loop3A_172, %parallel_loop3A_173, %parallel_loop3A_174, %parallel_loop3A_175] {strides = array<i32>} : memref<4x4x8x128xf32, #tpu.memory_space<vmem>>, vector<16xf32>,
        tpu.vector_store %arg8[%parallel_loop3A_172, %parallel_loop3A_173, %parallel_loop3A_174, %parallel_loop3A_175], %parallel_loop3A_169 {strides = array<i32>} : memref<4x4x8x128xf32, #tpu.memory_space<vmem>>, vector<16xf32>,
        %parallel_loop3A_177 = arith.constant 2 : i32
        %parallel_loop3A_178 = vector.broadcast %parallel_loop3A_177 : i32 to vector<16xi32>
        %parallel_loop3A_179 = tpu.vector_load_idx %arg6[%parallel_loop3A_156, %parallel_loop3A_178] : memref<512x32xf32, #tpu.memory_space<vmem>>[vector<16xi32>, vector<16xi32>], vector<16xf32>,
        %parallel_loop3A_180 = arith.constant 0 : i32
        %parallel_loop3A_181 = arith.constant 2 : i32
        %parallel_loop3A_182 = arith.index_cast %parallel_loop3A_180 : i32 to index
        %parallel_loop3A_183 = arith.index_cast %parallel_loop3A_134 : i32 to index
        %parallel_loop3A_184 = arith.index_cast %parallel_loop3A_181 : i32 to index
        %parallel_loop3A_185 = arith.index_cast %parallel_loop3A_152 : i32 to index
        %parallel_loop3A_186 = tpu.vector_load %arg8[%parallel_loop3A_182, %parallel_loop3A_183, %parallel_loop3A_184, %parallel_loop3A_185] {strides = array<i32>} : memref<4x4x8x128xf32, #tpu.memory_space<vmem>>, vector<16xf32>,
        tpu.vector_store %arg8[%parallel_loop3A_182, %parallel_loop3A_183, %parallel_loop3A_184, %parallel_loop3A_185], %parallel_loop3A_179 {strides = array<i32>} : memref<4x4x8x128xf32, #tpu.memory_space<vmem>>, vector<16xf32>,
        %parallel_loop3A_187 = arith.constant 3 : i32
        %parallel_loop3A_188 = vector.broadcast %parallel_loop3A_187 : i32 to vector<16xi32>
        %parallel_loop3A_189 = tpu.vector_load_idx %arg6[%parallel_loop3A_156, %parallel_loop3A_188] : memref<512x32xf32, #tpu.memory_space<vmem>>[vector<16xi32>, vector<16xi32>], vector<16xf32>,
        %parallel_loop3A_190 = arith.constant 0 : i32
        %parallel_loop3A_191 = arith.constant 3 : i32
        %parallel_loop3A_192 = arith.index_cast %parallel_loop3A_190 : i32 to index
        %parallel_loop3A_193 = arith.index_cast %parallel_loop3A_134 : i32 to index
        %parallel_loop3A_194 = arith.index_cast %parallel_loop3A_191 : i32 to index
        %parallel_loop3A_195 = arith.index_cast %parallel_loop3A_152 : i32 to index
        %parallel_loop3A_196 = tpu.vector_load %arg8[%parallel_loop3A_192, %parallel_loop3A_193, %parallel_loop3A_194, %parallel_loop3A_195] {strides = array<i32>} : memref<4x4x8x128xf32, #tpu.memory_space<vmem>>, vector<16xf32>,
        tpu.vector_store %arg8[%parallel_loop3A_192, %parallel_loop3A_193, %parallel_loop3A_194, %parallel_loop3A_195], %parallel_loop3A_189 {strides = array<i32>} : memref<4x4x8x128xf32, #tpu.memory_space<vmem>>, vector<16xf32>,
        %parallel_loop3A_197 = arith.constant 4 : i32
        %parallel_loop3A_198 = vector.broadcast %parallel_loop3A_197 : i32 to vector<16xi32>
        %parallel_loop3A_199 = tpu.vector_load_idx %arg6[%parallel_loop3A_156, %parallel_loop3A_198] : memref<512x32xf32, #tpu.memory_space<vmem>>[vector<16xi32>, vector<16xi32>], vector<16xf32>,
        %parallel_loop3A_200 = arith.constant 0 : i32
        %parallel_loop3A_201 = arith.constant 4 : i32
        %parallel_loop3A_202 = arith.index_cast %parallel_loop3A_200 : i32 to index
        %parallel_loop3A_203 = arith.index_cast %parallel_loop3A_134 : i32 to index
        %parallel_loop3A_204 = arith.index_cast %parallel_loop3A_201 : i32 to index
        %parallel_loop3A_205 = arith.index_cast %parallel_loop3A_152 : i32 to index
        %parallel_loop3A_206 = tpu.vector_load %arg8[%parallel_loop3A_202, %parallel_loop3A_203, %parallel_loop3A_204, %parallel_loop3A_205] {strides = array<i32>} : memref<4x4x8x128xf32, #tpu.memory_space<vmem>>, vector<16xf32>,
        tpu.vector_store %arg8[%parallel_loop3A_202, %parallel_loop3A_203, %parallel_loop3A_204, %parallel_loop3A_205], %parallel_loop3A_199 {strides = array<i32>} : memref<4x4x8x128xf32, #tpu.memory_space<vmem>>, vector<16xf32>,
        %parallel_loop3A_207 = arith.constant 5 : i32
        %parallel_loop3A_208 = vector.broadcast %parallel_loop3A_207 : i32 to vector<16xi32>
        %parallel_loop3A_209 = tpu.vector_load_idx %arg6[%parallel_loop3A_156, %parallel_loop3A_208] : memref<512x32xf32, #tpu.memory_space<vmem>>[vector<16xi32>, vector<16xi32>], vector<16xf32>,
        %parallel_loop3A_210 = arith.constant 0 : i32
        %parallel_loop3A_211 = arith.constant 5 : i32
        %parallel_loop3A_212 = arith.index_cast %parallel_loop3A_210 : i32 to index
        %parallel_loop3A_213 = arith.index_cast %parallel_loop3A_134 : i32 to index
        %parallel_loop3A_214 = arith.index_cast %parallel_loop3A_211 : i32 to index
        %parallel_loop3A_215 = arith.index_cast %parallel_loop3A_152 : i32 to index
        %parallel_loop3A_216 = tpu.vector_load %arg8[%parallel_loop3A_212, %parallel_loop3A_213, %parallel_loop3A_214, %parallel_loop3A_215] {strides = array<i32>} : memref<4x4x8x128xf32, #tpu.memory_space<vmem>>, vector<16xf32>,
        tpu.vector_store %arg8[%parallel_loop3A_212, %parallel_loop3A_213, %parallel_loop3A_214, %parallel_loop3A_215], %parallel_loop3A_209 {strides = array<i32>} : memref<4x4x8x128xf32, #tpu.memory_space<vmem>>, vector<16xf32>,
        %parallel_loop3A_217 = arith.constant 6 : i32
        %parallel_loop3A_218 = vector.broadcast %parallel_loop3A_217 : i32 to vector<16xi32>
        %parallel_loop3A_219 = tpu.vector_load_idx %arg6[%parallel_loop3A_156, %parallel_loop3A_218] : memref<512x32xf32, #tpu.memory_space<vmem>>[vector<16xi32>, vector<16xi32>], vector<16xf32>,
        %parallel_loop3A_220 = arith.constant 0 : i32
        %parallel_loop3A_221 = arith.constant 6 : i32
        %parallel_loop3A_222 = arith.index_cast %parallel_loop3A_220 : i32 to index
        %parallel_loop3A_223 = arith.index_cast %parallel_loop3A_134 : i32 to index
        %parallel_loop3A_224 = arith.index_cast %parallel_loop3A_221 : i32 to index
        %parallel_loop3A_225 = arith.index_cast %parallel_loop3A_152 : i32 to index
        %parallel_loop3A_226 = tpu.vector_load %arg8[%parallel_loop3A_222, %parallel_loop3A_223, %parallel_loop3A_224, %parallel_loop3A_225] {strides = array<i32>} : memref<4x4x8x128xf32, #tpu.memory_space<vmem>>, vector<16xf32>,
        tpu.vector_store %arg8[%parallel_loop3A_222, %parallel_loop3A_223, %parallel_loop3A_224, %parallel_loop3A_225], %parallel_loop3A_219 {strides = array<i32>} : memref<4x4x8x128xf32, #tpu.memory_space<vmem>>, vector<16xf32>,
        %parallel_loop3A_227 = arith.constant 7 : i32
        %parallel_loop3A_228 = vector.broadcast %parallel_loop3A_227 : i32 to vector<16xi32>
        %parallel_loop3A_229 = tpu.vector_load_idx %arg6[%parallel_loop3A_156, %parallel_loop3A_228] : memref<512x32xf32, #tpu.memory_space<vmem>>[vector<16xi32>, vector<16xi32>], vector<16xf32>,
        %parallel_loop3A_230 = arith.constant 0 : i32
        %parallel_loop3A_231 = arith.constant 7 : i32
        %parallel_loop3A_232 = arith.index_cast %parallel_loop3A_230 : i32 to index
        %parallel_loop3A_233 = arith.index_cast %parallel_loop3A_134 : i32 to index
        %parallel_loop3A_234 = arith.index_cast %parallel_loop3A_231 : i32 to index
        %parallel_loop3A_235 = arith.index_cast %parallel_loop3A_152 : i32 to index
        %parallel_loop3A_236 = tpu.vector_load %arg8[%parallel_loop3A_232, %parallel_loop3A_233, %parallel_loop3A_234, %parallel_loop3A_235] {strides = array<i32>} : memref<4x4x8x128xf32, #tpu.memory_space<vmem>>, vector<16xf32>,
        tpu.vector_store %arg8[%parallel_loop3A_232, %parallel_loop3A_233, %parallel_loop3A_234, %parallel_loop3A_235], %parallel_loop3A_229 {strides = array<i32>} : memref<4x4x8x128xf32, #tpu.memory_space<vmem>>, vector<16xf32>,
        %parallel_loop3A_237 = arith.constant 8 : i32
        %parallel_loop3A_238 = vector.broadcast %parallel_loop3A_237 : i32 to vector<16xi32>
        %parallel_loop3A_239 = tpu.vector_load_idx %arg6[%parallel_loop3A_156, %parallel_loop3A_238] : memref<512x32xf32, #tpu.memory_space<vmem>>[vector<16xi32>, vector<16xi32>], vector<16xf32>,
        %parallel_loop3A_240 = arith.constant 1 : i32
        %parallel_loop3A_241 = arith.constant 0 : i32
        %parallel_loop3A_242 = arith.index_cast %parallel_loop3A_240 : i32 to index
        %parallel_loop3A_243 = arith.index_cast %parallel_loop3A_134 : i32 to index
        %parallel_loop3A_244 = arith.index_cast %parallel_loop3A_241 : i32 to index
        %parallel_loop3A_245 = arith.index_cast %parallel_loop3A_152 : i32 to index
        %parallel_loop3A_246 = tpu.vector_load %arg8[%parallel_loop3A_242, %parallel_loop3A_243, %parallel_loop3A_244, %parallel_loop3A_245] {strides = array<i32>} : memref<4x4x8x128xf32, #tpu.memory_space<vmem>>, vector<16xf32>,
        tpu.vector_store %arg8[%parallel_loop3A_242, %parallel_loop3A_243, %parallel_loop3A_244, %parallel_loop3A_245], %parallel_loop3A_239 {strides = array<i32>} : memref<4x4x8x128xf32, #tpu.memory_space<vmem>>, vector<16xf32>,
        %parallel_loop3A_247 = arith.constant 9 : i32
        %parallel_loop3A_248 = vector.broadcast %parallel_loop3A_247 : i32 to vector<16xi32>
        %parallel_loop3A_249 = tpu.vector_load_idx %arg6[%parallel_loop3A_156, %parallel_loop3A_248] : memref<512x32xf32, #tpu.memory_space<vmem>>[vector<16xi32>, vector<16xi32>], vector<16xf32>,
        %parallel_loop3A_250 = arith.constant 1 : i32
        %parallel_loop3A_251 = arith.constant 1 : i32
        %parallel_loop3A_252 = arith.index_cast %parallel_loop3A_250 : i32 to index
        %parallel_loop3A_253 = arith.index_cast %parallel_loop3A_134 : i32 to index
        %parallel_loop3A_254 = arith.index_cast %parallel_loop3A_251 : i32 to index
        %parallel_loop3A_255 = arith.index_cast %parallel_loop3A_152 : i32 to index
        %parallel_loop3A_256 = tpu.vector_load %arg8[%parallel_loop3A_252, %parallel_loop3A_253, %parallel_loop3A_254, %parallel_loop3A_255] {strides = array<i32>} : memref<4x4x8x128xf32, #tpu.memory_space<vmem>>, vector<16xf32>,
        tpu.vector_store %arg8[%parallel_loop3A_252, %parallel_loop3A_253, %parallel_loop3A_254, %parallel_loop3A_255], %parallel_loop3A_249 {strides = array<i32>} : memref<4x4x8x128xf32, #tpu.memory_space<vmem>>, vector<16xf32>,
        %parallel_loop3A_257 = arith.constant 10 : i32
        %parallel_loop3A_258 = vector.broadcast %parallel_loop3A_257 : i32 to vector<16xi32>
        %parallel_loop3A_259 = tpu.vector_load_idx %arg6[%parallel_loop3A_156, %parallel_loop3A_258] : memref<512x32xf32, #tpu.memory_space<vmem>>[vector<16xi32>, vector<16xi32>], vector<16xf32>,
        %parallel_loop3A_260 = arith.constant 1 : i32
        %parallel_loop3A_261 = arith.constant 2 : i32
        %parallel_loop3A_262 = arith.index_cast %parallel_loop3A_260 : i32 to index
        %parallel_loop3A_263 = arith.index_cast %parallel_loop3A_134 : i32 to index
        %parallel_loop3A_264 = arith.index_cast %parallel_loop3A_261 : i32 to index
        %parallel_loop3A_265 = arith.index_cast %parallel_loop3A_152 : i32 to index
        %parallel_loop3A_266 = tpu.vector_load %arg8[%parallel_loop3A_262, %parallel_loop3A_263, %parallel_loop3A_264, %parallel_loop3A_265] {strides = array<i32>} : memref<4x4x8x128xf32, #tpu.memory_space<vmem>>, vector<16xf32>,
        tpu.vector_store %arg8[%parallel_loop3A_262, %parallel_loop3A_263, %parallel_loop3A_264, %parallel_loop3A_265], %parallel_loop3A_259 {strides = array<i32>} : memref<4x4x8x128xf32, #tpu.memory_space<vmem>>, vector<16xf32>,
        %parallel_loop3A_267 = arith.constant 11 : i32
        %parallel_loop3A_268 = vector.broadcast %parallel_loop3A_267 : i32 to vector<16xi32>
        %parallel_loop3A_269 = tpu.vector_load_idx %arg6[%parallel_loop3A_156, %parallel_loop3A_268] : memref<512x32xf32, #tpu.memory_space<vmem>>[vector<16xi32>, vector<16xi32>], vector<16xf32>,
        %parallel_loop3A_270 = arith.constant 1 : i32
        %parallel_loop3A_271 = arith.constant 3 : i32
        %parallel_loop3A_272 = arith.index_cast %parallel_loop3A_270 : i32 to index
        %parallel_loop3A_273 = arith.index_cast %parallel_loop3A_134 : i32 to index
        %parallel_loop3A_274 = arith.index_cast %parallel_loop3A_271 : i32 to index
        %parallel_loop3A_275 = arith.index_cast %parallel_loop3A_152 : i32 to index
        %parallel_loop3A_276 = tpu.vector_load %arg8[%parallel_loop3A_272, %parallel_loop3A_273, %parallel_loop3A_274, %parallel_loop3A_275] {strides = array<i32>} : memref<4x4x8x128xf32, #tpu.memory_space<vmem>>, vector<16xf32>,
        tpu.vector_store %arg8[%parallel_loop3A_272, %parallel_loop3A_273, %parallel_loop3A_274, %parallel_loop3A_275], %parallel_loop3A_269 {strides = array<i32>} : memref<4x4x8x128xf32, #tpu.memory_space<vmem>>, vector<16xf32>,
        %parallel_loop3A_277 = arith.constant 12 : i32
        %parallel_loop3A_278 = vector.broadcast %parallel_loop3A_277 : i32 to vector<16xi32>
        %parallel_loop3A_279 = tpu.vector_load_idx %arg6[%parallel_loop3A_156, %parallel_loop3A_278] : memref<512x32xf32, #tpu.memory_space<vmem>>[vector<16xi32>, vector<16xi32>], vector<16xf32>,
        %parallel_loop3A_280 = arith.constant 1 : i32
        %parallel_loop3A_281 = arith.constant 4 : i32
        %parallel_loop3A_282 = arith.index_cast %parallel_loop3A_280 : i32 to index
        %parallel_loop3A_283 = arith.index_cast %parallel_loop3A_134 : i32 to index
        %parallel_loop3A_284 = arith.index_cast %parallel_loop3A_281 : i32 to index
        %parallel_loop3A_285 = arith.index_cast %parallel_loop3A_152 : i32 to index
        %parallel_loop3A_286 = tpu.vector_load %arg8[%parallel_loop3A_282, %parallel_loop3A_283, %parallel_loop3A_284, %parallel_loop3A_285] {strides = array<i32>} : memref<4x4x8x128xf32, #tpu.memory_space<vmem>>, vector<16xf32>,
        tpu.vector_store %arg8[%parallel_loop3A_282, %parallel_loop3A_283, %parallel_loop3A_284, %parallel_loop3A_285], %parallel_loop3A_279 {strides = array<i32>} : memref<4x4x8x128xf32, #tpu.memory_space<vmem>>, vector<16xf32>,
        %parallel_loop3A_287 = arith.constant 13 : i32
        %parallel_loop3A_288 = vector.broadcast %parallel_loop3A_287 : i32 to vector<16xi32>
        %parallel_loop3A_289 = tpu.vector_load_idx %arg6[%parallel_loop3A_156, %parallel_loop3A_288] : memref<512x32xf32, #tpu.memory_space<vmem>>[vector<16xi32>, vector<16xi32>], vector<16xf32>,
        %parallel_loop3A_290 = arith.constant 1 : i32
        %parallel_loop3A_291 = arith.constant 5 : i32
        %parallel_loop3A_292 = arith.index_cast %parallel_loop3A_290 : i32 to index
        %parallel_loop3A_293 = arith.index_cast %parallel_loop3A_134 : i32 to index
        %parallel_loop3A_294 = arith.index_cast %parallel_loop3A_291 : i32 to index
        %parallel_loop3A_295 = arith.index_cast %parallel_loop3A_152 : i32 to index
        %parallel_loop3A_296 = tpu.vector_load %arg8[%parallel_loop3A_292, %parallel_loop3A_293, %parallel_loop3A_294, %parallel_loop3A_295] {strides = array<i32>} : memref<4x4x8x128xf32, #tpu.memory_space<vmem>>, vector<16xf32>,
        tpu.vector_store %arg8[%parallel_loop3A_292, %parallel_loop3A_293, %parallel_loop3A_294, %parallel_loop3A_295], %parallel_loop3A_289 {strides = array<i32>} : memref<4x4x8x128xf32, #tpu.memory_space<vmem>>, vector<16xf32>,
        %parallel_loop3A_297 = arith.constant 14 : i32
        %parallel_loop3A_298 = vector.broadcast %parallel_loop3A_297 : i32 to vector<16xi32>
        %parallel_loop3A_299 = tpu.vector_load_idx %arg6[%parallel_loop3A_156, %parallel_loop3A_298] : memref<512x32xf32, #tpu.memory_space<vmem>>[vector<16xi32>, vector<16xi32>], vector<16xf32>,
        %parallel_loop3A_300 = arith.constant 1 : i32
        %parallel_loop3A_301 = arith.constant 6 : i32
        %parallel_loop3A_302 = arith.index_cast %parallel_loop3A_300 : i32 to index
        %parallel_loop3A_303 = arith.index_cast %parallel_loop3A_134 : i32 to index
        %parallel_loop3A_304 = arith.index_cast %parallel_loop3A_301 : i32 to index
        %parallel_loop3A_305 = arith.index_cast %parallel_loop3A_152 : i32 to index
        %parallel_loop3A_306 = tpu.vector_load %arg8[%parallel_loop3A_302, %parallel_loop3A_303, %parallel_loop3A_304, %parallel_loop3A_305] {strides = array<i32>} : memref<4x4x8x128xf32, #tpu.memory_space<vmem>>, vector<16xf32>,
        tpu.vector_store %arg8[%parallel_loop3A_302, %parallel_loop3A_303, %parallel_loop3A_304, %parallel_loop3A_305], %parallel_loop3A_299 {strides = array<i32>} : memref<4x4x8x128xf32, #tpu.memory_space<vmem>>, vector<16xf32>,
        %parallel_loop3A_307 = arith.constant 15 : i32
        %parallel_loop3A_308 = vector.broadcast %parallel_loop3A_307 : i32 to vector<16xi32>
        %parallel_loop3A_309 = tpu.vector_load_idx %arg6[%parallel_loop3A_156, %parallel_loop3A_308] : memref<512x32xf32, #tpu.memory_space<vmem>>[vector<16xi32>, vector<16xi32>], vector<16xf32>,
        %parallel_loop3A_310 = arith.constant 1 : i32
        %parallel_loop3A_311 = arith.constant 7 : i32
        %parallel_loop3A_312 = arith.index_cast %parallel_loop3A_310 : i32 to index
        %parallel_loop3A_313 = arith.index_cast %parallel_loop3A_134 : i32 to index
        %parallel_loop3A_314 = arith.index_cast %parallel_loop3A_311 : i32 to index
        %parallel_loop3A_315 = arith.index_cast %parallel_loop3A_152 : i32 to index
        %parallel_loop3A_316 = tpu.vector_load %arg8[%parallel_loop3A_312, %parallel_loop3A_313, %parallel_loop3A_314, %parallel_loop3A_315] {strides = array<i32>} : memref<4x4x8x128xf32, #tpu.memory_space<vmem>>, vector<16xf32>,
        tpu.vector_store %arg8[%parallel_loop3A_312, %parallel_loop3A_313, %parallel_loop3A_314, %parallel_loop3A_315], %parallel_loop3A_309 {strides = array<i32>} : memref<4x4x8x128xf32, #tpu.memory_space<vmem>>, vector<16xf32>,
        %parallel_loop3A_317 = arith.constant 16 : i32
        %parallel_loop3A_318 = vector.broadcast %parallel_loop3A_317 : i32 to vector<16xi32>
        %parallel_loop3A_319 = tpu.vector_load_idx %arg6[%parallel_loop3A_156, %parallel_loop3A_318] : memref<512x32xf32, #tpu.memory_space<vmem>>[vector<16xi32>, vector<16xi32>], vector<16xf32>,
        %parallel_loop3A_320 = arith.constant 2 : i32
        %parallel_loop3A_321 = arith.constant 0 : i32
        %parallel_loop3A_322 = arith.index_cast %parallel_loop3A_320 : i32 to index
        %parallel_loop3A_323 = arith.index_cast %parallel_loop3A_134 : i32 to index
        %parallel_loop3A_324 = arith.index_cast %parallel_loop3A_321 : i32 to index
        %parallel_loop3A_325 = arith.index_cast %parallel_loop3A_152 : i32 to index
        %parallel_loop3A_326 = tpu.vector_load %arg8[%parallel_loop3A_322, %parallel_loop3A_323, %parallel_loop3A_324, %parallel_loop3A_325] {strides = array<i32>} : memref<4x4x8x128xf32, #tpu.memory_space<vmem>>, vector<16xf32>,
        tpu.vector_store %arg8[%parallel_loop3A_322, %parallel_loop3A_323, %parallel_loop3A_324, %parallel_loop3A_325], %parallel_loop3A_319 {strides = array<i32>} : memref<4x4x8x128xf32, #tpu.memory_space<vmem>>, vector<16xf32>,
        %parallel_loop3A_327 = arith.constant 17 : i32
        %parallel_loop3A_328 = vector.broadcast %parallel_loop3A_327 : i32 to vector<16xi32>
        %parallel_loop3A_329 = tpu.vector_load_idx %arg6[%parallel_loop3A_156, %parallel_loop3A_328] : memref<512x32xf32, #tpu.memory_space<vmem>>[vector<16xi32>, vector<16xi32>], vector<16xf32>,
        %parallel_loop3A_330 = arith.constant 2 : i32
        %parallel_loop3A_331 = arith.constant 1 : i32
        %parallel_loop3A_332 = arith.index_cast %parallel_loop3A_330 : i32 to index
        %parallel_loop3A_333 = arith.index_cast %parallel_loop3A_134 : i32 to index
        %parallel_loop3A_334 = arith.index_cast %parallel_loop3A_331 : i32 to index
        %parallel_loop3A_335 = arith.index_cast %parallel_loop3A_152 : i32 to index
        %parallel_loop3A_336 = tpu.vector_load %arg8[%parallel_loop3A_332, %parallel_loop3A_333, %parallel_loop3A_334, %parallel_loop3A_335] {strides = array<i32>} : memref<4x4x8x128xf32, #tpu.memory_space<vmem>>, vector<16xf32>,
        tpu.vector_store %arg8[%parallel_loop3A_332, %parallel_loop3A_333, %parallel_loop3A_334, %parallel_loop3A_335], %parallel_loop3A_329 {strides = array<i32>} : memref<4x4x8x128xf32, #tpu.memory_space<vmem>>, vector<16xf32>,
        %parallel_loop3A_337 = arith.constant 18 : i32
        %parallel_loop3A_338 = vector.broadcast %parallel_loop3A_337 : i32 to vector<16xi32>
        %parallel_loop3A_339 = tpu.vector_load_idx %arg6[%parallel_loop3A_156, %parallel_loop3A_338] : memref<512x32xf32, #tpu.memory_space<vmem>>[vector<16xi32>, vector<16xi32>], vector<16xf32>,
        %parallel_loop3A_340 = arith.constant 2 : i32
        %parallel_loop3A_341 = arith.constant 2 : i32
        %parallel_loop3A_342 = arith.index_cast %parallel_loop3A_340 : i32 to index
        %parallel_loop3A_343 = arith.index_cast %parallel_loop3A_134 : i32 to index
        %parallel_loop3A_344 = arith.index_cast %parallel_loop3A_341 : i32 to index
        %parallel_loop3A_345 = arith.index_cast %parallel_loop3A_152 : i32 to index
        %parallel_loop3A_346 = tpu.vector_load %arg8[%parallel_loop3A_342, %parallel_loop3A_343, %parallel_loop3A_344, %parallel_loop3A_345] {strides = array<i32>} : memref<4x4x8x128xf32, #tpu.memory_space<vmem>>, vector<16xf32>,
        tpu.vector_store %arg8[%parallel_loop3A_342, %parallel_loop3A_343, %parallel_loop3A_344, %parallel_loop3A_345], %parallel_loop3A_339 {strides = array<i32>} : memref<4x4x8x128xf32, #tpu.memory_space<vmem>>, vector<16xf32>,
        %parallel_loop3A_347 = arith.constant 19 : i32
        %parallel_loop3A_348 = vector.broadcast %parallel_loop3A_347 : i32 to vector<16xi32>
        %parallel_loop3A_349 = tpu.vector_load_idx %arg6[%parallel_loop3A_156, %parallel_loop3A_348] : memref<512x32xf32, #tpu.memory_space<vmem>>[vector<16xi32>, vector<16xi32>], vector<16xf32>,
        %parallel_loop3A_350 = arith.constant 2 : i32
        %parallel_loop3A_351 = arith.constant 3 : i32
        %parallel_loop3A_352 = arith.index_cast %parallel_loop3A_350 : i32 to index
        %parallel_loop3A_353 = arith.index_cast %parallel_loop3A_134 : i32 to index
        %parallel_loop3A_354 = arith.index_cast %parallel_loop3A_351 : i32 to index
        %parallel_loop3A_355 = arith.index_cast %parallel_loop3A_152 : i32 to index
        %parallel_loop3A_356 = tpu.vector_load %arg8[%parallel_loop3A_352, %parallel_loop3A_353, %parallel_loop3A_354, %parallel_loop3A_355] {strides = array<i32>} : memref<4x4x8x128xf32, #tpu.memory_space<vmem>>, vector<16xf32>,
        tpu.vector_store %arg8[%parallel_loop3A_352, %parallel_loop3A_353, %parallel_loop3A_354, %parallel_loop3A_355], %parallel_loop3A_349 {strides = array<i32>} : memref<4x4x8x128xf32, #tpu.memory_space<vmem>>, vector<16xf32>,
        %parallel_loop3A_357 = arith.constant 20 : i32
        %parallel_loop3A_358 = vector.broadcast %parallel_loop3A_357 : i32 to vector<16xi32>
        %parallel_loop3A_359 = tpu.vector_load_idx %arg6[%parallel_loop3A_156, %parallel_loop3A_358] : memref<512x32xf32, #tpu.memory_space<vmem>>[vector<16xi32>, vector<16xi32>], vector<16xf32>,
        %parallel_loop3A_360 = arith.constant 2 : i32
        %parallel_loop3A_361 = arith.constant 4 : i32
        %parallel_loop3A_362 = arith.index_cast %parallel_loop3A_360 : i32 to index
        %parallel_loop3A_363 = arith.index_cast %parallel_loop3A_134 : i32 to index
        %parallel_loop3A_364 = arith.index_cast %parallel_loop3A_361 : i32 to index
        %parallel_loop3A_365 = arith.index_cast %parallel_loop3A_152 : i32 to index
        %parallel_loop3A_366 = tpu.vector_load %arg8[%parallel_loop3A_362, %parallel_loop3A_363, %parallel_loop3A_364, %parallel_loop3A_365] {strides = array<i32>} : memref<4x4x8x128xf32, #tpu.memory_space<vmem>>, vector<16xf32>,
        tpu.vector_store %arg8[%parallel_loop3A_362, %parallel_loop3A_363, %parallel_loop3A_364, %parallel_loop3A_365], %parallel_loop3A_359 {strides = array<i32>} : memref<4x4x8x128xf32, #tpu.memory_space<vmem>>, vector<16xf32>,
        %parallel_loop3A_367 = arith.constant 21 : i32
        %parallel_loop3A_368 = vector.broadcast %parallel_loop3A_367 : i32 to vector<16xi32>
        %parallel_loop3A_369 = tpu.vector_load_idx %arg6[%parallel_loop3A_156, %parallel_loop3A_368] : memref<512x32xf32, #tpu.memory_space<vmem>>[vector<16xi32>, vector<16xi32>], vector<16xf32>,
        %parallel_loop3A_370 = arith.constant 2 : i32
        %parallel_loop3A_371 = arith.constant 5 : i32
        %parallel_loop3A_372 = arith.index_cast %parallel_loop3A_370 : i32 to index
        %parallel_loop3A_373 = arith.index_cast %parallel_loop3A_134 : i32 to index
        %parallel_loop3A_374 = arith.index_cast %parallel_loop3A_371 : i32 to index
        %parallel_loop3A_375 = arith.index_cast %parallel_loop3A_152 : i32 to index
        %parallel_loop3A_376 = tpu.vector_load %arg8[%parallel_loop3A_372, %parallel_loop3A_373, %parallel_loop3A_374, %parallel_loop3A_375] {strides = array<i32>} : memref<4x4x8x128xf32, #tpu.memory_space<vmem>>, vector<16xf32>,
        tpu.vector_store %arg8[%parallel_loop3A_372, %parallel_loop3A_373, %parallel_loop3A_374, %parallel_loop3A_375], %parallel_loop3A_369 {strides = array<i32>} : memref<4x4x8x128xf32, #tpu.memory_space<vmem>>, vector<16xf32>,
        %parallel_loop3A_377 = arith.constant 22 : i32
        %parallel_loop3A_378 = vector.broadcast %parallel_loop3A_377 : i32 to vector<16xi32>
        %parallel_loop3A_379 = tpu.vector_load_idx %arg6[%parallel_loop3A_156, %parallel_loop3A_378] : memref<512x32xf32, #tpu.memory_space<vmem>>[vector<16xi32>, vector<16xi32>], vector<16xf32>,
        %parallel_loop3A_380 = arith.constant 2 : i32
        %parallel_loop3A_381 = arith.constant 6 : i32
        %parallel_loop3A_382 = arith.index_cast %parallel_loop3A_380 : i32 to index
        %parallel_loop3A_383 = arith.index_cast %parallel_loop3A_134 : i32 to index
        %parallel_loop3A_384 = arith.index_cast %parallel_loop3A_381 : i32 to index
        %parallel_loop3A_385 = arith.index_cast %parallel_loop3A_152 : i32 to index
        %parallel_loop3A_386 = tpu.vector_load %arg8[%parallel_loop3A_382, %parallel_loop3A_383, %parallel_loop3A_384, %parallel_loop3A_385] {strides = array<i32>} : memref<4x4x8x128xf32, #tpu.memory_space<vmem>>, vector<16xf32>,
        tpu.vector_store %arg8[%parallel_loop3A_382, %parallel_loop3A_383, %parallel_loop3A_384, %parallel_loop3A_385], %parallel_loop3A_379 {strides = array<i32>} : memref<4x4x8x128xf32, #tpu.memory_space<vmem>>, vector<16xf32>,
        %parallel_loop3A_387 = arith.constant 23 : i32
        %parallel_loop3A_388 = vector.broadcast %parallel_loop3A_387 : i32 to vector<16xi32>
        %parallel_loop3A_389 = tpu.vector_load_idx %arg6[%parallel_loop3A_156, %parallel_loop3A_388] : memref<512x32xf32, #tpu.memory_space<vmem>>[vector<16xi32>, vector<16xi32>], vector<16xf32>,
        %parallel_loop3A_390 = arith.constant 2 : i32
        %parallel_loop3A_391 = arith.constant 7 : i32
        %parallel_loop3A_392 = arith.index_cast %parallel_loop3A_390 : i32 to index
        %parallel_loop3A_393 = arith.index_cast %parallel_loop3A_134 : i32 to index
        %parallel_loop3A_394 = arith.index_cast %parallel_loop3A_391 : i32 to index
        %parallel_loop3A_395 = arith.index_cast %parallel_loop3A_152 : i32 to index
        %parallel_loop3A_396 = tpu.vector_load %arg8[%parallel_loop3A_392, %parallel_loop3A_393, %parallel_loop3A_394, %parallel_loop3A_395] {strides = array<i32>} : memref<4x4x8x128xf32, #tpu.memory_space<vmem>>, vector<16xf32>,
        tpu.vector_store %arg8[%parallel_loop3A_392, %parallel_loop3A_393, %parallel_loop3A_394, %parallel_loop3A_395], %parallel_loop3A_389 {strides = array<i32>} : memref<4x4x8x128xf32, #tpu.memory_space<vmem>>, vector<16xf32>,
        %parallel_loop3A_397 = arith.constant 24 : i32
        %parallel_loop3A_398 = vector.broadcast %parallel_loop3A_397 : i32 to vector<16xi32>
        %parallel_loop3A_399 = tpu.vector_load_idx %arg6[%parallel_loop3A_156, %parallel_loop3A_398] : memref<512x32xf32, #tpu.memory_space<vmem>>[vector<16xi32>, vector<16xi32>], vector<16xf32>,
        %parallel_loop3A_400 = arith.constant 3 : i32
        %parallel_loop3A_401 = arith.constant 0 : i32
        %parallel_loop3A_402 = arith.index_cast %parallel_loop3A_400 : i32 to index
        %parallel_loop3A_403 = arith.index_cast %parallel_loop3A_134 : i32 to index
        %parallel_loop3A_404 = arith.index_cast %parallel_loop3A_401 : i32 to index
        %parallel_loop3A_405 = arith.index_cast %parallel_loop3A_152 : i32 to index
        %parallel_loop3A_406 = tpu.vector_load %arg8[%parallel_loop3A_402, %parallel_loop3A_403, %parallel_loop3A_404, %parallel_loop3A_405] {strides = array<i32>} : memref<4x4x8x128xf32, #tpu.memory_space<vmem>>, vector<16xf32>,
        tpu.vector_store %arg8[%parallel_loop3A_402, %parallel_loop3A_403, %parallel_loop3A_404, %parallel_loop3A_405], %parallel_loop3A_399 {strides = array<i32>} : memref<4x4x8x128xf32, #tpu.memory_space<vmem>>, vector<16xf32>,
        %parallel_loop3A_407 = arith.constant 25 : i32
        %parallel_loop3A_408 = vector.broadcast %parallel_loop3A_407 : i32 to vector<16xi32>
        %parallel_loop3A_409 = tpu.vector_load_idx %arg6[%parallel_loop3A_156, %parallel_loop3A_408] : memref<512x32xf32, #tpu.memory_space<vmem>>[vector<16xi32>, vector<16xi32>], vector<16xf32>,
        %parallel_loop3A_410 = arith.constant 3 : i32
        %parallel_loop3A_411 = arith.constant 1 : i32
        %parallel_loop3A_412 = arith.index_cast %parallel_loop3A_410 : i32 to index
        %parallel_loop3A_413 = arith.index_cast %parallel_loop3A_134 : i32 to index
        %parallel_loop3A_414 = arith.index_cast %parallel_loop3A_411 : i32 to index
        %parallel_loop3A_415 = arith.index_cast %parallel_loop3A_152 : i32 to index
        %parallel_loop3A_416 = tpu.vector_load %arg8[%parallel_loop3A_412, %parallel_loop3A_413, %parallel_loop3A_414, %parallel_loop3A_415] {strides = array<i32>} : memref<4x4x8x128xf32, #tpu.memory_space<vmem>>, vector<16xf32>,
        tpu.vector_store %arg8[%parallel_loop3A_412, %parallel_loop3A_413, %parallel_loop3A_414, %parallel_loop3A_415], %parallel_loop3A_409 {strides = array<i32>} : memref<4x4x8x128xf32, #tpu.memory_space<vmem>>, vector<16xf32>,
        %parallel_loop3A_417 = arith.constant 26 : i32
        %parallel_loop3A_418 = vector.broadcast %parallel_loop3A_417 : i32 to vector<16xi32>
        %parallel_loop3A_419 = tpu.vector_load_idx %arg6[%parallel_loop3A_156, %parallel_loop3A_418] : memref<512x32xf32, #tpu.memory_space<vmem>>[vector<16xi32>, vector<16xi32>], vector<16xf32>,
        %parallel_loop3A_420 = arith.constant 3 : i32
        %parallel_loop3A_421 = arith.constant 2 : i32
        %parallel_loop3A_422 = arith.index_cast %parallel_loop3A_420 : i32 to index
        %parallel_loop3A_423 = arith.index_cast %parallel_loop3A_134 : i32 to index
        %parallel_loop3A_424 = arith.index_cast %parallel_loop3A_421 : i32 to index
        %parallel_loop3A_425 = arith.index_cast %parallel_loop3A_152 : i32 to index
        %parallel_loop3A_426 = tpu.vector_load %arg8[%parallel_loop3A_422, %parallel_loop3A_423, %parallel_loop3A_424, %parallel_loop3A_425] {strides = array<i32>} : memref<4x4x8x128xf32, #tpu.memory_space<vmem>>, vector<16xf32>,
        tpu.vector_store %arg8[%parallel_loop3A_422, %parallel_loop3A_423, %parallel_loop3A_424, %parallel_loop3A_425], %parallel_loop3A_419 {strides = array<i32>} : memref<4x4x8x128xf32, #tpu.memory_space<vmem>>, vector<16xf32>,
        %parallel_loop3A_427 = arith.constant 27 : i32
        %parallel_loop3A_428 = vector.broadcast %parallel_loop3A_427 : i32 to vector<16xi32>
        %parallel_loop3A_429 = tpu.vector_load_idx %arg6[%parallel_loop3A_156, %parallel_loop3A_428] : memref<512x32xf32, #tpu.memory_space<vmem>>[vector<16xi32>, vector<16xi32>], vector<16xf32>,
        %parallel_loop3A_430 = arith.constant 3 : i32
        %parallel_loop3A_431 = arith.constant 3 : i32
        %parallel_loop3A_432 = arith.index_cast %parallel_loop3A_430 : i32 to index
        %parallel_loop3A_433 = arith.index_cast %parallel_loop3A_134 : i32 to index
        %parallel_loop3A_434 = arith.index_cast %parallel_loop3A_431 : i32 to index
        %parallel_loop3A_435 = arith.index_cast %parallel_loop3A_152 : i32 to index
        %parallel_loop3A_436 = tpu.vector_load %arg8[%parallel_loop3A_432, %parallel_loop3A_433, %parallel_loop3A_434, %parallel_loop3A_435] {strides = array<i32>} : memref<4x4x8x128xf32, #tpu.memory_space<vmem>>, vector<16xf32>,
        tpu.vector_store %arg8[%parallel_loop3A_432, %parallel_loop3A_433, %parallel_loop3A_434, %parallel_loop3A_435], %parallel_loop3A_429 {strides = array<i32>} : memref<4x4x8x128xf32, #tpu.memory_space<vmem>>, vector<16xf32>,
        %parallel_loop3A_437 = arith.constant 28 : i32
        %parallel_loop3A_438 = vector.broadcast %parallel_loop3A_437 : i32 to vector<16xi32>
        %parallel_loop3A_439 = tpu.vector_load_idx %arg6[%parallel_loop3A_156, %parallel_loop3A_438] : memref<512x32xf32, #tpu.memory_space<vmem>>[vector<16xi32>, vector<16xi32>], vector<16xf32>,
        %parallel_loop3A_440 = arith.constant 3 : i32
        %parallel_loop3A_441 = arith.constant 4 : i32
        %parallel_loop3A_442 = arith.index_cast %parallel_loop3A_440 : i32 to index
        %parallel_loop3A_443 = arith.index_cast %parallel_loop3A_134 : i32 to index
        %parallel_loop3A_444 = arith.index_cast %parallel_loop3A_441 : i32 to index
        %parallel_loop3A_445 = arith.index_cast %parallel_loop3A_152 : i32 to index
        %parallel_loop3A_446 = tpu.vector_load %arg8[%parallel_loop3A_442, %parallel_loop3A_443, %parallel_loop3A_444, %parallel_loop3A_445] {strides = array<i32>} : memref<4x4x8x128xf32, #tpu.memory_space<vmem>>, vector<16xf32>,
        tpu.vector_store %arg8[%parallel_loop3A_442, %parallel_loop3A_443, %parallel_loop3A_444, %parallel_loop3A_445], %parallel_loop3A_439 {strides = array<i32>} : memref<4x4x8x128xf32, #tpu.memory_space<vmem>>, vector<16xf32>,
        %parallel_loop3A_447 = arith.constant 29 : i32
        %parallel_loop3A_448 = vector.broadcast %parallel_loop3A_447 : i32 to vector<16xi32>
        %parallel_loop3A_449 = tpu.vector_load_idx %arg6[%parallel_loop3A_156, %parallel_loop3A_448] : memref<512x32xf32, #tpu.memory_space<vmem>>[vector<16xi32>, vector<16xi32>], vector<16xf32>,
        %parallel_loop3A_450 = arith.constant 3 : i32
        %parallel_loop3A_451 = arith.constant 5 : i32
        %parallel_loop3A_452 = arith.index_cast %parallel_loop3A_450 : i32 to index
        %parallel_loop3A_453 = arith.index_cast %parallel_loop3A_134 : i32 to index
        %parallel_loop3A_454 = arith.index_cast %parallel_loop3A_451 : i32 to index
        %parallel_loop3A_455 = arith.index_cast %parallel_loop3A_152 : i32 to index
        %parallel_loop3A_456 = tpu.vector_load %arg8[%parallel_loop3A_452, %parallel_loop3A_453, %parallel_loop3A_454, %parallel_loop3A_455] {strides = array<i32>} : memref<4x4x8x128xf32, #tpu.memory_space<vmem>>, vector<16xf32>,
        tpu.vector_store %arg8[%parallel_loop3A_452, %parallel_loop3A_453, %parallel_loop3A_454, %parallel_loop3A_455], %parallel_loop3A_449 {strides = array<i32>} : memref<4x4x8x128xf32, #tpu.memory_space<vmem>>, vector<16xf32>,
        %parallel_loop3A_457 = arith.constant 30 : i32
        %parallel_loop3A_458 = vector.broadcast %parallel_loop3A_457 : i32 to vector<16xi32>
        %parallel_loop3A_459 = tpu.vector_load_idx %arg6[%parallel_loop3A_156, %parallel_loop3A_458] : memref<512x32xf32, #tpu.memory_space<vmem>>[vector<16xi32>, vector<16xi32>], vector<16xf32>,
        %parallel_loop3A_460 = arith.constant 3 : i32
        %parallel_loop3A_461 = arith.constant 6 : i32
        %parallel_loop3A_462 = arith.index_cast %parallel_loop3A_460 : i32 to index
        %parallel_loop3A_463 = arith.index_cast %parallel_loop3A_134 : i32 to index
        %parallel_loop3A_464 = arith.index_cast %parallel_loop3A_461 : i32 to index
        %parallel_loop3A_465 = arith.index_cast %parallel_loop3A_152 : i32 to index
        %parallel_loop3A_466 = tpu.vector_load %arg8[%parallel_loop3A_462, %parallel_loop3A_463, %parallel_loop3A_464, %parallel_loop3A_465] {strides = array<i32>} : memref<4x4x8x128xf32, #tpu.memory_space<vmem>>, vector<16xf32>,
        tpu.vector_store %arg8[%parallel_loop3A_462, %parallel_loop3A_463, %parallel_loop3A_464, %parallel_loop3A_465], %parallel_loop3A_459 {strides = array<i32>} : memref<4x4x8x128xf32, #tpu.memory_space<vmem>>, vector<16xf32>,
        %parallel_loop3A_467 = arith.constant 31 : i32
        %parallel_loop3A_468 = vector.broadcast %parallel_loop3A_467 : i32 to vector<16xi32>
        %parallel_loop3A_469 = tpu.vector_load_idx %arg6[%parallel_loop3A_156, %parallel_loop3A_468] : memref<512x32xf32, #tpu.memory_space<vmem>>[vector<16xi32>, vector<16xi32>], vector<16xf32>,
        %parallel_loop3A_470 = arith.constant 3 : i32
        %parallel_loop3A_471 = arith.constant 7 : i32
        %parallel_loop3A_472 = arith.index_cast %parallel_loop3A_470 : i32 to index
        %parallel_loop3A_473 = arith.index_cast %parallel_loop3A_134 : i32 to index
        %parallel_loop3A_474 = arith.index_cast %parallel_loop3A_471 : i32 to index
        %parallel_loop3A_475 = arith.index_cast %parallel_loop3A_152 : i32 to index
        %parallel_loop3A_476 = tpu.vector_load %arg8[%parallel_loop3A_472, %parallel_loop3A_473, %parallel_loop3A_474, %parallel_loop3A_475] {strides = array<i32>} : memref<4x4x8x128xf32, #tpu.memory_space<vmem>>, vector<16xf32>,
        tpu.vector_store %arg8[%parallel_loop3A_472, %parallel_loop3A_473, %parallel_loop3A_474, %parallel_loop3A_475], %parallel_loop3A_469 {strides = array<i32>} : memref<4x4x8x128xf32, #tpu.memory_space<vmem>>, vector<16xf32>,
      } {sc.loop_unroll_factor = 2 : i64, sc.parallel_access}
      %add3A_60 = arith.constant 2 : i32
      %add3A_61 = arith.addi %add3A_49, %add3A_60 : i32
      %lt3A = arith.constant 50 : i32
      %lt3A_62 = arith.cmpi slt, %add3A_61, %lt3A : i32
      %convert_element_type3A_63 = arith.extui %lt3A_62 : i1 to i32
      %cond3A_64 = arith.constant 0 : i32
      %cond3A_65 = arith.cmpi ne, %convert_element_type3A_63, %cond3A_64 : i32
      scf.if %cond3A_65 {
        %add3A_110 = arith.constant 2 : i32
        %add3A_111 = arith.addi %add3A_49, %add3A_110 : i32
        %dma_start3A_112 = arith.constant 0 : i32
        %dma_start3A_113 = tpu.memref_slice %arg5[%add3A_111, %dma_start3A_112] : memref<50x512xi32, #tpu.memory_space<vmem>> -> memref<1x512xi32, #tpu.memory_space<vmem>>
        %dma_start3A_114 = tpu.memref_squeeze %dma_start3A_113 : memref<1x512xi32, #tpu.memory_space<vmem>> -> memref<512xi32, #tpu.memory_space<vmem>>
        %dma_start3A_115 = arith.constant 0 : i32
        %dma_start3A_116 = arith.constant 0 : i32
        %dma_start3A_117 = tpu.memref_slice %arg3[%dma_start3A_115, %dma_start3A_116] : memref<1000000x32xf32, #tpu.memory_space<hbm>> -> memref<1000000x32xf32, #tpu.memory_space<hbm>>
        tpu.enqueue_indirect_dma source(%dma_start3A_117 : memref<1000000x32xf32, #tpu.memory_space<hbm>>) target(%arg6 : memref<512x32xf32, #tpu.memory_space<vmem>>) offsets(%dma_start3A_114 : memref<512xi32, #tpu.memory_space<vmem>>) semaphore(%arg10 : memref<!tpu.dma_semaphore, #tpu.memory_space<semaphore_mem>>)
      } else {
      }
      %dma_start3A_66 = arith.constant 0 : i32
      %dma_start3A_67 = arith.constant 0 : i32
      %dma_start3A_68 = arith.constant 0 : i32
      %dma_start3A_69 = tpu.memref_slice %arg4[%add3A_49, %dma_start3A_66, %mul3A_4, %dma_start3A_67, %dma_start3A_68] : memref<50x4x128x8x128xf32, #tpu.memory_space<hbm>> -> memref<1x4x4x8x128xf32, #tpu.memory_space<hbm>>
      %dma_start3A_70 = tpu.memref_squeeze %dma_start3A_69 : memref<1x4x4x8x128xf32, #tpu.memory_space<hbm>> -> memref<4x4x8x128xf32, #tpu.memory_space<hbm>>
      %dma_start3A_71 = arith.constant 0 : i32
      %dma_start3A_72 = arith.constant 0 : i32
      %dma_start3A_73 = arith.constant 0 : i32
      %dma_start3A_74 = tpu.memref_slice %arg4[%add3A_49, %dma_start3A_71, %mul3A_4, %dma_start3A_72, %dma_start3A_73] : memref<50x4x128x8x128xf32, #tpu.memory_space<hbm>> -> memref<1x4x4x8x128xf32, #tpu.memory_space<hbm>>
      %dma_start3A_75 = tpu.memref_squeeze %dma_start3A_74 : memref<1x4x4x8x128xf32, #tpu.memory_space<hbm>> -> memref<4x4x8x128xf32, #tpu.memory_space<hbm>>
      tpu.enqueue_dma source(%arg8 : memref<4x4x8x128xf32, #tpu.memory_space<vmem>>) target(%dma_start3A_75 : memref<4x4x8x128xf32, #tpu.memory_space<hbm>>) target_semaphore(%arg12 : memref<!tpu.dma_semaphore, #tpu.memory_space<semaphore_mem>>)
      %add3A_76 = arith.constant 1 : i32
      %add3A_77 = arith.addi %add3A_47, %add3A_76 : i32
      %dma_wait3A_78 = arith.constant 0 : i32
      %dma_wait3A_79 = tpu.memref_slice %arg5[%add3A_77, %dma_wait3A_78] : memref<50x512xi32, #tpu.memory_space<vmem>> -> memref<1x512xi32, #tpu.memory_space<vmem>>
      %dma_wait3A_80 = tpu.memref_squeeze %dma_wait3A_79 : memref<1x512xi32, #tpu.memory_space<vmem>> -> memref<512xi32, #tpu.memory_space<vmem>>
      %dma_wait3A_81 = arith.constant 0 : i32
      %dma_wait3A_82 = arith.constant 0 : i32
      %dma_wait3A_83 = tpu.memref_slice %arg3[%dma_wait3A_81, %dma_wait3A_82] : memref<1000000x32xf32, #tpu.memory_space<hbm>> -> memref<1000000x32xf32, #tpu.memory_space<hbm>>
      tpu.wait_indirect_dma semaphore(%arg11 : memref<!tpu.dma_semaphore, #tpu.memory_space<semaphore_mem>>) src(%dma_wait3A_83 : memref<1000000x32xf32, #tpu.memory_space<hbm>>) dst(%arg7 : memref<512x32xf32, #tpu.memory_space<vmem>>)
      %ge3A_84 = arith.constant 2 : i32
      %ge3A_85 = arith.cmpi sge, %add3A_77, %ge3A_84 : i32
      %convert_element_type3A_86 = arith.extui %ge3A_85 : i1 to i32
      %cond3A_87 = arith.constant 0 : i32
      %cond3A_88 = arith.cmpi ne, %convert_element_type3A_86, %cond3A_87 : i32
      scf.if %cond3A_88 {
        %sub3A = arith.constant 2 : i32
        %sub3A_110 = arith.subi %add3A_77, %sub3A : i32
        %dma_wait3A_111 = arith.constant 0 : i32
        %dma_wait3A_112 = arith.constant 0 : i32
        %dma_wait3A_113 = arith.constant 0 : i32
        %dma_wait3A_114 = tpu.memref_slice %arg4[%sub3A_110, %dma_wait3A_111, %mul3A_4, %dma_wait3A_112, %dma_wait3A_113] : memref<50x4x128x8x128xf32, #tpu.memory_space<hbm>> -> memref<1x4x4x8x128xf32, #tpu.memory_space<hbm>>
        %dma_wait3A_115 = tpu.memref_squeeze %dma_wait3A_114 : memref<1x4x4x8x128xf32, #tpu.memory_space<hbm>> -> memref<4x4x8x128xf32, #tpu.memory_space<hbm>>
        %dma_wait3A_116 = arith.constant 0 : i32
        %dma_wait3A_117 = arith.constant 0 : i32
        %dma_wait3A_118 = arith.constant 0 : i32
        %dma_wait3A_119 = tpu.memref_slice %arg4[%sub3A_110, %dma_wait3A_116, %mul3A_4, %dma_wait3A_117, %dma_wait3A_118] : memref<50x4x128x8x128xf32, #tpu.memory_space<hbm>> -> memref<1x4x4x8x128xf32, #tpu.memory_space<hbm>>
        %dma_wait3A_120 = tpu.memref_squeeze %dma_wait3A_119 : memref<1x4x4x8x128xf32, #tpu.memory_space<hbm>> -> memref<4x4x8x128xf32, #tpu.memory_space<hbm>>
        tpu.wait_dma2 semaphore(%arg13 : memref<!tpu.dma_semaphore, #tpu.memory_space<semaphore_mem>>) src(%arg9 : memref<4x4x8x128xf32, #tpu.memory_space<vmem>>) dst(%dma_wait3A_120 : memref<4x4x8x128xf32, #tpu.memory_space<hbm>>)
      } else {
      }
      %iota3A_89 = tpu.iota {dimensions = array<i32: 0>} : vector<16xi32>
      %parallel_loop3A_90 = arith.constant 0 : i32
      %parallel_loop3A_91 = arith.constant 32 : i32
      %parallel_loop3A_92 = arith.constant 1 : i32
      scf.for %parallel_loop3A_110 = %parallel_loop3A_90 to %parallel_loop3A_91 step %parallel_loop3A_92  : i32 {
        %parallel_loop3A_111 = arith.constant 8 : i32
        %parallel_loop3A_112 = arith.divsi %parallel_loop3A_110, %parallel_loop3A_111 : i32
        %parallel_loop3A_113 = arith.constant 0 : i32
        %parallel_loop3A_114 = arith.cmpi sgt, %parallel_loop3A_110, %parallel_loop3A_113 : i32
        %parallel_loop3A_115 = arith.extui %parallel_loop3A_114 : i1 to i32
        %parallel_loop3A_116 = arith.constant 0 : i32
        %parallel_loop3A_117 = arith.cmpi slt, %parallel_loop3A_110, %parallel_loop3A_116 : i32
        %parallel_loop3A_118 = arith.extui %parallel_loop3A_117 : i1 to i32
        %parallel_loop3A_119 = arith.subi %parallel_loop3A_115, %parallel_loop3A_118 : i32
        %parallel_loop3A_120 = arith.constant 0 : i32
        %parallel_loop3A_121 = arith.cmpi sgt, %parallel_loop3A_111, %parallel_loop3A_120 : i32
        %parallel_loop3A_122 = arith.extui %parallel_loop3A_121 : i1 to i32
        %parallel_loop3A_123 = arith.constant 0 : i32
        %parallel_loop3A_124 = arith.cmpi slt, %parallel_loop3A_111, %parallel_loop3A_123 : i32
        %parallel_loop3A_125 = arith.extui %parallel_loop3A_124 : i1 to i32
        %parallel_loop3A_126 = arith.subi %parallel_loop3A_122, %parallel_loop3A_125 : i32
        %parallel_loop3A_127 = arith.cmpi ne, %parallel_loop3A_119, %parallel_loop3A_126 : i32
        %parallel_loop3A_128 = arith.remsi %parallel_loop3A_110, %parallel_loop3A_111 : i32
        %parallel_loop3A_129 = arith.constant 0 : i32
        %parallel_loop3A_130 = arith.cmpi ne, %parallel_loop3A_128, %parallel_loop3A_129 : i32
        %parallel_loop3A_131 = arith.andi %parallel_loop3A_127, %parallel_loop3A_130 : i1
        %parallel_loop3A_132 = arith.constant 1 : i32
        %parallel_loop3A_133 = arith.subi %parallel_loop3A_112, %parallel_loop3A_132 : i32
        %parallel_loop3A_134 = arith.select %parallel_loop3A_131, %parallel_loop3A_133, %parallel_loop3A_112 : i32
        %parallel_loop3A_135 = arith.constant 8 : i32
        %parallel_loop3A_136 = arith.constant 0 : i32
        %parallel_loop3A_137 = arith.cmpi eq, %parallel_loop3A_135, %parallel_loop3A_136 : i32
        %parallel_loop3A_138 = arith.constant 1 : i32
        %parallel_loop3A_139 = arith.select %parallel_loop3A_137, %parallel_loop3A_138, %parallel_loop3A_135 : i32
        %parallel_loop3A_140 = arith.remsi %parallel_loop3A_110, %parallel_loop3A_139 : i32
        %parallel_loop3A_141 = arith.constant 0 : i32
        %parallel_loop3A_142 = arith.cmpi ne, %parallel_loop3A_140, %parallel_loop3A_141 : i32
        %parallel_loop3A_143 = arith.constant 0 : i32
        %parallel_loop3A_144 = arith.cmpi slt, %parallel_loop3A_140, %parallel_loop3A_143 : i32
        %parallel_loop3A_145 = arith.constant 0 : i32
        %parallel_loop3A_146 = arith.cmpi slt, %parallel_loop3A_139, %parallel_loop3A_145 : i32
        %parallel_loop3A_147 = arith.xori %parallel_loop3A_144, %parallel_loop3A_146 : i1
        %parallel_loop3A_148 = arith.andi %parallel_loop3A_147, %parallel_loop3A_142 : i1
        %parallel_loop3A_149 = arith.addi %parallel_loop3A_140, %parallel_loop3A_139 : i32
        %parallel_loop3A_150 = arith.select %parallel_loop3A_148, %parallel_loop3A_149, %parallel_loop3A_140 : i32
        %parallel_loop3A_151 = arith.constant 16 : i32
        %parallel_loop3A_152 = arith.muli %parallel_loop3A_150, %parallel_loop3A_151 : i32
        %parallel_loop3A_153 = arith.constant 16 : i32
        %parallel_loop3A_154 = arith.muli %parallel_loop3A_110, %parallel_loop3A_153 : i32
        %parallel_loop3A_155 = vector.broadcast %parallel_loop3A_154 : i32 to vector<16xi32>
        %parallel_loop3A_156 = arith.addi %parallel_loop3A_155, %iota3A_89 : vector<16xi32>
        %parallel_loop3A_157 = arith.constant 0 : i32
        %parallel_loop3A_158 = vector.broadcast %parallel_loop3A_157 : i32 to vector<16xi32>
        %parallel_loop3A_159 = tpu.vector_load_idx %arg7[%parallel_loop3A_156, %parallel_loop3A_158] : memref<512x32xf32, #tpu.memory_space<vmem>>[vector<16xi32>, vector<16xi32>], vector<16xf32>,
        %parallel_loop3A_160 = arith.constant 0 : i32
        %parallel_loop3A_161 = arith.constant 0 : i32
        %parallel_loop3A_162 = arith.index_cast %parallel_loop3A_160 : i32 to index
        %parallel_loop3A_163 = arith.index_cast %parallel_loop3A_134 : i32 to index
        %parallel_loop3A_164 = arith.index_cast %parallel_loop3A_161 : i32 to index
        %parallel_loop3A_165 = arith.index_cast %parallel_loop3A_152 : i32 to index
        %parallel_loop3A_166 = tpu.vector_load %arg9[%parallel_loop3A_162, %parallel_loop3A_163, %parallel_loop3A_164, %parallel_loop3A_165] {strides = array<i32>} : memref<4x4x8x128xf32, #tpu.memory_space<vmem>>, vector<16xf32>,
        tpu.vector_store %arg9[%parallel_loop3A_162, %parallel_loop3A_163, %parallel_loop3A_164, %parallel_loop3A_165], %parallel_loop3A_159 {strides = array<i32>} : memref<4x4x8x128xf32, #tpu.memory_space<vmem>>, vector<16xf32>,
        %parallel_loop3A_167 = arith.constant 1 : i32
        %parallel_loop3A_168 = vector.broadcast %parallel_loop3A_167 : i32 to vector<16xi32>
        %parallel_loop3A_169 = tpu.vector_load_idx %arg7[%parallel_loop3A_156, %parallel_loop3A_168] : memref<512x32xf32, #tpu.memory_space<vmem>>[vector<16xi32>, vector<16xi32>], vector<16xf32>,
        %parallel_loop3A_170 = arith.constant 0 : i32
        %parallel_loop3A_171 = arith.constant 1 : i32
        %parallel_loop3A_172 = arith.index_cast %parallel_loop3A_170 : i32 to index
        %parallel_loop3A_173 = arith.index_cast %parallel_loop3A_134 : i32 to index
        %parallel_loop3A_174 = arith.index_cast %parallel_loop3A_171 : i32 to index
        %parallel_loop3A_175 = arith.index_cast %parallel_loop3A_152 : i32 to index
        %parallel_loop3A_176 = tpu.vector_load %arg9[%parallel_loop3A_172, %parallel_loop3A_173, %parallel_loop3A_174, %parallel_loop3A_175] {strides = array<i32>} : memref<4x4x8x128xf32, #tpu.memory_space<vmem>>, vector<16xf32>,
        tpu.vector_store %arg9[%parallel_loop3A_172, %parallel_loop3A_173, %parallel_loop3A_174, %parallel_loop3A_175], %parallel_loop3A_169 {strides = array<i32>} : memref<4x4x8x128xf32, #tpu.memory_space<vmem>>, vector<16xf32>,
        %parallel_loop3A_177 = arith.constant 2 : i32
        %parallel_loop3A_178 = vector.broadcast %parallel_loop3A_177 : i32 to vector<16xi32>
        %parallel_loop3A_179 = tpu.vector_load_idx %arg7[%parallel_loop3A_156, %parallel_loop3A_178] : memref<512x32xf32, #tpu.memory_space<vmem>>[vector<16xi32>, vector<16xi32>], vector<16xf32>,
        %parallel_loop3A_180 = arith.constant 0 : i32
        %parallel_loop3A_181 = arith.constant 2 : i32
        %parallel_loop3A_182 = arith.index_cast %parallel_loop3A_180 : i32 to index
        %parallel_loop3A_183 = arith.index_cast %parallel_loop3A_134 : i32 to index
        %parallel_loop3A_184 = arith.index_cast %parallel_loop3A_181 : i32 to index
        %parallel_loop3A_185 = arith.index_cast %parallel_loop3A_152 : i32 to index
        %parallel_loop3A_186 = tpu.vector_load %arg9[%parallel_loop3A_182, %parallel_loop3A_183, %parallel_loop3A_184, %parallel_loop3A_185] {strides = array<i32>} : memref<4x4x8x128xf32, #tpu.memory_space<vmem>>, vector<16xf32>,
        tpu.vector_store %arg9[%parallel_loop3A_182, %parallel_loop3A_183, %parallel_loop3A_184, %parallel_loop3A_185], %parallel_loop3A_179 {strides = array<i32>} : memref<4x4x8x128xf32, #tpu.memory_space<vmem>>, vector<16xf32>,
        %parallel_loop3A_187 = arith.constant 3 : i32
        %parallel_loop3A_188 = vector.broadcast %parallel_loop3A_187 : i32 to vector<16xi32>
        %parallel_loop3A_189 = tpu.vector_load_idx %arg7[%parallel_loop3A_156, %parallel_loop3A_188] : memref<512x32xf32, #tpu.memory_space<vmem>>[vector<16xi32>, vector<16xi32>], vector<16xf32>,
        %parallel_loop3A_190 = arith.constant 0 : i32
        %parallel_loop3A_191 = arith.constant 3 : i32
        %parallel_loop3A_192 = arith.index_cast %parallel_loop3A_190 : i32 to index
        %parallel_loop3A_193 = arith.index_cast %parallel_loop3A_134 : i32 to index
        %parallel_loop3A_194 = arith.index_cast %parallel_loop3A_191 : i32 to index
        %parallel_loop3A_195 = arith.index_cast %parallel_loop3A_152 : i32 to index
        %parallel_loop3A_196 = tpu.vector_load %arg9[%parallel_loop3A_192, %parallel_loop3A_193, %parallel_loop3A_194, %parallel_loop3A_195] {strides = array<i32>} : memref<4x4x8x128xf32, #tpu.memory_space<vmem>>, vector<16xf32>,
        tpu.vector_store %arg9[%parallel_loop3A_192, %parallel_loop3A_193, %parallel_loop3A_194, %parallel_loop3A_195], %parallel_loop3A_189 {strides = array<i32>} : memref<4x4x8x128xf32, #tpu.memory_space<vmem>>, vector<16xf32>,
        %parallel_loop3A_197 = arith.constant 4 : i32
        %parallel_loop3A_198 = vector.broadcast %parallel_loop3A_197 : i32 to vector<16xi32>
        %parallel_loop3A_199 = tpu.vector_load_idx %arg7[%parallel_loop3A_156, %parallel_loop3A_198] : memref<512x32xf32, #tpu.memory_space<vmem>>[vector<16xi32>, vector<16xi32>], vector<16xf32>,
        %parallel_loop3A_200 = arith.constant 0 : i32
        %parallel_loop3A_201 = arith.constant 4 : i32
        %parallel_loop3A_202 = arith.index_cast %parallel_loop3A_200 : i32 to index
        %parallel_loop3A_203 = arith.index_cast %parallel_loop3A_134 : i32 to index
        %parallel_loop3A_204 = arith.index_cast %parallel_loop3A_201 : i32 to index
        %parallel_loop3A_205 = arith.index_cast %parallel_loop3A_152 : i32 to index
        %parallel_loop3A_206 = tpu.vector_load %arg9[%parallel_loop3A_202, %parallel_loop3A_203, %parallel_loop3A_204, %parallel_loop3A_205] {strides = array<i32>} : memref<4x4x8x128xf32, #tpu.memory_space<vmem>>, vector<16xf32>,
        tpu.vector_store %arg9[%parallel_loop3A_202, %parallel_loop3A_203, %parallel_loop3A_204, %parallel_loop3A_205], %parallel_loop3A_199 {strides = array<i32>} : memref<4x4x8x128xf32, #tpu.memory_space<vmem>>, vector<16xf32>,
        %parallel_loop3A_207 = arith.constant 5 : i32
        %parallel_loop3A_208 = vector.broadcast %parallel_loop3A_207 : i32 to vector<16xi32>
        %parallel_loop3A_209 = tpu.vector_load_idx %arg7[%parallel_loop3A_156, %parallel_loop3A_208] : memref<512x32xf32, #tpu.memory_space<vmem>>[vector<16xi32>, vector<16xi32>], vector<16xf32>,
        %parallel_loop3A_210 = arith.constant 0 : i32
        %parallel_loop3A_211 = arith.constant 5 : i32
        %parallel_loop3A_212 = arith.index_cast %parallel_loop3A_210 : i32 to index
        %parallel_loop3A_213 = arith.index_cast %parallel_loop3A_134 : i32 to index
        %parallel_loop3A_214 = arith.index_cast %parallel_loop3A_211 : i32 to index
        %parallel_loop3A_215 = arith.index_cast %parallel_loop3A_152 : i32 to index
        %parallel_loop3A_216 = tpu.vector_load %arg9[%parallel_loop3A_212, %parallel_loop3A_213, %parallel_loop3A_214, %parallel_loop3A_215] {strides = array<i32>} : memref<4x4x8x128xf32, #tpu.memory_space<vmem>>, vector<16xf32>,
        tpu.vector_store %arg9[%parallel_loop3A_212, %parallel_loop3A_213, %parallel_loop3A_214, %parallel_loop3A_215], %parallel_loop3A_209 {strides = array<i32>} : memref<4x4x8x128xf32, #tpu.memory_space<vmem>>, vector<16xf32>,
        %parallel_loop3A_217 = arith.constant 6 : i32
        %parallel_loop3A_218 = vector.broadcast %parallel_loop3A_217 : i32 to vector<16xi32>
        %parallel_loop3A_219 = tpu.vector_load_idx %arg7[%parallel_loop3A_156, %parallel_loop3A_218] : memref<512x32xf32, #tpu.memory_space<vmem>>[vector<16xi32>, vector<16xi32>], vector<16xf32>,
        %parallel_loop3A_220 = arith.constant 0 : i32
        %parallel_loop3A_221 = arith.constant 6 : i32
        %parallel_loop3A_222 = arith.index_cast %parallel_loop3A_220 : i32 to index
        %parallel_loop3A_223 = arith.index_cast %parallel_loop3A_134 : i32 to index
        %parallel_loop3A_224 = arith.index_cast %parallel_loop3A_221 : i32 to index
        %parallel_loop3A_225 = arith.index_cast %parallel_loop3A_152 : i32 to index
        %parallel_loop3A_226 = tpu.vector_load %arg9[%parallel_loop3A_222, %parallel_loop3A_223, %parallel_loop3A_224, %parallel_loop3A_225] {strides = array<i32>} : memref<4x4x8x128xf32, #tpu.memory_space<vmem>>, vector<16xf32>,
        tpu.vector_store %arg9[%parallel_loop3A_222, %parallel_loop3A_223, %parallel_loop3A_224, %parallel_loop3A_225], %parallel_loop3A_219 {strides = array<i32>} : memref<4x4x8x128xf32, #tpu.memory_space<vmem>>, vector<16xf32>,
        %parallel_loop3A_227 = arith.constant 7 : i32
        %parallel_loop3A_228 = vector.broadcast %parallel_loop3A_227 : i32 to vector<16xi32>
        %parallel_loop3A_229 = tpu.vector_load_idx %arg7[%parallel_loop3A_156, %parallel_loop3A_228] : memref<512x32xf32, #tpu.memory_space<vmem>>[vector<16xi32>, vector<16xi32>], vector<16xf32>,
        %parallel_loop3A_230 = arith.constant 0 : i32
        %parallel_loop3A_231 = arith.constant 7 : i32
        %parallel_loop3A_232 = arith.index_cast %parallel_loop3A_230 : i32 to index
        %parallel_loop3A_233 = arith.index_cast %parallel_loop3A_134 : i32 to index
        %parallel_loop3A_234 = arith.index_cast %parallel_loop3A_231 : i32 to index
        %parallel_loop3A_235 = arith.index_cast %parallel_loop3A_152 : i32 to index
        %parallel_loop3A_236 = tpu.vector_load %arg9[%parallel_loop3A_232, %parallel_loop3A_233, %parallel_loop3A_234, %parallel_loop3A_235] {strides = array<i32>} : memref<4x4x8x128xf32, #tpu.memory_space<vmem>>, vector<16xf32>,
        tpu.vector_store %arg9[%parallel_loop3A_232, %parallel_loop3A_233, %parallel_loop3A_234, %parallel_loop3A_235], %parallel_loop3A_229 {strides = array<i32>} : memref<4x4x8x128xf32, #tpu.memory_space<vmem>>, vector<16xf32>,
        %parallel_loop3A_237 = arith.constant 8 : i32
        %parallel_loop3A_238 = vector.broadcast %parallel_loop3A_237 : i32 to vector<16xi32>
        %parallel_loop3A_239 = tpu.vector_load_idx %arg7[%parallel_loop3A_156, %parallel_loop3A_238] : memref<512x32xf32, #tpu.memory_space<vmem>>[vector<16xi32>, vector<16xi32>], vector<16xf32>,
        %parallel_loop3A_240 = arith.constant 1 : i32
        %parallel_loop3A_241 = arith.constant 0 : i32
        %parallel_loop3A_242 = arith.index_cast %parallel_loop3A_240 : i32 to index
        %parallel_loop3A_243 = arith.index_cast %parallel_loop3A_134 : i32 to index
        %parallel_loop3A_244 = arith.index_cast %parallel_loop3A_241 : i32 to index
        %parallel_loop3A_245 = arith.index_cast %parallel_loop3A_152 : i32 to index
        %parallel_loop3A_246 = tpu.vector_load %arg9[%parallel_loop3A_242, %parallel_loop3A_243, %parallel_loop3A_244, %parallel_loop3A_245] {strides = array<i32>} : memref<4x4x8x128xf32, #tpu.memory_space<vmem>>, vector<16xf32>,
        tpu.vector_store %arg9[%parallel_loop3A_242, %parallel_loop3A_243, %parallel_loop3A_244, %parallel_loop3A_245], %parallel_loop3A_239 {strides = array<i32>} : memref<4x4x8x128xf32, #tpu.memory_space<vmem>>, vector<16xf32>,
        %parallel_loop3A_247 = arith.constant 9 : i32
        %parallel_loop3A_248 = vector.broadcast %parallel_loop3A_247 : i32 to vector<16xi32>
        %parallel_loop3A_249 = tpu.vector_load_idx %arg7[%parallel_loop3A_156, %parallel_loop3A_248] : memref<512x32xf32, #tpu.memory_space<vmem>>[vector<16xi32>, vector<16xi32>], vector<16xf32>,
        %parallel_loop3A_250 = arith.constant 1 : i32
        %parallel_loop3A_251 = arith.constant 1 : i32
        %parallel_loop3A_252 = arith.index_cast %parallel_loop3A_250 : i32 to index
        %parallel_loop3A_253 = arith.index_cast %parallel_loop3A_134 : i32 to index
        %parallel_loop3A_254 = arith.index_cast %parallel_loop3A_251 : i32 to index
        %parallel_loop3A_255 = arith.index_cast %parallel_loop3A_152 : i32 to index
        %parallel_loop3A_256 = tpu.vector_load %arg9[%parallel_loop3A_252, %parallel_loop3A_253, %parallel_loop3A_254, %parallel_loop3A_255] {strides = array<i32>} : memref<4x4x8x128xf32, #tpu.memory_space<vmem>>, vector<16xf32>,
        tpu.vector_store %arg9[%parallel_loop3A_252, %parallel_loop3A_253, %parallel_loop3A_254, %parallel_loop3A_255], %parallel_loop3A_249 {strides = array<i32>} : memref<4x4x8x128xf32, #tpu.memory_space<vmem>>, vector<16xf32>,
        %parallel_loop3A_257 = arith.constant 10 : i32
        %parallel_loop3A_258 = vector.broadcast %parallel_loop3A_257 : i32 to vector<16xi32>
        %parallel_loop3A_259 = tpu.vector_load_idx %arg7[%parallel_loop3A_156, %parallel_loop3A_258] : memref<512x32xf32, #tpu.memory_space<vmem>>[vector<16xi32>, vector<16xi32>], vector<16xf32>,
        %parallel_loop3A_260 = arith.constant 1 : i32
        %parallel_loop3A_261 = arith.constant 2 : i32
        %parallel_loop3A_262 = arith.index_cast %parallel_loop3A_260 : i32 to index
        %parallel_loop3A_263 = arith.index_cast %parallel_loop3A_134 : i32 to index
        %parallel_loop3A_264 = arith.index_cast %parallel_loop3A_261 : i32 to index
        %parallel_loop3A_265 = arith.index_cast %parallel_loop3A_152 : i32 to index
        %parallel_loop3A_266 = tpu.vector_load %arg9[%parallel_loop3A_262, %parallel_loop3A_263, %parallel_loop3A_264, %parallel_loop3A_265] {strides = array<i32>} : memref<4x4x8x128xf32, #tpu.memory_space<vmem>>, vector<16xf32>,
        tpu.vector_store %arg9[%parallel_loop3A_262, %parallel_loop3A_263, %parallel_loop3A_264, %parallel_loop3A_265], %parallel_loop3A_259 {strides = array<i32>} : memref<4x4x8x128xf32, #tpu.memory_space<vmem>>, vector<16xf32>,
        %parallel_loop3A_267 = arith.constant 11 : i32
        %parallel_loop3A_268 = vector.broadcast %parallel_loop3A_267 : i32 to vector<16xi32>
        %parallel_loop3A_269 = tpu.vector_load_idx %arg7[%parallel_loop3A_156, %parallel_loop3A_268] : memref<512x32xf32, #tpu.memory_space<vmem>>[vector<16xi32>, vector<16xi32>], vector<16xf32>,
        %parallel_loop3A_270 = arith.constant 1 : i32
        %parallel_loop3A_271 = arith.constant 3 : i32
        %parallel_loop3A_272 = arith.index_cast %parallel_loop3A_270 : i32 to index
        %parallel_loop3A_273 = arith.index_cast %parallel_loop3A_134 : i32 to index
        %parallel_loop3A_274 = arith.index_cast %parallel_loop3A_271 : i32 to index
        %parallel_loop3A_275 = arith.index_cast %parallel_loop3A_152 : i32 to index
        %parallel_loop3A_276 = tpu.vector_load %arg9[%parallel_loop3A_272, %parallel_loop3A_273, %parallel_loop3A_274, %parallel_loop3A_275] {strides = array<i32>} : memref<4x4x8x128xf32, #tpu.memory_space<vmem>>, vector<16xf32>,
        tpu.vector_store %arg9[%parallel_loop3A_272, %parallel_loop3A_273, %parallel_loop3A_274, %parallel_loop3A_275], %parallel_loop3A_269 {strides = array<i32>} : memref<4x4x8x128xf32, #tpu.memory_space<vmem>>, vector<16xf32>,
        %parallel_loop3A_277 = arith.constant 12 : i32
        %parallel_loop3A_278 = vector.broadcast %parallel_loop3A_277 : i32 to vector<16xi32>
        %parallel_loop3A_279 = tpu.vector_load_idx %arg7[%parallel_loop3A_156, %parallel_loop3A_278] : memref<512x32xf32, #tpu.memory_space<vmem>>[vector<16xi32>, vector<16xi32>], vector<16xf32>,
        %parallel_loop3A_280 = arith.constant 1 : i32
        %parallel_loop3A_281 = arith.constant 4 : i32
        %parallel_loop3A_282 = arith.index_cast %parallel_loop3A_280 : i32 to index
        %parallel_loop3A_283 = arith.index_cast %parallel_loop3A_134 : i32 to index
        %parallel_loop3A_284 = arith.index_cast %parallel_loop3A_281 : i32 to index
        %parallel_loop3A_285 = arith.index_cast %parallel_loop3A_152 : i32 to index
        %parallel_loop3A_286 = tpu.vector_load %arg9[%parallel_loop3A_282, %parallel_loop3A_283, %parallel_loop3A_284, %parallel_loop3A_285] {strides = array<i32>} : memref<4x4x8x128xf32, #tpu.memory_space<vmem>>, vector<16xf32>,
        tpu.vector_store %arg9[%parallel_loop3A_282, %parallel_loop3A_283, %parallel_loop3A_284, %parallel_loop3A_285], %parallel_loop3A_279 {strides = array<i32>} : memref<4x4x8x128xf32, #tpu.memory_space<vmem>>, vector<16xf32>,
        %parallel_loop3A_287 = arith.constant 13 : i32
        %parallel_loop3A_288 = vector.broadcast %parallel_loop3A_287 : i32 to vector<16xi32>
        %parallel_loop3A_289 = tpu.vector_load_idx %arg7[%parallel_loop3A_156, %parallel_loop3A_288] : memref<512x32xf32, #tpu.memory_space<vmem>>[vector<16xi32>, vector<16xi32>], vector<16xf32>,
        %parallel_loop3A_290 = arith.constant 1 : i32
        %parallel_loop3A_291 = arith.constant 5 : i32
        %parallel_loop3A_292 = arith.index_cast %parallel_loop3A_290 : i32 to index
        %parallel_loop3A_293 = arith.index_cast %parallel_loop3A_134 : i32 to index
        %parallel_loop3A_294 = arith.index_cast %parallel_loop3A_291 : i32 to index
        %parallel_loop3A_295 = arith.index_cast %parallel_loop3A_152 : i32 to index
        %parallel_loop3A_296 = tpu.vector_load %arg9[%parallel_loop3A_292, %parallel_loop3A_293, %parallel_loop3A_294, %parallel_loop3A_295] {strides = array<i32>} : memref<4x4x8x128xf32, #tpu.memory_space<vmem>>, vector<16xf32>,
        tpu.vector_store %arg9[%parallel_loop3A_292, %parallel_loop3A_293, %parallel_loop3A_294, %parallel_loop3A_295], %parallel_loop3A_289 {strides = array<i32>} : memref<4x4x8x128xf32, #tpu.memory_space<vmem>>, vector<16xf32>,
        %parallel_loop3A_297 = arith.constant 14 : i32
        %parallel_loop3A_298 = vector.broadcast %parallel_loop3A_297 : i32 to vector<16xi32>
        %parallel_loop3A_299 = tpu.vector_load_idx %arg7[%parallel_loop3A_156, %parallel_loop3A_298] : memref<512x32xf32, #tpu.memory_space<vmem>>[vector<16xi32>, vector<16xi32>], vector<16xf32>,
        %parallel_loop3A_300 = arith.constant 1 : i32
        %parallel_loop3A_301 = arith.constant 6 : i32
        %parallel_loop3A_302 = arith.index_cast %parallel_loop3A_300 : i32 to index
        %parallel_loop3A_303 = arith.index_cast %parallel_loop3A_134 : i32 to index
        %parallel_loop3A_304 = arith.index_cast %parallel_loop3A_301 : i32 to index
        %parallel_loop3A_305 = arith.index_cast %parallel_loop3A_152 : i32 to index
        %parallel_loop3A_306 = tpu.vector_load %arg9[%parallel_loop3A_302, %parallel_loop3A_303, %parallel_loop3A_304, %parallel_loop3A_305] {strides = array<i32>} : memref<4x4x8x128xf32, #tpu.memory_space<vmem>>, vector<16xf32>,
        tpu.vector_store %arg9[%parallel_loop3A_302, %parallel_loop3A_303, %parallel_loop3A_304, %parallel_loop3A_305], %parallel_loop3A_299 {strides = array<i32>} : memref<4x4x8x128xf32, #tpu.memory_space<vmem>>, vector<16xf32>,
        %parallel_loop3A_307 = arith.constant 15 : i32
        %parallel_loop3A_308 = vector.broadcast %parallel_loop3A_307 : i32 to vector<16xi32>
        %parallel_loop3A_309 = tpu.vector_load_idx %arg7[%parallel_loop3A_156, %parallel_loop3A_308] : memref<512x32xf32, #tpu.memory_space<vmem>>[vector<16xi32>, vector<16xi32>], vector<16xf32>,
        %parallel_loop3A_310 = arith.constant 1 : i32
        %parallel_loop3A_311 = arith.constant 7 : i32
        %parallel_loop3A_312 = arith.index_cast %parallel_loop3A_310 : i32 to index
        %parallel_loop3A_313 = arith.index_cast %parallel_loop3A_134 : i32 to index
        %parallel_loop3A_314 = arith.index_cast %parallel_loop3A_311 : i32 to index
        %parallel_loop3A_315 = arith.index_cast %parallel_loop3A_152 : i32 to index
        %parallel_loop3A_316 = tpu.vector_load %arg9[%parallel_loop3A_312, %parallel_loop3A_313, %parallel_loop3A_314, %parallel_loop3A_315] {strides = array<i32>} : memref<4x4x8x128xf32, #tpu.memory_space<vmem>>, vector<16xf32>,
        tpu.vector_store %arg9[%parallel_loop3A_312, %parallel_loop3A_313, %parallel_loop3A_314, %parallel_loop3A_315], %parallel_loop3A_309 {strides = array<i32>} : memref<4x4x8x128xf32, #tpu.memory_space<vmem>>, vector<16xf32>,
        %parallel_loop3A_317 = arith.constant 16 : i32
        %parallel_loop3A_318 = vector.broadcast %parallel_loop3A_317 : i32 to vector<16xi32>
        %parallel_loop3A_319 = tpu.vector_load_idx %arg7[%parallel_loop3A_156, %parallel_loop3A_318] : memref<512x32xf32, #tpu.memory_space<vmem>>[vector<16xi32>, vector<16xi32>], vector<16xf32>,
        %parallel_loop3A_320 = arith.constant 2 : i32
        %parallel_loop3A_321 = arith.constant 0 : i32
        %parallel_loop3A_322 = arith.index_cast %parallel_loop3A_320 : i32 to index
        %parallel_loop3A_323 = arith.index_cast %parallel_loop3A_134 : i32 to index
        %parallel_loop3A_324 = arith.index_cast %parallel_loop3A_321 : i32 to index
        %parallel_loop3A_325 = arith.index_cast %parallel_loop3A_152 : i32 to index
        %parallel_loop3A_326 = tpu.vector_load %arg9[%parallel_loop3A_322, %parallel_loop3A_323, %parallel_loop3A_324, %parallel_loop3A_325] {strides = array<i32>} : memref<4x4x8x128xf32, #tpu.memory_space<vmem>>, vector<16xf32>,
        tpu.vector_store %arg9[%parallel_loop3A_322, %parallel_loop3A_323, %parallel_loop3A_324, %parallel_loop3A_325], %parallel_loop3A_319 {strides = array<i32>} : memref<4x4x8x128xf32, #tpu.memory_space<vmem>>, vector<16xf32>,
        %parallel_loop3A_327 = arith.constant 17 : i32
        %parallel_loop3A_328 = vector.broadcast %parallel_loop3A_327 : i32 to vector<16xi32>
        %parallel_loop3A_329 = tpu.vector_load_idx %arg7[%parallel_loop3A_156, %parallel_loop3A_328] : memref<512x32xf32, #tpu.memory_space<vmem>>[vector<16xi32>, vector<16xi32>], vector<16xf32>,
        %parallel_loop3A_330 = arith.constant 2 : i32
        %parallel_loop3A_331 = arith.constant 1 : i32
        %parallel_loop3A_332 = arith.index_cast %parallel_loop3A_330 : i32 to index
        %parallel_loop3A_333 = arith.index_cast %parallel_loop3A_134 : i32 to index
        %parallel_loop3A_334 = arith.index_cast %parallel_loop3A_331 : i32 to index
        %parallel_loop3A_335 = arith.index_cast %parallel_loop3A_152 : i32 to index
        %parallel_loop3A_336 = tpu.vector_load %arg9[%parallel_loop3A_332, %parallel_loop3A_333, %parallel_loop3A_334, %parallel_loop3A_335] {strides = array<i32>} : memref<4x4x8x128xf32, #tpu.memory_space<vmem>>, vector<16xf32>,
        tpu.vector_store %arg9[%parallel_loop3A_332, %parallel_loop3A_333, %parallel_loop3A_334, %parallel_loop3A_335], %parallel_loop3A_329 {strides = array<i32>} : memref<4x4x8x128xf32, #tpu.memory_space<vmem>>, vector<16xf32>,
        %parallel_loop3A_337 = arith.constant 18 : i32
        %parallel_loop3A_338 = vector.broadcast %parallel_loop3A_337 : i32 to vector<16xi32>
        %parallel_loop3A_339 = tpu.vector_load_idx %arg7[%parallel_loop3A_156, %parallel_loop3A_338] : memref<512x32xf32, #tpu.memory_space<vmem>>[vector<16xi32>, vector<16xi32>], vector<16xf32>,
        %parallel_loop3A_340 = arith.constant 2 : i32
        %parallel_loop3A_341 = arith.constant 2 : i32
        %parallel_loop3A_342 = arith.index_cast %parallel_loop3A_340 : i32 to index
        %parallel_loop3A_343 = arith.index_cast %parallel_loop3A_134 : i32 to index
        %parallel_loop3A_344 = arith.index_cast %parallel_loop3A_341 : i32 to index
        %parallel_loop3A_345 = arith.index_cast %parallel_loop3A_152 : i32 to index
        %parallel_loop3A_346 = tpu.vector_load %arg9[%parallel_loop3A_342, %parallel_loop3A_343, %parallel_loop3A_344, %parallel_loop3A_345] {strides = array<i32>} : memref<4x4x8x128xf32, #tpu.memory_space<vmem>>, vector<16xf32>,
        tpu.vector_store %arg9[%parallel_loop3A_342, %parallel_loop3A_343, %parallel_loop3A_344, %parallel_loop3A_345], %parallel_loop3A_339 {strides = array<i32>} : memref<4x4x8x128xf32, #tpu.memory_space<vmem>>, vector<16xf32>,
        %parallel_loop3A_347 = arith.constant 19 : i32
        %parallel_loop3A_348 = vector.broadcast %parallel_loop3A_347 : i32 to vector<16xi32>
        %parallel_loop3A_349 = tpu.vector_load_idx %arg7[%parallel_loop3A_156, %parallel_loop3A_348] : memref<512x32xf32, #tpu.memory_space<vmem>>[vector<16xi32>, vector<16xi32>], vector<16xf32>,
        %parallel_loop3A_350 = arith.constant 2 : i32
        %parallel_loop3A_351 = arith.constant 3 : i32
        %parallel_loop3A_352 = arith.index_cast %parallel_loop3A_350 : i32 to index
        %parallel_loop3A_353 = arith.index_cast %parallel_loop3A_134 : i32 to index
        %parallel_loop3A_354 = arith.index_cast %parallel_loop3A_351 : i32 to index
        %parallel_loop3A_355 = arith.index_cast %parallel_loop3A_152 : i32 to index
        %parallel_loop3A_356 = tpu.vector_load %arg9[%parallel_loop3A_352, %parallel_loop3A_353, %parallel_loop3A_354, %parallel_loop3A_355] {strides = array<i32>} : memref<4x4x8x128xf32, #tpu.memory_space<vmem>>, vector<16xf32>,
        tpu.vector_store %arg9[%parallel_loop3A_352, %parallel_loop3A_353, %parallel_loop3A_354, %parallel_loop3A_355], %parallel_loop3A_349 {strides = array<i32>} : memref<4x4x8x128xf32, #tpu.memory_space<vmem>>, vector<16xf32>,
        %parallel_loop3A_357 = arith.constant 20 : i32
        %parallel_loop3A_358 = vector.broadcast %parallel_loop3A_357 : i32 to vector<16xi32>
        %parallel_loop3A_359 = tpu.vector_load_idx %arg7[%parallel_loop3A_156, %parallel_loop3A_358] : memref<512x32xf32, #tpu.memory_space<vmem>>[vector<16xi32>, vector<16xi32>], vector<16xf32>,
        %parallel_loop3A_360 = arith.constant 2 : i32
        %parallel_loop3A_361 = arith.constant 4 : i32
        %parallel_loop3A_362 = arith.index_cast %parallel_loop3A_360 : i32 to index
        %parallel_loop3A_363 = arith.index_cast %parallel_loop3A_134 : i32 to index
        %parallel_loop3A_364 = arith.index_cast %parallel_loop3A_361 : i32 to index
        %parallel_loop3A_365 = arith.index_cast %parallel_loop3A_152 : i32 to index
        %parallel_loop3A_366 = tpu.vector_load %arg9[%parallel_loop3A_362, %parallel_loop3A_363, %parallel_loop3A_364, %parallel_loop3A_365] {strides = array<i32>} : memref<4x4x8x128xf32, #tpu.memory_space<vmem>>, vector<16xf32>,
        tpu.vector_store %arg9[%parallel_loop3A_362, %parallel_loop3A_363, %parallel_loop3A_364, %parallel_loop3A_365], %parallel_loop3A_359 {strides = array<i32>} : memref<4x4x8x128xf32, #tpu.memory_space<vmem>>, vector<16xf32>,
        %parallel_loop3A_367 = arith.constant 21 : i32
        %parallel_loop3A_368 = vector.broadcast %parallel_loop3A_367 : i32 to vector<16xi32>
        %parallel_loop3A_369 = tpu.vector_load_idx %arg7[%parallel_loop3A_156, %parallel_loop3A_368] : memref<512x32xf32, #tpu.memory_space<vmem>>[vector<16xi32>, vector<16xi32>], vector<16xf32>,
        %parallel_loop3A_370 = arith.constant 2 : i32
        %parallel_loop3A_371 = arith.constant 5 : i32
        %parallel_loop3A_372 = arith.index_cast %parallel_loop3A_370 : i32 to index
        %parallel_loop3A_373 = arith.index_cast %parallel_loop3A_134 : i32 to index
        %parallel_loop3A_374 = arith.index_cast %parallel_loop3A_371 : i32 to index
        %parallel_loop3A_375 = arith.index_cast %parallel_loop3A_152 : i32 to index
        %parallel_loop3A_376 = tpu.vector_load %arg9[%parallel_loop3A_372, %parallel_loop3A_373, %parallel_loop3A_374, %parallel_loop3A_375] {strides = array<i32>} : memref<4x4x8x128xf32, #tpu.memory_space<vmem>>, vector<16xf32>,
        tpu.vector_store %arg9[%parallel_loop3A_372, %parallel_loop3A_373, %parallel_loop3A_374, %parallel_loop3A_375], %parallel_loop3A_369 {strides = array<i32>} : memref<4x4x8x128xf32, #tpu.memory_space<vmem>>, vector<16xf32>,
        %parallel_loop3A_377 = arith.constant 22 : i32
        %parallel_loop3A_378 = vector.broadcast %parallel_loop3A_377 : i32 to vector<16xi32>
        %parallel_loop3A_379 = tpu.vector_load_idx %arg7[%parallel_loop3A_156, %parallel_loop3A_378] : memref<512x32xf32, #tpu.memory_space<vmem>>[vector<16xi32>, vector<16xi32>], vector<16xf32>,
        %parallel_loop3A_380 = arith.constant 2 : i32
        %parallel_loop3A_381 = arith.constant 6 : i32
        %parallel_loop3A_382 = arith.index_cast %parallel_loop3A_380 : i32 to index
        %parallel_loop3A_383 = arith.index_cast %parallel_loop3A_134 : i32 to index
        %parallel_loop3A_384 = arith.index_cast %parallel_loop3A_381 : i32 to index
        %parallel_loop3A_385 = arith.index_cast %parallel_loop3A_152 : i32 to index
        %parallel_loop3A_386 = tpu.vector_load %arg9[%parallel_loop3A_382, %parallel_loop3A_383, %parallel_loop3A_384, %parallel_loop3A_385] {strides = array<i32>} : memref<4x4x8x128xf32, #tpu.memory_space<vmem>>, vector<16xf32>,
        tpu.vector_store %arg9[%parallel_loop3A_382, %parallel_loop3A_383, %parallel_loop3A_384, %parallel_loop3A_385], %parallel_loop3A_379 {strides = array<i32>} : memref<4x4x8x128xf32, #tpu.memory_space<vmem>>, vector<16xf32>,
        %parallel_loop3A_387 = arith.constant 23 : i32
        %parallel_loop3A_388 = vector.broadcast %parallel_loop3A_387 : i32 to vector<16xi32>
        %parallel_loop3A_389 = tpu.vector_load_idx %arg7[%parallel_loop3A_156, %parallel_loop3A_388] : memref<512x32xf32, #tpu.memory_space<vmem>>[vector<16xi32>, vector<16xi32>], vector<16xf32>,
        %parallel_loop3A_390 = arith.constant 2 : i32
        %parallel_loop3A_391 = arith.constant 7 : i32
        %parallel_loop3A_392 = arith.index_cast %parallel_loop3A_390 : i32 to index
        %parallel_loop3A_393 = arith.index_cast %parallel_loop3A_134 : i32 to index
        %parallel_loop3A_394 = arith.index_cast %parallel_loop3A_391 : i32 to index
        %parallel_loop3A_395 = arith.index_cast %parallel_loop3A_152 : i32 to index
        %parallel_loop3A_396 = tpu.vector_load %arg9[%parallel_loop3A_392, %parallel_loop3A_393, %parallel_loop3A_394, %parallel_loop3A_395] {strides = array<i32>} : memref<4x4x8x128xf32, #tpu.memory_space<vmem>>, vector<16xf32>,
        tpu.vector_store %arg9[%parallel_loop3A_392, %parallel_loop3A_393, %parallel_loop3A_394, %parallel_loop3A_395], %parallel_loop3A_389 {strides = array<i32>} : memref<4x4x8x128xf32, #tpu.memory_space<vmem>>, vector<16xf32>,
        %parallel_loop3A_397 = arith.constant 24 : i32
        %parallel_loop3A_398 = vector.broadcast %parallel_loop3A_397 : i32 to vector<16xi32>
        %parallel_loop3A_399 = tpu.vector_load_idx %arg7[%parallel_loop3A_156, %parallel_loop3A_398] : memref<512x32xf32, #tpu.memory_space<vmem>>[vector<16xi32>, vector<16xi32>], vector<16xf32>,
        %parallel_loop3A_400 = arith.constant 3 : i32
        %parallel_loop3A_401 = arith.constant 0 : i32
        %parallel_loop3A_402 = arith.index_cast %parallel_loop3A_400 : i32 to index
        %parallel_loop3A_403 = arith.index_cast %parallel_loop3A_134 : i32 to index
        %parallel_loop3A_404 = arith.index_cast %parallel_loop3A_401 : i32 to index
        %parallel_loop3A_405 = arith.index_cast %parallel_loop3A_152 : i32 to index
        %parallel_loop3A_406 = tpu.vector_load %arg9[%parallel_loop3A_402, %parallel_loop3A_403, %parallel_loop3A_404, %parallel_loop3A_405] {strides = array<i32>} : memref<4x4x8x128xf32, #tpu.memory_space<vmem>>, vector<16xf32>,
        tpu.vector_store %arg9[%parallel_loop3A_402, %parallel_loop3A_403, %parallel_loop3A_404, %parallel_loop3A_405], %parallel_loop3A_399 {strides = array<i32>} : memref<4x4x8x128xf32, #tpu.memory_space<vmem>>, vector<16xf32>,
        %parallel_loop3A_407 = arith.constant 25 : i32
        %parallel_loop3A_408 = vector.broadcast %parallel_loop3A_407 : i32 to vector<16xi32>
        %parallel_loop3A_409 = tpu.vector_load_idx %arg7[%parallel_loop3A_156, %parallel_loop3A_408] : memref<512x32xf32, #tpu.memory_space<vmem>>[vector<16xi32>, vector<16xi32>], vector<16xf32>,
        %parallel_loop3A_410 = arith.constant 3 : i32
        %parallel_loop3A_411 = arith.constant 1 : i32
        %parallel_loop3A_412 = arith.index_cast %parallel_loop3A_410 : i32 to index
        %parallel_loop3A_413 = arith.index_cast %parallel_loop3A_134 : i32 to index
        %parallel_loop3A_414 = arith.index_cast %parallel_loop3A_411 : i32 to index
        %parallel_loop3A_415 = arith.index_cast %parallel_loop3A_152 : i32 to index
        %parallel_loop3A_416 = tpu.vector_load %arg9[%parallel_loop3A_412, %parallel_loop3A_413, %parallel_loop3A_414, %parallel_loop3A_415] {strides = array<i32>} : memref<4x4x8x128xf32, #tpu.memory_space<vmem>>, vector<16xf32>,
        tpu.vector_store %arg9[%parallel_loop3A_412, %parallel_loop3A_413, %parallel_loop3A_414, %parallel_loop3A_415], %parallel_loop3A_409 {strides = array<i32>} : memref<4x4x8x128xf32, #tpu.memory_space<vmem>>, vector<16xf32>,
        %parallel_loop3A_417 = arith.constant 26 : i32
        %parallel_loop3A_418 = vector.broadcast %parallel_loop3A_417 : i32 to vector<16xi32>
        %parallel_loop3A_419 = tpu.vector_load_idx %arg7[%parallel_loop3A_156, %parallel_loop3A_418] : memref<512x32xf32, #tpu.memory_space<vmem>>[vector<16xi32>, vector<16xi32>], vector<16xf32>,
        %parallel_loop3A_420 = arith.constant 3 : i32
        %parallel_loop3A_421 = arith.constant 2 : i32
        %parallel_loop3A_422 = arith.index_cast %parallel_loop3A_420 : i32 to index
        %parallel_loop3A_423 = arith.index_cast %parallel_loop3A_134 : i32 to index
        %parallel_loop3A_424 = arith.index_cast %parallel_loop3A_421 : i32 to index
        %parallel_loop3A_425 = arith.index_cast %parallel_loop3A_152 : i32 to index
        %parallel_loop3A_426 = tpu.vector_load %arg9[%parallel_loop3A_422, %parallel_loop3A_423, %parallel_loop3A_424, %parallel_loop3A_425] {strides = array<i32>} : memref<4x4x8x128xf32, #tpu.memory_space<vmem>>, vector<16xf32>,
        tpu.vector_store %arg9[%parallel_loop3A_422, %parallel_loop3A_423, %parallel_loop3A_424, %parallel_loop3A_425], %parallel_loop3A_419 {strides = array<i32>} : memref<4x4x8x128xf32, #tpu.memory_space<vmem>>, vector<16xf32>,
        %parallel_loop3A_427 = arith.constant 27 : i32
        %parallel_loop3A_428 = vector.broadcast %parallel_loop3A_427 : i32 to vector<16xi32>
        %parallel_loop3A_429 = tpu.vector_load_idx %arg7[%parallel_loop3A_156, %parallel_loop3A_428] : memref<512x32xf32, #tpu.memory_space<vmem>>[vector<16xi32>, vector<16xi32>], vector<16xf32>,
        %parallel_loop3A_430 = arith.constant 3 : i32
        %parallel_loop3A_431 = arith.constant 3 : i32
        %parallel_loop3A_432 = arith.index_cast %parallel_loop3A_430 : i32 to index
        %parallel_loop3A_433 = arith.index_cast %parallel_loop3A_134 : i32 to index
        %parallel_loop3A_434 = arith.index_cast %parallel_loop3A_431 : i32 to index
        %parallel_loop3A_435 = arith.index_cast %parallel_loop3A_152 : i32 to index
        %parallel_loop3A_436 = tpu.vector_load %arg9[%parallel_loop3A_432, %parallel_loop3A_433, %parallel_loop3A_434, %parallel_loop3A_435] {strides = array<i32>} : memref<4x4x8x128xf32, #tpu.memory_space<vmem>>, vector<16xf32>,
        tpu.vector_store %arg9[%parallel_loop3A_432, %parallel_loop3A_433, %parallel_loop3A_434, %parallel_loop3A_435], %parallel_loop3A_429 {strides = array<i32>} : memref<4x4x8x128xf32, #tpu.memory_space<vmem>>, vector<16xf32>,
        %parallel_loop3A_437 = arith.constant 28 : i32
        %parallel_loop3A_438 = vector.broadcast %parallel_loop3A_437 : i32 to vector<16xi32>
        %parallel_loop3A_439 = tpu.vector_load_idx %arg7[%parallel_loop3A_156, %parallel_loop3A_438] : memref<512x32xf32, #tpu.memory_space<vmem>>[vector<16xi32>, vector<16xi32>], vector<16xf32>,
        %parallel_loop3A_440 = arith.constant 3 : i32
        %parallel_loop3A_441 = arith.constant 4 : i32
        %parallel_loop3A_442 = arith.index_cast %parallel_loop3A_440 : i32 to index
        %parallel_loop3A_443 = arith.index_cast %parallel_loop3A_134 : i32 to index
        %parallel_loop3A_444 = arith.index_cast %parallel_loop3A_441 : i32 to index
        %parallel_loop3A_445 = arith.index_cast %parallel_loop3A_152 : i32 to index
        %parallel_loop3A_446 = tpu.vector_load %arg9[%parallel_loop3A_442, %parallel_loop3A_443, %parallel_loop3A_444, %parallel_loop3A_445] {strides = array<i32>} : memref<4x4x8x128xf32, #tpu.memory_space<vmem>>, vector<16xf32>,
        tpu.vector_store %arg9[%parallel_loop3A_442, %parallel_loop3A_443, %parallel_loop3A_444, %parallel_loop3A_445], %parallel_loop3A_439 {strides = array<i32>} : memref<4x4x8x128xf32, #tpu.memory_space<vmem>>, vector<16xf32>,
        %parallel_loop3A_447 = arith.constant 29 : i32
        %parallel_loop3A_448 = vector.broadcast %parallel_loop3A_447 : i32 to vector<16xi32>
        %parallel_loop3A_449 = tpu.vector_load_idx %arg7[%parallel_loop3A_156, %parallel_loop3A_448] : memref<512x32xf32, #tpu.memory_space<vmem>>[vector<16xi32>, vector<16xi32>], vector<16xf32>,
        %parallel_loop3A_450 = arith.constant 3 : i32
        %parallel_loop3A_451 = arith.constant 5 : i32
        %parallel_loop3A_452 = arith.index_cast %parallel_loop3A_450 : i32 to index
        %parallel_loop3A_453 = arith.index_cast %parallel_loop3A_134 : i32 to index
        %parallel_loop3A_454 = arith.index_cast %parallel_loop3A_451 : i32 to index
        %parallel_loop3A_455 = arith.index_cast %parallel_loop3A_152 : i32 to index
        %parallel_loop3A_456 = tpu.vector_load %arg9[%parallel_loop3A_452, %parallel_loop3A_453, %parallel_loop3A_454, %parallel_loop3A_455] {strides = array<i32>} : memref<4x4x8x128xf32, #tpu.memory_space<vmem>>, vector<16xf32>,
        tpu.vector_store %arg9[%parallel_loop3A_452, %parallel_loop3A_453, %parallel_loop3A_454, %parallel_loop3A_455], %parallel_loop3A_449 {strides = array<i32>} : memref<4x4x8x128xf32, #tpu.memory_space<vmem>>, vector<16xf32>,
        %parallel_loop3A_457 = arith.constant 30 : i32
        %parallel_loop3A_458 = vector.broadcast %parallel_loop3A_457 : i32 to vector<16xi32>
        %parallel_loop3A_459 = tpu.vector_load_idx %arg7[%parallel_loop3A_156, %parallel_loop3A_458] : memref<512x32xf32, #tpu.memory_space<vmem>>[vector<16xi32>, vector<16xi32>], vector<16xf32>,
        %parallel_loop3A_460 = arith.constant 3 : i32
        %parallel_loop3A_461 = arith.constant 6 : i32
        %parallel_loop3A_462 = arith.index_cast %parallel_loop3A_460 : i32 to index
        %parallel_loop3A_463 = arith.index_cast %parallel_loop3A_134 : i32 to index
        %parallel_loop3A_464 = arith.index_cast %parallel_loop3A_461 : i32 to index
        %parallel_loop3A_465 = arith.index_cast %parallel_loop3A_152 : i32 to index
        %parallel_loop3A_466 = tpu.vector_load %arg9[%parallel_loop3A_462, %parallel_loop3A_463, %parallel_loop3A_464, %parallel_loop3A_465] {strides = array<i32>} : memref<4x4x8x128xf32, #tpu.memory_space<vmem>>, vector<16xf32>,
        tpu.vector_store %arg9[%parallel_loop3A_462, %parallel_loop3A_463, %parallel_loop3A_464, %parallel_loop3A_465], %parallel_loop3A_459 {strides = array<i32>} : memref<4x4x8x128xf32, #tpu.memory_space<vmem>>, vector<16xf32>,
        %parallel_loop3A_467 = arith.constant 31 : i32
        %parallel_loop3A_468 = vector.broadcast %parallel_loop3A_467 : i32 to vector<16xi32>
        %parallel_loop3A_469 = tpu.vector_load_idx %arg7[%parallel_loop3A_156, %parallel_loop3A_468] : memref<512x32xf32, #tpu.memory_space<vmem>>[vector<16xi32>, vector<16xi32>], vector<16xf32>,
        %parallel_loop3A_470 = arith.constant 3 : i32
        %parallel_loop3A_471 = arith.constant 7 : i32
        %parallel_loop3A_472 = arith.index_cast %parallel_loop3A_470 : i32 to index
        %parallel_loop3A_473 = arith.index_cast %parallel_loop3A_134 : i32 to index
        %parallel_loop3A_474 = arith.index_cast %parallel_loop3A_471 : i32 to index
        %parallel_loop3A_475 = arith.index_cast %parallel_loop3A_152 : i32 to index
        %parallel_loop3A_476 = tpu.vector_load %arg9[%parallel_loop3A_472, %parallel_loop3A_473, %parallel_loop3A_474, %parallel_loop3A_475] {strides = array<i32>} : memref<4x4x8x128xf32, #tpu.memory_space<vmem>>, vector<16xf32>,
        tpu.vector_store %arg9[%parallel_loop3A_472, %parallel_loop3A_473, %parallel_loop3A_474, %parallel_loop3A_475], %parallel_loop3A_469 {strides = array<i32>} : memref<4x4x8x128xf32, #tpu.memory_space<vmem>>, vector<16xf32>,
      } {sc.loop_unroll_factor = 2 : i64, sc.parallel_access}
      %add3A_93 = arith.constant 2 : i32
      %add3A_94 = arith.addi %add3A_77, %add3A_93 : i32
      %lt3A_95 = arith.constant 50 : i32
      %lt3A_96 = arith.cmpi slt, %add3A_94, %lt3A_95 : i32
      %convert_element_type3A_97 = arith.extui %lt3A_96 : i1 to i32
      %cond3A_98 = arith.constant 0 : i32
      %cond3A_99 = arith.cmpi ne, %convert_element_type3A_97, %cond3A_98 : i32
      scf.if %cond3A_99 {
        %add3A_110 = arith.constant 2 : i32
        %add3A_111 = arith.addi %add3A_77, %add3A_110 : i32
        %dma_start3A_112 = arith.constant 0 : i32
        %dma_start3A_113 = tpu.memref_slice %arg5[%add3A_111, %dma_start3A_112] : memref<50x512xi32, #tpu.memory_space<vmem>> -> memref<1x512xi32, #tpu.memory_space<vmem>>
        %dma_start3A_114 = tpu.memref_squeeze %dma_start3A_113 : memref<1x512xi32, #tpu.memory_space<vmem>> -> memref<512xi32, #tpu.memory_space<vmem>>
        %dma_start3A_115 = arith.constant 0 : i32
        %dma_start3A_116 = arith.constant 0 : i32
        %dma_start3A_117 = tpu.memref_slice %arg3[%dma_start3A_115, %dma_start3A_116] : memref<1000000x32xf32, #tpu.memory_space<hbm>> -> memref<1000000x32xf32, #tpu.memory_space<hbm>>
        tpu.enqueue_indirect_dma source(%dma_start3A_117 : memref<1000000x32xf32, #tpu.memory_space<hbm>>) target(%arg7 : memref<512x32xf32, #tpu.memory_space<vmem>>) offsets(%dma_start3A_114 : memref<512xi32, #tpu.memory_space<vmem>>) semaphore(%arg11 : memref<!tpu.dma_semaphore, #tpu.memory_space<semaphore_mem>>)
      } else {
      }
      %dma_start3A_100 = arith.constant 0 : i32
      %dma_start3A_101 = arith.constant 0 : i32
      %dma_start3A_102 = arith.constant 0 : i32
      %dma_start3A_103 = tpu.memref_slice %arg4[%add3A_77, %dma_start3A_100, %mul3A_4, %dma_start3A_101, %dma_start3A_102] : memref<50x4x128x8x128xf32, #tpu.memory_space<hbm>> -> memref<1x4x4x8x128xf32, #tpu.memory_space<hbm>>
      %dma_start3A_104 = tpu.memref_squeeze %dma_start3A_103 : memref<1x4x4x8x128xf32, #tpu.memory_space<hbm>> -> memref<4x4x8x128xf32, #tpu.memory_space<hbm>>
      %dma_start3A_105 = arith.constant 0 : i32
      %dma_start3A_106 = arith.constant 0 : i32
      %dma_start3A_107 = arith.constant 0 : i32
      %dma_start3A_108 = tpu.memref_slice %arg4[%add3A_77, %dma_start3A_105, %mul3A_4, %dma_start3A_106, %dma_start3A_107] : memref<50x4x128x8x128xf32, #tpu.memory_space<hbm>> -> memref<1x4x4x8x128xf32, #tpu.memory_space<hbm>>
      %dma_start3A_109 = tpu.memref_squeeze %dma_start3A_108 : memref<1x4x4x8x128xf32, #tpu.memory_space<hbm>> -> memref<4x4x8x128xf32, #tpu.memory_space<hbm>>
      tpu.enqueue_dma source(%arg9 : memref<4x4x8x128xf32, #tpu.memory_space<vmem>>) target(%dma_start3A_109 : memref<4x4x8x128xf32, #tpu.memory_space<hbm>>) target_semaphore(%arg13 : memref<!tpu.dma_semaphore, #tpu.memory_space<semaphore_mem>>)
    }
    %scan3A_21 = arith.constant 25 : i32
    %dma_wait3A = arith.constant 48 : i32
    %dma_wait3A_22 = arith.constant 0 : i32
    %dma_wait3A_23 = arith.constant 0 : i32
    %dma_wait3A_24 = arith.constant 0 : i32
    %dma_wait3A_25 = tpu.memref_slice %arg4[%dma_wait3A, %dma_wait3A_22, %mul3A_4, %dma_wait3A_23, %dma_wait3A_24] : memref<50x4x128x8x128xf32, #tpu.memory_space<hbm>> -> memref<1x4x4x8x128xf32, #tpu.memory_space<hbm>>
    %dma_wait3A_26 = tpu.memref_squeeze %dma_wait3A_25 : memref<1x4x4x8x128xf32, #tpu.memory_space<hbm>> -> memref<4x4x8x128xf32, #tpu.memory_space<hbm>>
    %dma_wait3A_27 = arith.constant 0 : i32
    %dma_wait3A_28 = arith.constant 0 : i32
    %dma_wait3A_29 = arith.constant 0 : i32
    %dma_wait3A_30 = tpu.memref_slice %arg4[%dma_wait3A, %dma_wait3A_27, %mul3A_4, %dma_wait3A_28, %dma_wait3A_29] : memref<50x4x128x8x128xf32, #tpu.memory_space<hbm>> -> memref<1x4x4x8x128xf32, #tpu.memory_space<hbm>>
    %dma_wait3A_31 = tpu.memref_squeeze %dma_wait3A_30 : memref<1x4x4x8x128xf32, #tpu.memory_space<hbm>> -> memref<4x4x8x128xf32, #tpu.memory_space<hbm>>
    tpu.wait_dma2 semaphore(%arg12 : memref<!tpu.dma_semaphore, #tpu.memory_space<semaphore_mem>>) src(%arg8 : memref<4x4x8x128xf32, #tpu.memory_space<vmem>>) dst(%dma_wait3A_31 : memref<4x4x8x128xf32, #tpu.memory_space<hbm>>)
    %dma_wait3A_32 = arith.constant 49 : i32
    %dma_wait3A_33 = arith.constant 0 : i32
    %dma_wait3A_34 = arith.constant 0 : i32
    %dma_wait3A_35 = arith.constant 0 : i32
    %dma_wait3A_36 = tpu.memref_slice %arg4[%dma_wait3A_32, %dma_wait3A_33, %mul3A_4, %dma_wait3A_34, %dma_wait3A_35] : memref<50x4x128x8x128xf32, #tpu.memory_space<hbm>> -> memref<1x4x4x8x128xf32, #tpu.memory_space<hbm>>
    %dma_wait3A_37 = tpu.memref_squeeze %dma_wait3A_36 : memref<1x4x4x8x128xf32, #tpu.memory_space<hbm>> -> memref<4x4x8x128xf32, #tpu.memory_space<hbm>>
    %dma_wait3A_38 = arith.constant 0 : i32
    %dma_wait3A_39 = arith.constant 0 : i32
    %dma_wait3A_40 = arith.constant 0 : i32
    %dma_wait3A_41 = tpu.memref_slice %arg4[%dma_wait3A_32, %dma_wait3A_38, %mul3A_4, %dma_wait3A_39, %dma_wait3A_40] : memref<50x4x128x8x128xf32, #tpu.memory_space<hbm>> -> memref<1x4x4x8x128xf32, #tpu.memory_space<hbm>>
    %dma_wait3A_42 = tpu.memref_squeeze %dma_wait3A_41 : memref<1x4x4x8x128xf32, #tpu.memory_space<hbm>> -> memref<4x4x8x128xf32, #tpu.memory_space<hbm>>
    tpu.wait_dma2 semaphore(%arg13 : memref<!tpu.dma_semaphore, #tpu.memory_space<semaphore_mem>>) src(%arg9 : memref<4x4x8x128xf32, #tpu.memory_space<vmem>>) dst(%dma_wait3A_42 : memref<4x4x8x128xf32, #tpu.memory_space<hbm>>)
    return
  }
}

</mosaic_0001>

<sc_bundles>
// kernel: kernel.3.cloned.1.call-start
scs
__scs_entry_jumppad:
0x0: {  	(pc) =	sbr.rel $0x88, $3  }
0x1: {  	(tag) =	ssettag $0x0;
	lr =	simm.s32 $0x1  }
0x2: {  	[smem:$0x3F9F] =	sst lr;
	_ =	strace $0xD0000000  }
0x3: {  	_ = 	snop  }
0x4: {  	_ = 	snop  }
0x5: {  	_ = 	snop  }
0x6: {  	_ = 	snop  }
0x7: {  	_ = 	snop  }
__scs_overlays_trampoline_lowered:
0x8: {  	[smem:$0x3FAE] =	sst s0  }
0x9: {  	[smem:$0x3FAF] =	sst s1  }
0xa: {  	[smem:$0x3FB0] =	sst s2  }
0xb: {  	[smem:$0x3FB1] =	sst s3  }
0xc: {  	[smem:$0x3FB2] =	sst s4  }
0xd: {  	[smem:$0x3FB3] =	sst s5  }
0xe: {  	[smem:$0x3FB4] =	sst s6  }
0xf: {  	[smem:$0x3FB5] =	sst s7  }
0x10: {  	[smem:$0x3FB6] =	sst s8  }
0x11: {  	[smem:$0x3FB7] =	sst s9;
	s0 =	simm.s32 @!p0 $0x0  }
0x12: {  	s1 =	sld [smem:$0x3F9D];
	s0 =	simm.s32 @p0 $0x1  }
0x13: {  	[smem:$0x3FB8] =	sst s0;
	s0 =	simm.s32 @!p1 $0x0  }
0x14: {  	s2 =	sld [smem:$0x3F9C];
	s0 =	simm.s32 @p1 $0x1  }
0x15: {  	[smem:$0x3FB9] =	sst s0;
	s0 =	simm.s32 @!p2 $0x0  }
0x16: {  	s3 =	sld [smem:$0x3FDB];
	s0 =	simm.s32 @p2 $0x1  }
0x17: {  	s4 =	simm.s32 $0x1BF5;
	[smem:$0x3FBB] =	sst s0  }
0x18: {  	s0 =	sld [smem:$0x3F9E];
	_ =	swait.ge [sflag:s4], $0x0  }
0x19: {  	s7 =	sld [smem:$0x3F9F]  }
0x1a: {  	s8 =	sadd.s32 $0xFFFFE003, lr  }
0x1b: {  	s9 =	sadd.s32 $0xFFFFFEF7, lr;
	s5 =	simm.s32 $0xFFFFFFFF;
	p2 =	slt.u32 s8, $0xFFFFF086  }
0x1c: {  	p1 =	slt.u32 s9, $0xF7A;
	s5 =	simm.s32 @!p2 $0x0  }
0x1d: {  	s5 =	simm.s32 @p1 $0x1;
	p0 =	seq.s32 s7, s2  }
0x1e: {  	s7 =	smul.u32 @!p0 $0xF7A, s2;
	p2 =	seq.s32 @!p0 s5, $0x0  }
0x1f: {  	s9 =	smul.u32 $0xF7A, s1;
	s8 =	simm.s32 @!p0 $0x1BF5;
	p2 =	por !p2, p0  }
0x20: {  	[sflag:s8] =	ssyncset.s32 @!p0 $0xFFFFF086;
	s6 =	sadd.s32 @!p0 s3, s7;
	s7 =	simm.s32 @!p0 $0x108  }
0x21: {  	s3 =	sadd.s32 s3, s9;
	s6 =	sadd.s32 @!p0 $0x88, s6;
	s7 =	simm.s32 @p2 $0x1082  }
0x22: {  	[simem:s7], [sflag:s8] =	dma.local @!p0 [hbm:s6], $0xF7A  }
0x23: {  	s9 =	sor.u32 $0xD0000000, s2;
	s6 =	simm.s32 $0x108;
	_ =	swait.ge @!p0 [sflag:s8], $0x0  }
0x24: {  	s3 =	sadd.s32 $0x88, s3;
	s6 =	simm.s32 @!p1 $0x1082;
	[sflag:s4] =	ssyncset.s32 $0xFFFFF086  }
0x25: {  	[simem:s6], [sflag:s4] =	dma.local [hbm:s3], $0xF7A  }
0x26: {  	[smem:$0x3F9F] =	sst s1;
	(tag) =	ssettag s2;
	_ =	strace s9  }
0x27: {  	s1 =	sld [smem:$0x3FAF]  }
0x28: {  	s2 =	sld [smem:$0x3FB0]  }
0x29: {  	s4 =	sld [smem:$0x3FB2]  }
0x2a: {  	p0 =	seq.s32 s5, $0x0;
	s5 =	sld [smem:$0x3FB3]  }
0x2b: {  	s6 =	sld [smem:$0x3FB4]  }
0x2c: {  	s7 =	sld [smem:$0x3FB5]  }
0x2d: {  	s3 =	simm.s32 $0x108;
	s8 =	sld [smem:$0x3FB6]  }
0x2e: {  	s3 =	simm.s32 @!p0 $0x1082;
	s9 =	sld [smem:$0x3FB7]  }
0x2f: {  	lr =	sadd.s32 s0, s3;
	s0 =	sld [smem:$0x3FAE]  }
0x30: {  	s3 =	sld [smem:$0x3FB1]  }
0x31: {  	[smem:$0x3FBA] =	sst s10  }
0x32: {  	s10 =	sld [smem:$0x3FB8];
	_ =	sdelay $0x3  }
0x33: {  	p0 =	seq.s32 s10, $0x1;
	s10 =	sld [smem:$0x3FBA];
	_ =	sdelay $0x3  }
0x34: {  	[smem:$0x3FBA] =	sst s10  }
0x35: {  	s10 =	sld [smem:$0x3FB9];
	_ =	sdelay $0x3  }
0x36: {  	p1 =	seq.s32 s10, $0x1;
	s10 =	sld [smem:$0x3FBA];
	_ =	sdelay $0x3  }
0x37: {  	[smem:$0x3FBA] =	sst s10  }
0x38: {  	s10 =	sld [smem:$0x3FBB]  }
0x39: {  	_ = 	snop;
	(pc) =	sbr.ind lr, $3  }
0x3a: {  	_ = 	snop  }
0x3b: {  	_ = 	snop  }
0x3c: {  	p2 =	seq.s32 s10, $0x1;
	s10 =	sld [smem:$0x3FBA]  }
0x3d: {  	_ =	shalt  }
0x3e: {  	_ =	shalt  }
0x3f: {  	_ =	shalt  }
0x40: {  	_ =	shalt  }
0x41: {  	_ =	shalt  }
0x42: {  	_ =	shalt  }
0x43: {  	_ =	shalt  }
0x44: {  	_ =	shalt  }
0x45: {  	_ =	shalt  }
0x46: {  	_ =	shalt  }
0x47: {  	_ =	shalt  }
0x48: {  	_ =	shalt  }
0x49: {  	_ =	shalt  }
0x4a: {  	_ =	shalt  }
0x4b: {  	_ =	shalt  }
0x4c: {  	_ =	shalt  }
0x4d: {  	_ =	shalt  }
0x4e: {  	_ =	shalt  }
0x4f: {  	_ =	shalt  }
0x50: {  	_ =	shalt  }
0x51: {  	_ =	shalt  }
0x52: {  	_ =	shalt  }
0x53: {  	_ =	shalt  }
0x54: {  	_ =	shalt  }
0x55: {  	_ =	shalt  }
0x56: {  	_ =	shalt  }
0x57: {  	_ =	shalt  }
0x58: {  	_ =	shalt  }
0x59: {  	_ =	shalt  }
0x5a: {  	_ =	shalt  }
0x5b: {  	_ =	shalt  }
0x5c: {  	_ =	shalt  }
0x5d: {  	_ =	shalt  }
0x5e: {  	_ =	shalt  }
0x5f: {  	_ =	shalt  }
0x60: {  	_ =	shalt  }
0x61: {  	_ =	shalt  }
0x62: {  	_ =	shalt  }
0x63: {  	_ =	shalt  }
0x64: {  	_ =	shalt  }
0x65: {  	_ =	shalt  }
0x66: {  	_ =	shalt  }
0x67: {  	_ =	shalt  }
0x68: {  	_ =	shalt  }
0x69: {  	_ =	shalt  }
0x6a: {  	_ =	shalt  }
0x6b: {  	_ =	shalt  }
0x6c: {  	_ =	shalt  }
0x6d: {  	_ =	shalt  }
0x6e: {  	_ =	shalt  }
0x6f: {  	_ =	shalt  }
0x70: {  	_ =	shalt  }
0x71: {  	_ =	shalt  }
0x72: {  	_ =	shalt  }
0x73: {  	_ =	shalt  }
0x74: {  	_ =	shalt  }
0x75: {  	_ =	shalt  }
0x76: {  	_ =	shalt  }
0x77: {  	_ =	shalt  }
0x78: {  	_ =	shalt  }
0x79: {  	_ =	shalt  }
0x7a: {  	_ =	shalt  }
0x7b: {  	_ =	shalt  }
0x7c: {  	_ =	shalt  }
0x7d: {  	_ =	shalt  }
0x7e: {  	_ =	shalt  }
0x7f: {  	_ =	shalt  }
0x80: {  	_ =	shalt  }
0x81: {  	_ =	shalt  }
0x82: {  	_ =	shalt  }
0x83: {  	_ =	shalt  }
0x84: {  	_ =	shalt  }
0x85: {  	_ =	shalt  }
0x86: {  	_ =	shalt  }
0x87: {  	_ =	shalt  }
.Lfunc_end0:
.L_simem_size_0:
called_computation_lowered:
.L_overlay_start_0:
0x88: {  	s2 =	sld [smem:$0x3FD9]  }
0x89: {  	s3 =	sld [smem:$0x3FFE];
	_ =	sdelay $0x1  }
0x8a: {  	s1 =	srdreg.scid  }
0x8b: {  	s0 =	sand.u32 $0x1, s1  }
0x8c: {  	s17 =	sshll.u32 s0, $0xA;
	s2 =	sadd.s32 s3, s2  }
0x8d: {  	s2 =	sadd.s32 s2, s17  }
0x8e: {  	[smem:$0x3FC6] =	sst s2  }
0x8f: {  	_ = 	snop  }
0x90: {  	s2 =	sld [smem:$0x3FD0];
	(tm) =	ssettm $0x1  }
0x91: {  	s18 =	sld [smem:$0x3FFB];
	_ =	sdelay $0x3  }
0x92: {  	_ =	strace s18  }
0x93: {  	s3 =	sld [smem:$0x3FFC];
	_ =	sdelay $0x3  }
0x94: {  	_ =	strace s3  }
0x95: {  	s3 =	sld [smem:$0x3FFD];
	_ =	sdelay $0x3  }
0x96: {  	_ =	strace s3  }
0x97: {  	_ =	strace $0x8FFFFFFF  }
0x98: {  	s19 =	sld [smem:$0x3FDB];
	_ =	sdelay $0x1  }
0x99: {  	s4 =	simm.s32 $_scs_section_size  }
0x9a: {  	s5 =	simm.s32 $_size__tile_overlayer_lowered;
	s6 =	simm.s32 $_tile_overlayer_lowered  }
0x9b: {  	s22 =	simm.s32 $0x1BFF;
	s21 =	sshll.u32 s6, $0x1;
	s3 =	sadd.s32 s4, s19  }
0x9c: {  	s7 =	simm.s32 $0x0;
	s20 =	sshll.u32 s5, $0x1;
	s5 =	sadd.s32 s21, s3  }
0x9d: {  	[timem:s7], [sflag:s22] =	dma.local [hbm:s5], s20  }
0x9e: {  	_ =	swait.ge [sflag:s22], s20  }
0x9f: {  	s4 =	ssub.s32 $0x0, s20;
	[sflag:s22] =	ssyncset.done $0x0  }
0xa0: {  	[sflag:s22] =	ssyncadd.s32 s4;
	_ =	sdelay $0x1  }
0xa1: {  	s23 =	simm.s32 $0x1B8B  }
0xa2: {  	_ =	swait.ge [sflag:s23], $0x1  }
0xa3: {  	[sflag:s23] =	ssyncset.done $0x0  }
0xa4: {  	s25 =	simm.s32 $0x1B8E;
	s24 =	sld [smem:$0x3FFE];
	[sflag:s23] =	ssyncadd.s32 $0xFFFFFFFF  }
0xa5: {  	s26 =	simm.s32 $execute0_lowered;
	[smem:$0x3FD2] =	sst s25  }
0xa6: {  	s5 =	sshll.u32 s26, $0x1;
	_ =	strace $0x80000046;
	[dreg:$0x1] =	wrdreg $0xFFFFFFFF  }
0xa7: {  	s28 =	simm.s32 $_size_execute0_lowered;
	s3 =	sadd.s32 s3, s5;
	[dreg:$0x0] =	wrdreg $0x0  }
0xa8: {  	s5 =	sshll.u32 s28, $0x1;
	[dreg:$0x2] =	wrdreg s3  }
0xa9: {  	[dreg:$0x3] =	wrdreg s5  }
0xaa: {  	[dreg:$0x4] =	wrdreg $0xC0  }
0xab: {  	_ =	task [dreg:s7], $0x5FFFF  }
0xac: {  	[dreg:$0x1] =	wrdreg $0xFFFFFFFF  }
0xad: {  	[dreg:$0x0] =	wrdreg $0x60  }
0xae: {  	[dreg:$0x2] =	wrdreg s24  }
0xaf: {  	[dreg:$0x3] =	wrdreg s2  }
0xb0: {  	[dreg:$0x4] =	wrdreg $0x9  }
0xb1: {  	_ =	task.clear_ibuf [dreg:s7], $0x5FFFF;
	_ =	strace $0x90000046  }
0xb2: {  	s29 =	simm.s32 $0x9;
	_ =	strace $0x80000048  }
0xb3: {  	_ =	swait.ge [sflag:s29], $0x1  }
0xb4: {  	[sflag:s29] =	ssyncadd.s32 $0xFFFFFFFF  }
0xb5: {  	_ =	strace $0x90000048  }
0xb6: {  	_ =	sfence  }
0xb7: {  	s30 =	sld [smem:$0x0];
	_ =	sdelay $0x2  }
0xb8: {  	s31 =	sshll.u32 s1, $0xD;
	s1 =	sshrl.u32 s1, $0x2  }
0xb9: {  	s3 =	sand.u32 $0x4000, s31;
	s1 =	sadd.s32 s1, s30  }
0xba: {  	s0 =	sor.u32 s3, s0;
	s1 =	sshll.u32 s1, $0x11  }
0xbb: {  	s0 =	sor.u32 s1, s0  }
0xbc: {  	s0 =	sadd.s32 $0x8F2B, s0  }
0xbd: {  	[sflag:s0] =	ssyncadd.remote.s32 $0x1  }
0xbe: {  	_ =	sfence.sel $0xFFFF  }
0xbf: {  	[dreg:$0x0] =	wrdreg $0xFFFFFFFF;
	(pc) =	sbr.abs _section_cstart, $3  }
0xc0: {  	[dreg:$0x1] =	wrdreg $0xFFFFFFFF  }
0xc1: {  	_ =	task.clear_ibuf [dreg:s7], $0x2FFFF;
	_ =	strace $0x9FFFFFFF  }
0xc2: {  	(tm) =	ssettm $0x7FFFFFFF  }
0xc3: {  	_ =	shalt  }
tec
execute0_lowered:
.L_overlay_start_1:
0x0: {  	(tag) =	ssettag $0x1  }
0x1: {  	s0 =	rddreg [dreg:$0x0]  }
0x2: {  	s4 =	rddreg [dreg:$0x1]  }
0x3: {  	s1 =	srdreg.scid;
	s2 =	stileid.u32;
	s3 =	simm.s32 $0x0  }
0x4: {  	s1 =	sand.u32 $0x1, s1;
	s2 =	sshll.u32 s2, $0x1;
	[smem:$0x7FF] =	sst s3  }
0x5: {  	s6 =	sadd.s32 $0xF42A00, s0;
	s31 =	sadd.s32 $0x10000, s4;
	s2 =	sor.u32 s1, s2  }
0x6: {  	s1 =	ssub.s32 $0x2, s1;
	_ =	strace $0x80000047;
	[dreg:$0x6] =	wrdreg s31  }
0x7: {  	s4 =	smov.u32 s6;
	s26 =	sshll.u32 s2, $0x6;
	s5 =	sshrl.u32 s1, $0x1  }
0x8: {  	v0 =	vlaneseq.u32;
	s30 =	sshll.u32 s2, $0x9;
	[dreg:$0x3] =	wrdreg s4;
	s3 =	sadd.s32 s26, s0  }
0x9: {  	v0 =	vmul.u32 $0x20, v0;
	s28 =	ssub.s32 s1, s5;
	[dreg:$0x5] =	wrdreg s30;
	s29 =	sadd.s32 $0x600, s3  }
0xa: {  	s12 =	simm.s32 $0x6400;
	s0 =	smax.u32 s28, $0x1;
	[dreg:$0x4] =	wrdreg s29  }
0xb: {  	s13 =	simm.s32 $0xA400;
	[tilespmem:$0x1FFF0] =	vst v0;
	s2 =	simm.s32 $0x0;
	[dreg:$0x7] =	wrdreg s0  }
.LBB2_1:
0xc: {  	[dreg:$0x8] =	wrdreg s2  }
0xd: {  	s0 =	simm.s32 $0x0;
	s1 =	rddreg [dreg:$0x4]  }
0xe: {  	s30 =	simm.s32 $0x200;
	s3 =	simm.s32 $0x4000;
	s31 =	simm.s32 $0x5  }
0xf: {  	[tilespmem:s0], [sflag:$0x5] =	stream.strided.gather [hbm4b:s1+s30], $0x6400, s3, s30, $0x38;
	[tilespmem:$0x16400] =	vst v63  }
0x10: {  	_ =	swait.ge [sflag:s31], $0x6400  }
0x11: {  	[sflag:s31] =	ssyncset.done $0x0  }
0x12: {  	[sflag:s31] =	ssyncadd.s32 $0xFFFF9C00  }
0x13: {  	[tilespmem:s12], [sflag:$0x1] =	stream.indirect.gather [hbm4b:s4+s30], $0x20, s0, s30, $0xb8;
	[tilespmem:$0x16400] =	vst v63  }
0x14: {  	s23 =	simm.s32 $0x0  }
0x15: {  	[tilespmem:s13], [sflag:$0x2] =	stream.indirect.gather [hbm4b:s4+s30], $0x20, s30, s30, $0xb8;
	[tilespmem:$0x16400] =	vst v63  }
.LBB2_2:
0x16: {  	s1 =	simm.s32 $0x1  }
0x17: {  	_ =	swait.ge [sflag:s1], $0x4000  }
0x18: {  	v19 =	vld [tilespmem:$0x1FFF0];
	_ =	sdelay $0x1  }
0x19: {  	s0 =	simm.s32 $0x0  }
0x1a: {  	v0 =	vmov s0  }
0x1b: {  	v0 =	vshll.u32 v0, $0x5  }
0x1c: {  	p0 =	seq.s32 s23, $0x0;
	[sflag:s1] =	ssyncset.done $0x0;
	v5 =	vor.u32 v19, v0  }
0x1d: {  	[sflag:s1] =	ssyncadd.s32 $0xFFFFC000;
	s1 =	simm.s32 @!p0 $0x3  }
0x1e: {  	s2 =	simm.s32 $0x10;
	_ =	swait.ge @!p0 [sflag:s1], $0x4000  }
0x1f: {  	[sflag:s1] =	ssyncset.done @!p0 $0x0;
	v0 =	vmov s2  }
0x20: {  	[sflag:s1] =	ssyncadd.s32 @!p0 $0xFFFFC000;
	v0 =	vshll.u32 v0, $0x5  }
0x21: {  	v4 =	vor.u32 v19, v0;
	v0 =	vld.idx.msk [tilespmem:v5+s12+$0x0], $0xffff  }
0x22: {  	s19 =	simm.s32 $0x0;
	v1 =	vor.u32 $0x1, v5  }
0x23: {  	s9 =	sand.u32 $0xC00, s19  }
0x24: {  	s8 =	sand.u32 $0x60, s0;
	s20 =	sadd.s32 $0xE400, s9  }
0x25: {  	s21 =	sor.u32 s8, s20  }
0x26: {  	v2 =	vld.idx.msk [tilespmem:v4+s12+$0x0], $0xffff;
	[tilespmem:s21+$0x0] =	vst v0  }
0x27: {  	v0 =	vor.u32 $0x1, v4;
	v1 =	vld.idx.msk [tilespmem:v1+s12+$0x0], $0xffff  }
0x28: {  	v3 =	vor.u32 $0x2, v5  }
0x29: {  	s3 =	sand.u32 $0x70, s2  }
0x2a: {  	s0 =	sor.u32 s3, s20  }
0x2b: {  	[tilespmem:s0+$0x0] =	vst v2  }
0x2c: {  	v0 =	vld.idx.msk [tilespmem:v0+s12+$0x0], $0xffff;
	[tilespmem:s21+$0x80] =	vst v1  }
0x2d: {  	v1 =	vor.u32 $0x2, v4;
	v2 =	vld.idx.msk [tilespmem:v3+s12+$0x0], $0xffff  }
0x2e: {  	v3 =	vor.u32 $0x3, v5;
	_ =	sdelay $0x2  }
0x2f: {  	[tilespmem:s0+$0x80] =	vst v0  }
0x30: {  	v0 =	vld.idx.msk [tilespmem:v1+s12+$0x0], $0xffff;
	[tilespmem:s21+$0x100] =	vst v2  }
0x31: {  	v1 =	vor.u32 $0x3, v4;
	v2 =	vld.idx.msk [tilespmem:v3+s12+$0x0], $0xffff  }
0x32: {  	v3 =	vor.u32 $0x4, v5;
	_ =	sdelay $0x2  }
0x33: {  	[tilespmem:s0+$0x100] =	vst v0  }
0x34: {  	v0 =	vld.idx.msk [tilespmem:v1+s12+$0x0], $0xffff;
	[tilespmem:s21+$0x180] =	vst v2  }
0x35: {  	v1 =	vor.u32 $0x4, v4;
	v2 =	vld.idx.msk [tilespmem:v3+s12+$0x0], $0xffff  }
0x36: {  	v3 =	vor.u32 $0x5, v5;
	_ =	sdelay $0x2  }
0x37: {  	[tilespmem:s0+$0x180] =	vst v0  }
0x38: {  	v0 =	vld.idx.msk [tilespmem:v1+s12+$0x0], $0xffff;
	[tilespmem:s21+$0x200] =	vst v2  }
0x39: {  	v1 =	vor.u32 $0x5, v4;
	v2 =	vld.idx.msk [tilespmem:v3+s12+$0x0], $0xffff  }
0x3a: {  	v3 =	vor.u32 $0x6, v5;
	_ =	sdelay $0x2  }
0x3b: {  	[tilespmem:s0+$0x200] =	vst v0  }
0x3c: {  	v0 =	vld.idx.msk [tilespmem:v1+s12+$0x0], $0xffff;
	[tilespmem:s21+$0x280] =	vst v2  }
0x3d: {  	v1 =	vor.u32 $0x6, v4;
	v2 =	vld.idx.msk [tilespmem:v3+s12+$0x0], $0xffff  }
0x3e: {  	v3 =	vor.u32 $0x7, v5;
	_ =	sdelay $0x2  }
0x3f: {  	[tilespmem:s0+$0x280] =	vst v0  }
0x40: {  	v0 =	vld.idx.msk [tilespmem:v1+s12+$0x0], $0xffff;
	[tilespmem:s21+$0x300] =	vst v2  }
0x41: {  	v1 =	vor.u32 $0x7, v4;
	v2 =	vld.idx.msk [tilespmem:v3+s12+$0x0], $0xffff  }
0x42: {  	v3 =	vor.u32 $0x8, v5;
	_ =	sdelay $0x2  }
0x43: {  	[tilespmem:s0+$0x300] =	vst v0  }
0x44: {  	s22 =	simm.s32 $0x20;
	v0 =	vld.idx.msk [tilespmem:v1+s12+$0x0], $0xffff;
	[tilespmem:s21+$0x380] =	vst v2  }
0x45: {  	v1 =	vmov s22;
	v2 =	vor.u32 $0x8, v4;
	v3 =	vld.idx.msk [tilespmem:v3+s12+$0x0], $0xffff  }
0x46: {  	v7 =	vor.u32 $0x9, v5;
	v1 =	vshll.u32 v1, $0x5  }
0x47: {  	s25 =	simm.s32 $0x30;
	v1 =	vor.u32 v19, v1  }
0x48: {  	v6 =	vmov s25;
	s5 =	sadd.s32 $0xF400, s9  }
0x49: {  	s26 =	sor.u32 s8, s5;
	[tilespmem:s0+$0x380] =	vst v0;
	v0 =	vshll.u32 v6, $0x5  }
0x4a: {  	v2 =	vld.idx.msk [tilespmem:v2+s12+$0x0], $0xffff;
	v6 =	vor.u32 v19, v0;
	[tilespmem:s26+$0x0] =	vst v3  }
0x4b: {  	v0 =	vor.u32 $0x9, v4;
	v3 =	vld.idx.msk [tilespmem:v7+s12+$0x0], $0xffff  }
0x4c: {  	v8 =	vor.u32 $0xA, v5;
	v7 =	vld.idx.msk [tilespmem:v1+s12+$0x0], $0xffff  }
0x4d: {  	s6 =	simm.s32 $0x100;
	v9 =	vor.u32 $0x1, v1  }
0x4e: {  	s24 =	sand.u32 $0xC00, s6;
	s6 =	sadd.s32 $0xF480, s9;
	s5 =	sor.u32 s3, s5  }
0x4f: {  	s7 =	sor.u32 s8, s6;
	s0 =	sadd.s32 $0xE400, s24;
	s26 =	sand.u32 $0x60, s22;
	[tilespmem:s5+$0x0] =	vst v2;
	v2 =	vld.idx.msk [tilespmem:v6+s12+$0x0], $0xffff  }
0x50: {  	v10 =	vor.u32 $0x1, v6;
	s1 =	sor.u32 s26, s0;
	v0 =	vld.idx.msk [tilespmem:v0+s12+$0x0], $0xffff;
	[tilespmem:s7+$0x0] =	vst v3  }
0x51: {  	v3 =	vor.u32 $0xA, v4;
	[tilespmem:s1+$0x0] =	vst v7;
	v7 =	vld.idx.msk [tilespmem:v8+s12+$0x0], $0xffff  }
0x52: {  	s25 =	sand.u32 $0x70, s25;
	v8 =	vld.idx.msk [tilespmem:v9+s12+$0x0], $0xffff;
	v9 =	vor.u32 $0xB, v5  }
0x53: {  	v11 =	vor.u32 $0x2, v1;
	s0 =	sor.u32 s25, s0  }
0x54: {  	s11 =	sadd.s32 $0xF500, s9;
	s10 =	sor.u32 s3, s6;
	[tilespmem:s0+$0x0] =	vst v2  }
0x55: {  	s14 =	sor.u32 s8, s11;
	v2 =	vld.idx.msk [tilespmem:v10+s12+$0x0], $0xffff;
	[tilespmem:s10+$0x0] =	vst v0  }
0x56: {  	v0 =	vor.u32 $0x2, v6;
	v3 =	vld.idx.msk [tilespmem:v3+s12+$0x0], $0xffff;
	[tilespmem:s14+$0x0] =	vst v7  }
0x57: {  	v7 =	vor.u32 $0xB, v4;
	[tilespmem:s1+$0x80] =	vst v8;
	v8 =	vld.idx.msk [tilespmem:v9+s12+$0x0], $0xffff  }
0x58: {  	v10 =	vor.u32 $0xC, v5;
	v9 =	vld.idx.msk [tilespmem:v11+s12+$0x0], $0xffff  }
0x59: {  	v11 =	vor.u32 $0x3, v1  }
0x5a: {  	s16 =	sadd.s32 $0xF580, s9;
	s15 =	sor.u32 s3, s11;
	[tilespmem:s0+$0x80] =	vst v2  }
0x5b: {  	s17 =	sor.u32 s8, s16;
	v0 =	vld.idx.msk [tilespmem:v0+s12+$0x0], $0xffff;
	[tilespmem:s15+$0x0] =	vst v3  }
0x5c: {  	v2 =	vor.u32 $0x3, v6;
	v3 =	vld.idx.msk [tilespmem:v7+s12+$0x0], $0xffff;
	[tilespmem:s17+$0x0] =	vst v8  }
0x5d: {  	v7 =	vor.u32 $0xC, v4;
	[tilespmem:s1+$0x100] =	vst v9;
	v8 =	vld.idx.msk [tilespmem:v10+s12+$0x0], $0xffff  }
0x5e: {  	v9 =	vld.idx.msk [tilespmem:v11+s12+$0x0], $0xffff;
	v10 =	vor.u32 $0xD, v5  }
0x5f: {  	v11 =	vor.u32 $0x4, v1  }
0x60: {  	s19 =	sadd.s32 $0xF600, s9;
	s18 =	sor.u32 s3, s16;
	[tilespmem:s0+$0x100] =	vst v0  }
0x61: {  	s20 =	sor.u32 s8, s19;
	v0 =	vld.idx.msk [tilespmem:v2+s12+$0x0], $0xffff;
	[tilespmem:s18+$0x0] =	vst v3  }
0x62: {  	v2 =	vor.u32 $0x4, v6;
	v3 =	vld.idx.msk [tilespmem:v7+s12+$0x0], $0xffff;
	[tilespmem:s20+$0x0] =	vst v8  }
0x63: {  	v7 =	vor.u32 $0xD, v4;
	[tilespmem:s1+$0x180] =	vst v9;
	v8 =	vld.idx.msk [tilespmem:v10+s12+$0x0], $0xffff  }
0x64: {  	v9 =	vld.idx.msk [tilespmem:v11+s12+$0x0], $0xffff;
	v10 =	vor.u32 $0xE, v5  }
0x65: {  	v11 =	vor.u32 $0x5, v1  }
0x66: {  	s21 =	sor.u32 s3, s19;
	s22 =	sadd.s32 $0xF680, s9;
	[tilespmem:s0+$0x180] =	vst v0  }
0x67: {  	s6 =	sor.u32 s8, s22;
	v0 =	vld.idx.msk [tilespmem:v2+s12+$0x0], $0xffff;
	[tilespmem:s21+$0x0] =	vst v3  }
0x68: {  	v2 =	vor.u32 $0x5, v6;
	v3 =	vld.idx.msk [tilespmem:v7+s12+$0x0], $0xffff;
	[tilespmem:s6+$0x0] =	vst v8  }
0x69: {  	v7 =	vor.u32 $0xE, v4;
	[tilespmem:s1+$0x200] =	vst v9;
	v8 =	vld.idx.msk [tilespmem:v10+s12+$0x0], $0xffff  }
0x6a: {  	v9 =	vld.idx.msk [tilespmem:v11+s12+$0x0], $0xffff;
	v10 =	vor.u32 $0xF, v5  }
0x6b: {  	v11 =	vor.u32 $0x6, v1  }
0x6c: {  	s7 =	sor.u32 s3, s22;
	s10 =	sadd.s32 $0xF700, s9;
	[tilespmem:s0+$0x200] =	vst v0  }
0x6d: {  	s11 =	sor.u32 s8, s10;
	v0 =	vld.idx.msk [tilespmem:v2+s12+$0x0], $0xffff;
	[tilespmem:s7+$0x0] =	vst v3  }
0x6e: {  	v2 =	vor.u32 $0x6, v6;
	v3 =	vld.idx.msk [tilespmem:v7+s12+$0x0], $0xffff;
	[tilespmem:s11+$0x0] =	vst v8  }
0x6f: {  	v7 =	vor.u32 $0xF, v4;
	[tilespmem:s1+$0x280] =	vst v9;
	v8 =	vld.idx.msk [tilespmem:v10+s12+$0x0], $0xffff  }
0x70: {  	v9 =	vld.idx.msk [tilespmem:v11+s12+$0x0], $0xffff;
	v10 =	vor.u32 $0x10, v5  }
0x71: {  	v11 =	vor.u32 $0x7, v1  }
0x72: {  	s14 =	sor.u32 s3, s10;
	s15 =	sadd.s32 $0xF780, s9;
	[tilespmem:s0+$0x280] =	vst v0  }
0x73: {  	s16 =	sor.u32 s8, s15;
	v0 =	vld.idx.msk [tilespmem:v2+s12+$0x0], $0xffff;
	[tilespmem:s14+$0x0] =	vst v3  }
0x74: {  	v2 =	vor.u32 $0x7, v6;
	v3 =	vld.idx.msk [tilespmem:v7+s12+$0x0], $0xffff;
	[tilespmem:s16+$0x0] =	vst v8  }
0x75: {  	v7 =	vor.u32 $0x10, v4;
	[tilespmem:s1+$0x300] =	vst v9;
	v8 =	vld.idx.msk [tilespmem:v10+s12+$0x0], $0xffff  }
0x76: {  	v9 =	vld.idx.msk [tilespmem:v11+s12+$0x0], $0xffff;
	v10 =	vor.u32 $0x11, v5  }
0x77: {  	v11 =	vor.u32 $0x8, v1  }
0x78: {  	s17 =	sor.u32 s3, s15;
	s18 =	sadd.s32 $0x10400, s9;
	[tilespmem:s0+$0x300] =	vst v0  }
0x79: {  	s19 =	sor.u32 s8, s18;
	v0 =	vld.idx.msk [tilespmem:v2+s12+$0x0], $0xffff;
	[tilespmem:s17+$0x0] =	vst v3  }
0x7a: {  	v3 =	vor.u32 $0x8, v6;
	v7 =	vld.idx.msk [tilespmem:v7+s12+$0x0], $0xffff;
	[tilespmem:s19+$0x0] =	vst v8  }
0x7b: {  	s20 =	simm.s32 $0x40;
	v8 =	vor.u32 $0x11, v4;
	[tilespmem:s1+$0x380] =	vst v9;
	v9 =	vld.idx.msk [tilespmem:v10+s12+$0x0], $0xffff  }
0x7c: {  	s21 =	simm.s32 $0x50;
	v2 =	vmov s20;
	v10 =	vld.idx.msk [tilespmem:v11+s12+$0x0], $0xffff;
	v11 =	vor.u32 $0x12, v5  }
0x7d: {  	v14 =	vor.u32 $0x9, v1;
	v12 =	vmov s21;
	v2 =	vshll.u32 v2, $0x5  }
0x7e: {  	s22 =	sadd.s32 $0x10480, s9;
	s5 =	sor.u32 s3, s18;
	v2 =	vor.u32 v19, v2;
	[tilespmem:s0+$0x380] =	vst v0;
	v0 =	vshll.u32 v12, $0x5  }
0x7f: {  	s10 =	sadd.s32 $0xF400, s24;
	s11 =	sor.u32 s8, s22;
	v3 =	vld.idx.msk [tilespmem:v3+s12+$0x0], $0xffff;
	[tilespmem:s5+$0x0] =	vst v7;
	v13 =	vor.u32 v19, v0  }
0x80: {  	s7 =	sor.u32 s26, s10;
	v0 =	vor.u32 $0x9, v6;
	v7 =	vld.idx.msk [tilespmem:v8+s12+$0x0], $0xffff;
	[tilespmem:s11+$0x0] =	vst v9  }
0x81: {  	v8 =	vor.u32 $0x12, v4;
	[tilespmem:s7+$0x0] =	vst v10;
	v9 =	vld.idx.msk [tilespmem:v11+s12+$0x0], $0xffff  }
0x82: {  	v10 =	vld.idx.msk [tilespmem:v14+s12+$0x0], $0xffff;
	v11 =	vor.u32 $0x13, v5  }
0x83: {  	s5 =	sor.u32 s25, s10;
	v12 =	vld.idx.msk [tilespmem:v2+s12+$0x0], $0xffff;
	v14 =	vor.u32 $0xA, v1  }
0x84: {  	s15 =	sadd.s32 $0x10500, s9;
	s14 =	simm.s32 $0x200;
	v15 =	vor.u32 $0x1, v2;
	s0 =	sor.u32 s3, s22;
	[tilespmem:s5+$0x0] =	vst v3;
	v3 =	vld.idx.msk [tilespmem:v13+s12+$0x0], $0xffff  }
0x85: {  	s28 =	sand.u32 $0xC00, s14;
	s16 =	sadd.s32 $0xF480, s24;
	s17 =	sor.u32 s8, s15;
	v16 =	vor.u32 $0x1, v13;
	[tilespmem:s0+$0x0] =	vst v7;
	v0 =	vld.idx.msk [tilespmem:v0+s12+$0x0], $0xffff  }
0x86: {  	s29 =	sand.u32 $0x60, s20;
	s18 =	sadd.s32 $0xE400, s28;
	s10 =	sor.u32 s26, s16;
	v7 =	vor.u32 $0xA, v6;
	v8 =	vld.idx.msk [tilespmem:v8+s12+$0x0], $0xffff;
	[tilespmem:s17+$0x0] =	vst v9  }
0x87: {  	s30 =	sand.u32 $0x70, s21;
	s1 =	sor.u32 s29, s18;
	v9 =	vor.u32 $0x13, v4;
	[tilespmem:s10+$0x0] =	vst v10;
	v10 =	vld.idx.msk [tilespmem:v11+s12+$0x0], $0xffff  }
0x88: {  	s0 =	sor.u32 s30, s18;
	[tilespmem:s1+$0x0] =	vst v12;
	v12 =	vor.u32 $0x14, v5;
	v11 =	vld.idx.msk [tilespmem:v14+s12+$0x0], $0xffff  }
0x89: {  	s19 =	sor.u32 s25, s16;
	v14 =	vld.idx.msk [tilespmem:v15+s12+$0x0], $0xffff;
	[tilespmem:s0+$0x0] =	vst v3;
	v3 =	vor.u32 $0xB, v1  }
0x8a: {  	s21 =	sadd.s32 $0x10580, s9;
	s20 =	sor.u32 s3, s15;
	v15 =	vld.idx.msk [tilespmem:v16+s12+$0x0], $0xffff;
	[tilespmem:s19+$0x0] =	vst v0;
	v0 =	vor.u32 $0x2, v2  }
0x8b: {  	s22 =	sadd.s32 $0xF500, s24;
	s10 =	sor.u32 s8, s21;
	v16 =	vor.u32 $0x2, v13;
	v7 =	vld.idx.msk [tilespmem:v7+s12+$0x0], $0xffff;
	[tilespmem:s20+$0x0] =	vst v8  }
0x8c: {  	s11 =	sor.u32 s26, s22;
	v8 =	vor.u32 $0xB, v6;
	v9 =	vld.idx.msk [tilespmem:v9+s12+$0x0], $0xffff;
	[tilespmem:s10+$0x0] =	vst v10  }
0x8d: {  	v10 =	vor.u32 $0x14, v4;
	[tilespmem:s11+$0x0] =	vst v11;
	v11 =	vld.idx.msk [tilespmem:v12+s12+$0x0], $0xffff  }
0x8e: {  	[tilespmem:s1+$0x80] =	vst v14;
	v3 =	vld.idx.msk [tilespmem:v3+s12+$0x0], $0xffff;
	v12 =	vor.u32 $0x15, v5  }
0x8f: {  	s5 =	sor.u32 s25, s22;
	v14 =	vor.u32 $0xC, v1;
	v0 =	vld.idx.msk [tilespmem:v0+s12+$0x0], $0xffff;
	[tilespmem:s0+$0x80] =	vst v15  }
0x90: {  	s2 =	sor.u32 s3, s21;
	s14 =	sadd.s32 $0x10600, s9;
	v15 =	vld.idx.msk [tilespmem:v16+s12+$0x0], $0xffff;
	[tilespmem:s5+$0x0] =	vst v7;
	v7 =	vor.u32 $0x3, v2  }
0x91: {  	s15 =	sadd.s32 $0xF580, s24;
	s16 =	sor.u32 s8, s14;
	v16 =	vor.u32 $0x3, v13;
	v8 =	vld.idx.msk [tilespmem:v8+s12+$0x0], $0xffff;
	[tilespmem:s2+$0x0] =	vst v9  }
0x92: {  	s17 =	sor.u32 s26, s15;
	v9 =	vor.u32 $0xC, v6;
	v10 =	vld.idx.msk [tilespmem:v10+s12+$0x0], $0xffff;
	[tilespmem:s16+$0x0] =	vst v11  }
0x93: {  	v11 =	vor.u32 $0x15, v4;
	[tilespmem:s17+$0x0] =	vst v3;
	v3 =	vld.idx.msk [tilespmem:v12+s12+$0x0], $0xffff  }
0x94: {  	[tilespmem:s1+$0x100] =	vst v0;
	v0 =	vld.idx.msk [tilespmem:v14+s12+$0x0], $0xffff;
	v12 =	vor.u32 $0x16, v5  }
0x95: {  	s2 =	sor.u32 s25, s15;
	v14 =	vor.u32 $0xD, v1;
	v7 =	vld.idx.msk [tilespmem:v7+s12+$0x0], $0xffff;
	[tilespmem:s0+$0x100] =	vst v15  }
0x96: {  	s18 =	sadd.s32 $0x10680, s9;
	s5 =	sor.u32 s3, s14;
	v15 =	vld.idx.msk [tilespmem:v16+s12+$0x0], $0xffff;
	[tilespmem:s2+$0x0] =	vst v8;
	v8 =	vor.u32 $0x4, v2  }
0x97: {  	s19 =	sadd.s32 $0xF600, s24;
	s20 =	sor.u32 s8, s18;
	v16 =	vor.u32 $0x4, v13;
	v9 =	vld.idx.msk [tilespmem:v9+s12+$0x0], $0xffff;
	[tilespmem:s5+$0x0] =	vst v10  }
0x98: {  	s21 =	sor.u32 s26, s19;
	v10 =	vor.u32 $0xD, v6;
	v11 =	vld.idx.msk [tilespmem:v11+s12+$0x0], $0xffff;
	[tilespmem:s20+$0x0] =	vst v3  }
0x99: {  	v3 =	vor.u32 $0x16, v4;
	[tilespmem:s21+$0x0] =	vst v0;
	v0 =	vld.idx.msk [tilespmem:v12+s12+$0x0], $0xffff  }
0x9a: {  	[tilespmem:s1+$0x180] =	vst v7;
	v7 =	vld.idx.msk [tilespmem:v14+s12+$0x0], $0xffff;
	v12 =	vor.u32 $0x17, v5  }
0x9b: {  	s5 =	sor.u32 s25, s19;
	v14 =	vor.u32 $0xE, v1;
	v8 =	vld.idx.msk [tilespmem:v8+s12+$0x0], $0xffff;
	[tilespmem:s0+$0x180] =	vst v15  }
0x9c: {  	s22 =	sadd.s32 $0x10700, s9;
	s2 =	sor.u32 s3, s18;
	v15 =	vld.idx.msk [tilespmem:v16+s12+$0x0], $0xffff;
	[tilespmem:s5+$0x0] =	vst v9;
	v9 =	vor.u32 $0x5, v2  }
0x9d: {  	s10 =	sadd.s32 $0xF680, s24;
	s11 =	sor.u32 s8, s22;
	v16 =	vor.u32 $0x5, v13;
	v10 =	vld.idx.msk [tilespmem:v10+s12+$0x0], $0xffff;
	[tilespmem:s2+$0x0] =	vst v11  }
0x9e: {  	s14 =	sor.u32 s26, s10;
	v11 =	vor.u32 $0xE, v6;
	v3 =	vld.idx.msk [tilespmem:v3+s12+$0x0], $0xffff;
	[tilespmem:s11+$0x0] =	vst v0  }
0x9f: {  	v0 =	vor.u32 $0x17, v4;
	[tilespmem:s14+$0x0] =	vst v7;
	v7 =	vld.idx.msk [tilespmem:v12+s12+$0x0], $0xffff  }
0xa0: {  	[tilespmem:s1+$0x200] =	vst v8;
	v8 =	vld.idx.msk [tilespmem:v14+s12+$0x0], $0xffff;
	v12 =	vor.u32 $0x18, v5  }
0xa1: {  	s2 =	sor.u32 s25, s10;
	v14 =	vor.u32 $0xF, v1;
	v9 =	vld.idx.msk [tilespmem:v9+s12+$0x0], $0xffff;
	[tilespmem:s0+$0x200] =	vst v15  }
0xa2: {  	s15 =	sadd.s32 $0x10780, s9;
	s5 =	sor.u32 s3, s22;
	v15 =	vld.idx.msk [tilespmem:v16+s12+$0x0], $0xffff;
	[tilespmem:s2+$0x0] =	vst v10;
	v10 =	vor.u32 $0x6, v2  }
0xa3: {  	s16 =	sadd.s32 $0xF700, s24;
	s17 =	sor.u32 s8, s15;
	v16 =	vor.u32 $0x6, v13;
	v11 =	vld.idx.msk [tilespmem:v11+s12+$0x0], $0xffff;
	[tilespmem:s5+$0x0] =	vst v3  }
0xa4: {  	s18 =	sor.u32 s26, s16;
	v3 =	vor.u32 $0xF, v6;
	v0 =	vld.idx.msk [tilespmem:v0+s12+$0x0], $0xffff;
	[tilespmem:s17+$0x0] =	vst v7  }
0xa5: {  	v7 =	vor.u32 $0x18, v4;
	[tilespmem:s18+$0x0] =	vst v8;
	v8 =	vld.idx.msk [tilespmem:v12+s12+$0x0], $0xffff  }
0xa6: {  	[tilespmem:s1+$0x280] =	vst v9;
	v9 =	vld.idx.msk [tilespmem:v14+s12+$0x0], $0xffff;
	v12 =	vor.u32 $0x19, v5  }
0xa7: {  	s5 =	sor.u32 s25, s16;
	v14 =	vor.u32 $0x10, v1;
	v10 =	vld.idx.msk [tilespmem:v10+s12+$0x0], $0xffff;
	[tilespmem:s0+$0x280] =	vst v15  }
0xa8: {  	s19 =	sadd.s32 $0x11400, s9;
	s2 =	sor.u32 s3, s15;
	v15 =	vld.idx.msk [tilespmem:v16+s12+$0x0], $0xffff;
	[tilespmem:s5+$0x0] =	vst v11;
	v11 =	vor.u32 $0x7, v2  }
0xa9: {  	s20 =	sadd.s32 $0xF780, s24;
	s21 =	sor.u32 s8, s19;
	v16 =	vor.u32 $0x7, v13;
	v3 =	vld.idx.msk [tilespmem:v3+s12+$0x0], $0xffff;
	[tilespmem:s2+$0x0] =	vst v0  }
0xaa: {  	s22 =	sor.u32 s26, s20;
	v0 =	vor.u32 $0x10, v6;
	v7 =	vld.idx.msk [tilespmem:v7+s12+$0x0], $0xffff;
	[tilespmem:s21+$0x0] =	vst v8  }
0xab: {  	v8 =	vor.u32 $0x19, v4;
	[tilespmem:s22+$0x0] =	vst v9;
	v9 =	vld.idx.msk [tilespmem:v12+s12+$0x0], $0xffff  }
0xac: {  	[tilespmem:s1+$0x300] =	vst v10;
	v10 =	vld.idx.msk [tilespmem:v14+s12+$0x0], $0xffff;
	v12 =	vor.u32 $0x1A, v5  }
0xad: {  	s2 =	sor.u32 s25, s20;
	v14 =	vor.u32 $0x11, v1;
	v11 =	vld.idx.msk [tilespmem:v11+s12+$0x0], $0xffff;
	[tilespmem:s0+$0x300] =	vst v15  }
0xae: {  	s10 =	sadd.s32 $0x11480, s9;
	s5 =	sor.u32 s3, s19;
	v15 =	vld.idx.msk [tilespmem:v16+s12+$0x0], $0xffff;
	[tilespmem:s2+$0x0] =	vst v3;
	v3 =	vor.u32 $0x8, v2  }
0xaf: {  	s11 =	sadd.s32 $0x10400, s24;
	s14 =	sor.u32 s8, s10;
	v16 =	vor.u32 $0x8, v13;
	v0 =	vld.idx.msk [tilespmem:v0+s12+$0x0], $0xffff;
	[tilespmem:s5+$0x0] =	vst v7  }
0xb0: {  	s15 =	sor.u32 s26, s11;
	v7 =	vor.u32 $0x11, v6;
	v8 =	vld.idx.msk [tilespmem:v8+s12+$0x0], $0xffff;
	[tilespmem:s14+$0x0] =	vst v9  }
0xb1: {  	v9 =	vor.u32 $0x1A, v4;
	[tilespmem:s15+$0x0] =	vst v10;
	v10 =	vld.idx.msk [tilespmem:v12+s12+$0x0], $0xffff  }
0xb2: {  	[tilespmem:s1+$0x380] =	vst v11;
	v11 =	vld.idx.msk [tilespmem:v14+s12+$0x0], $0xffff;
	s1 =	simm.s32 $0x60;
	v12 =	vor.u32 $0x1B, v5  }
0xb3: {  	s6 =	simm.s32 $0x70;
	s5 =	sor.u32 s25, s11;
	v14 =	vld.idx.msk [tilespmem:v3+s12+$0x0], $0xffff;
	[tilespmem:s0+$0x380] =	vst v15;
	v3 =	vmov s1;
	v15 =	vor.u32 $0x12, v1  }
0xb4: {  	v17 =	vmov s6;
	v18 =	vor.u32 $0x9, v2;
	s16 =	sor.u32 s3, s10;
	s17 =	sadd.s32 $0x11500, s9;
	v16 =	vld.idx.msk [tilespmem:v16+s12+$0x0], $0xffff;
	[tilespmem:s5+$0x0] =	vst v0;
	v0 =	vshll.u32 v3, $0x5  }
0xb5: {  	v17 =	vshll.u32 v17, $0x5;
	s18 =	sadd.s32 $0x10480, s24;
	s19 =	sor.u32 s8, s17;
	v7 =	vld.idx.msk [tilespmem:v7+s12+$0x0], $0xffff;
	[tilespmem:s16+$0x0] =	vst v8;
	v3 =	vor.u32 v19, v0  }
0xb6: {  	s20 =	sadd.s32 $0xF400, s28;
	s21 =	sor.u32 s26, s18;
	v19 =	vor.u32 v19, v17;
	v0 =	vld.idx.msk [tilespmem:v9+s12+$0x0], $0xffff;
	[tilespmem:s19+$0x0] =	vst v10  }
0xb7: {  	s22 =	sor.u32 s29, s20;
	v8 =	vor.u32 $0x9, v13;
	[tilespmem:s21+$0x0] =	vst v11;
	v9 =	vld.idx.msk [tilespmem:v12+s12+$0x0], $0xffff  }
0xb8: {  	s11 =	sor.u32 s30, s20;
	v10 =	vor.u32 $0x12, v6;
	[tilespmem:s22+$0x0] =	vst v14;
	v11 =	vld.idx.msk [tilespmem:v15+s12+$0x0], $0xffff  }
0xb9: {  	s0 =	sor.u32 s25, s18;
	v14 =	vor.u32 $0x1C, v5;
	v12 =	vld.idx.msk [tilespmem:v18+s12+$0x0], $0xffff;
	[tilespmem:s11+$0x0] =	vst v16  }
0xba: {  	s2 =	sor.u32 s3, s17;
	s17 =	sadd.s32 $0x11580, s9;
	v16 =	vor.u32 $0x13, v1;
	v15 =	vld.idx.msk [tilespmem:v3+s12+$0x0], $0xffff;
	[tilespmem:s0+$0x0] =	vst v7  }
0xbb: {  	s14 =	sadd.s32 $0x10500, s24;
	s5 =	simm.s32 $0x300;
	v17 =	vor.u32 $0xA, v2;
	s16 =	sor.u32 s8, s17;
	v7 =	vld.idx.msk [tilespmem:v19+s12+$0x0], $0xffff;
	[tilespmem:s2+$0x0] =	vst v0  }
0xbc: {  	s15 =	sadd.s32 $0xF480, s28;
	s18 =	sor.u32 s26, s14;
	s10 =	sand.u32 $0xC00, s5;
	v8 =	vld.idx.msk [tilespmem:v8+s12+$0x0], $0xffff;
	v0 =	vor.u32 $0x1, v3;
	[tilespmem:s16+$0x0] =	vst v9  }
0xbd: {  	s19 =	sor.u32 s29, s15;
	v18 =	vor.u32 $0x1, v19;
	s11 =	sadd.s32 $0xE400, s10;
	s0 =	sand.u32 $0x60, s1;
	v10 =	vld.idx.msk [tilespmem:v10+s12+$0x0], $0xffff;
	[tilespmem:s18+$0x0] =	vst v11  }
0xbe: {  	s1 =	sand.u32 $0x70, s6;
	s2 =	sor.u32 s0, s11;
	v9 =	vor.u32 $0xA, v13;
	v11 =	vld.idx.msk [tilespmem:v14+s12+$0x0], $0xffff;
	[tilespmem:s19+$0x0] =	vst v12  }
0xbf: {  	s11 =	sor.u32 s1, s11;
	v14 =	vor.u32 $0x13, v6;
	v12 =	vld.idx.msk [tilespmem:v16+s12+$0x0], $0xffff;
	[tilespmem:s2+$0x0] =	vst v15  }
0xc0: {  	s20 =	sor.u32 s30, s15;
	v16 =	vor.u32 $0x1D, v5;
	v15 =	vld.idx.msk [tilespmem:v17+s12+$0x0], $0xffff;
	[tilespmem:s11+$0x0] =	vst v7  }
0xc1: {  	s7 =	sadd.s32 $0x11600, s9;
	s21 =	sor.u32 s25, s14;
	v7 =	vor.u32 $0x14, v1;
	[tilespmem:s20+$0x0] =	vst v8;
	v0 =	vld.idx.msk [tilespmem:v0+s12+$0x0], $0xffff  }
0xc2: {  	s14 =	sor.u32 s8, s7;
	s22 =	sadd.s32 $0x10580, s24;
	v17 =	vld.idx.msk [tilespmem:v18+s12+$0x0], $0xffff;
	v18 =	vor.u32 $0xB, v2;
	[tilespmem:s21+$0x0] =	vst v10  }
0xc3: {  	s16 =	sadd.s32 $0xF500, s28;
	v8 =	vor.u32 $0x2, v3;
	s20 =	sor.u32 s26, s22;
	v9 =	vld.idx.msk [tilespmem:v9+s12+$0x0], $0xffff;
	[tilespmem:s14+$0x0] =	vst v11  }
0xc4: {  	s18 =	sor.u32 s29, s16;
	v10 =	vor.u32 $0x2, v19;
	v14 =	vld.idx.msk [tilespmem:v14+s12+$0x0], $0xffff;
	[tilespmem:s20+$0x0] =	vst v12  }
0xc5: {  	v11 =	vor.u32 $0xB, v13;
	v12 =	vld.idx.msk [tilespmem:v16+s12+$0x0], $0xffff;
	[tilespmem:s18+$0x0] =	vst v15  }
0xc6: {  	v16 =	vor.u32 $0x14, v6;
	v7 =	vld.idx.msk [tilespmem:v7+s12+$0x0], $0xffff;
	[tilespmem:s2+$0x80] =	vst v0  }
0xc7: {  	s20 =	sor.u32 s30, s16;
	v15 =	vor.u32 $0x1E, v5;
	v0 =	vld.idx.msk [tilespmem:v18+s12+$0x0], $0xffff;
	[tilespmem:s11+$0x80] =	vst v17  }
0xc8: {  	s6 =	sadd.s32 $0x11680, s9;
	s21 =	sor.u32 s25, s22;
	v17 =	vor.u32 $0x15, v1;
	v8 =	vld.idx.msk [tilespmem:v8+s12+$0x0], $0xffff;
	[tilespmem:s20+$0x0] =	vst v9  }
0xc9: {  	s22 =	sadd.s32 $0x10600, s24;
	s14 =	sor.u32 s8, s6;
	v18 =	vor.u32 $0xC, v2;
	v10 =	vld.idx.msk [tilespmem:v10+s12+$0x0], $0xffff;
	[tilespmem:s21+$0x0] =	vst v14  }
0xca: {  	s16 =	sadd.s32 $0xF580, s28;
	v9 =	vor.u32 $0x3, v3;
	v11 =	vld.idx.msk [tilespmem:v11+s12+$0x0], $0xffff;
	s21 =	sor.u32 s26, s22;
	[tilespmem:s14+$0x0] =	vst v12  }
0xcb: {  	s18 =	sor.u32 s29, s16;
	v14 =	vor.u32 $0x3, v19;
	v16 =	vld.idx.msk [tilespmem:v16+s12+$0x0], $0xffff;
	[tilespmem:s21+$0x0] =	vst v7  }
0xcc: {  	v12 =	vor.u32 $0xC, v13;
	v7 =	vld.idx.msk [tilespmem:v15+s12+$0x0], $0xffff;
	[tilespmem:s18+$0x0] =	vst v0  }
0xcd: {  	v15 =	vor.u32 $0x15, v6;
	v0 =	vld.idx.msk [tilespmem:v17+s12+$0x0], $0xffff;
	[tilespmem:s2+$0x100] =	vst v8  }
0xce: {  	v5 =	vor.u32 $0x1F, v5;
	s20 =	sor.u32 s30, s16;
	v8 =	vld.idx.msk [tilespmem:v18+s12+$0x0], $0xffff;
	[tilespmem:s11+$0x100] =	vst v10  }
0xcf: {  	s15 =	sadd.s32 $0x11700, s9;
	s21 =	sor.u32 s25, s22;
	v10 =	vor.u32 $0x16, v1;
	v9 =	vld.idx.msk [tilespmem:v9+s12+$0x0], $0xffff;
	[tilespmem:s20+$0x0] =	vst v11  }
0xd0: {  	s19 =	sadd.s32 $0x10680, s24;
	s22 =	sor.u32 s8, s15;
	v17 =	vor.u32 $0xD, v2;
	v14 =	vld.idx.msk [tilespmem:v14+s12+$0x0], $0xffff;
	[tilespmem:s21+$0x0] =	vst v16  }
0xd1: {  	s16 =	sor.u32 s26, s19;
	s14 =	sadd.s32 $0xF600, s28;
	v11 =	vor.u32 $0x4, v3;
	v12 =	vld.idx.msk [tilespmem:v12+s12+$0x0], $0xffff;
	[tilespmem:s22+$0x0] =	vst v7  }
0xd2: {  	s18 =	sor.u32 s29, s14;
	v16 =	vor.u32 $0x4, v19;
	v7 =	vld.idx.msk [tilespmem:v15+s12+$0x0], $0xffff;
	[tilespmem:s16+$0x0] =	vst v0  }
0xd3: {  	v15 =	vor.u32 $0xD, v13;
	v0 =	vld.idx.msk [tilespmem:v5+s12+$0x0], $0xffff;
	[tilespmem:s18+$0x0] =	vst v8  }
0xd4: {  	v5 =	vor.u32 $0x16, v6;
	v8 =	vld.idx.msk [tilespmem:v10+s12+$0x0], $0xffff;
	[tilespmem:s2+$0x180] =	vst v9  }
0xd5: {  	s21 =	sor.u32 s30, s14;
	v10 =	vor.u32 $0x1B, v4;
	v9 =	vld.idx.msk [tilespmem:v17+s12+$0x0], $0xffff;
	[tilespmem:s11+$0x180] =	vst v14  }
0xd6: {  	s9 =	sadd.s32 $0x11780, s9;
	s19 =	sor.u32 s25, s19;
	v11 =	vld.idx.msk [tilespmem:v11+s12+$0x0], $0xffff;
	v14 =	vor.u32 $0x17, v1;
	[tilespmem:s21+$0x0] =	vst v12  }
0xd7: {  	s8 =	sor.u32 s8, s9;
	s22 =	sadd.s32 $0x10700, s24;
	v17 =	vor.u32 $0xE, v2;
	v16 =	vld.idx.msk [tilespmem:v16+s12+$0x0], $0xffff;
	[tilespmem:s19+$0x0] =	vst v7  }
0xd8: {  	s14 =	sadd.s32 $0xF680, s28;
	s16 =	sor.u32 s26, s22;
	v12 =	vor.u32 $0x5, v3;
	v15 =	vld.idx.msk [tilespmem:v15+s12+$0x0], $0xffff;
	[tilespmem:s8+$0x0] =	vst v0  }
0xd9: {  	s18 =	sor.u32 s29, s14;
	v7 =	vor.u32 $0x5, v19;
	v0 =	vld.idx.msk [tilespmem:v5+s12+$0x0], $0xffff;
	[tilespmem:s16+$0x0] =	vst v8  }
0xda: {  	v5 =	vor.u32 $0xE, v13;
	v8 =	vld.idx.msk [tilespmem:v10+s12+$0x0], $0xffff;
	[tilespmem:s18+$0x0] =	vst v9  }
0xdb: {  	v9 =	vor.u32 $0x17, v6;
	v10 =	vld.idx.msk [tilespmem:v14+s12+$0x0], $0xffff;
	[tilespmem:s2+$0x200] =	vst v11  }
0xdc: {  	s19 =	sor.u32 s30, s14;
	v14 =	vor.u32 $0x1C, v4;
	v17 =	vld.idx.msk [tilespmem:v17+s12+$0x0], $0xffff;
	[tilespmem:s11+$0x200] =	vst v16  }
0xdd: {  	s20 =	sor.u32 s25, s22;
	v12 =	vld.idx.msk [tilespmem:v12+s12+$0x0], $0xffff;
	v16 =	vor.u32 $0x18, v1;
	[tilespmem:s19+$0x0] =	vst v15  }
0xde: {  	s22 =	sadd.s32 $0x10780, s24;
	s21 =	sor.u32 s3, s17;
	v7 =	vld.idx.msk [tilespmem:v7+s12+$0x0], $0xffff;
	[tilespmem:s20+$0x0] =	vst v0  }
0xdf: {  	s14 =	sadd.s32 $0xF700, s28;
	s16 =	sor.u32 s26, s22;
	v5 =	vld.idx.msk [tilespmem:v5+s12+$0x0], $0xffff;
	[tilespmem:s21+$0x0] =	vst v8  }
0xe0: {  	v21 =	vor.u32 $0x1D, v4;
	v18 =	vor.u32 $0xF, v2;
	s18 =	sor.u32 s29, s14;
	v8 =	vld.idx.msk [tilespmem:v9+s12+$0x0], $0xffff;
	[tilespmem:s16+$0x0] =	vst v10  }
0xe1: {  	v50 =	vor.u32 $0x1E, v4;
	v32 =	vor.u32 $0x1F, v4;
	v11 =	vor.u32 $0x13, v13;
	v10 =	vld.idx.msk [tilespmem:v14+s12+$0x0], $0xffff;
	[tilespmem:s18+$0x0] =	vst v17  }
0xe2: {  	v38 =	vor.u32 $0x1A, v6;
	v20 =	vor.u32 $0x6, v3;
	v17 =	vld.idx.msk [tilespmem:v16+s12+$0x0], $0xffff;
	[tilespmem:$0x1FF80] =	vst v11;
	v11 =	vor.u32 $0x14, v13  }
0xe3: {  	v60 =	vor.u32 $0x1B, v6;
	v58 =	vor.u32 $0x1C, v6;
	v0 =	vor.u32 $0x6, v19;
	[tilespmem:$0x1FF90] =	vst v11  }
0xe4: {  	v23 =	vor.u32 $0x1D, v6;
	v9 =	vor.u32 $0xF, v13;
	v11 =	vor.u32 $0x15, v13;
	[tilespmem:s2+$0x280] =	vst v12  }
0xe5: {  	v22 =	vor.u32 $0x1E, v6;
	v28 =	vor.u32 $0x10, v2;
	v4 =	vor.u32 $0x18, v6;
	v24 =	vld.idx.msk [tilespmem:v18+s12+$0x0], $0xffff;
	[tilespmem:$0x1FFA0] =	vst v11  }
0xe6: {  	v43 =	vor.u32 $0x11, v13;
	v35 =	vor.u32 $0x12, v13;
	v63 =	vor.u32 $0x16, v13;
	s20 =	sor.u32 s30, s14;
	[tilespmem:s11+$0x280] =	vst v7  }
0xe7: {  	v34 =	vor.u32 $0x17, v13;
	v33 =	vor.u32 $0x18, v13;
	v29 =	vor.u32 $0x19, v13;
	s17 =	sor.u32 s25, s22;
	v26 =	vld.idx.msk [tilespmem:v20+s12+$0x0], $0xffff;
	[tilespmem:s20+$0x0] =	vst v5  }
0xe8: {  	v27 =	vor.u32 $0x1A, v13;
	v25 =	vor.u32 $0x1B, v13;
	s7 =	sor.u32 s3, s7;
	s21 =	sadd.s32 $0x11400, s24;
	v7 =	vor.u32 $0x19, v1;
	[tilespmem:s17+$0x0] =	vst v8;
	v0 =	vld.idx.msk [tilespmem:v0+s12+$0x0], $0xffff  }
0xe9: {  	s22 =	sadd.s32 $0xF780, s28;
	v15 =	vor.u32 $0x19, v6;
	s14 =	sor.u32 s26, s21;
	v14 =	vor.u32 $0x1F, v6;
	v5 =	vor.u32 $0x7, v3;
	[tilespmem:s7+$0x0] =	vst v10;
	v9 =	vld.idx.msk [tilespmem:v9+s12+$0x0], $0xffff  }
0xea: {  	v6 =	vor.u32 $0x10, v13;
	s16 =	sor.u32 s29, s22;
	v16 =	vor.u32 $0x1E, v13;
	v8 =	vor.u32 $0x7, v19;
	v30 =	vld.idx.msk [tilespmem:v4+s12+$0x0], $0xffff;
	[tilespmem:s14+$0x0] =	vst v17  }
0xeb: {  	v18 =	vor.u32 $0x1D, v13;
	v12 =	vor.u32 $0x1F, v13;
	v20 =	vor.u32 $0x1C, v13;
	v13 =	vld.idx.msk [tilespmem:v21+s12+$0x0], $0xffff;
	[tilespmem:s16+$0x0] =	vst v24  }
0xec: {  	v17 =	vld.idx.msk [tilespmem:v28+s12+$0x0], $0xffff;
	[tilespmem:s2+$0x300] =	vst v26  }
0xed: {  	s18 =	sor.u32 s30, s22;
	v7 =	vld.idx.msk [tilespmem:v7+s12+$0x0], $0xffff;
	[tilespmem:s11+$0x300] =	vst v0  }
0xee: {  	v4 =	vor.u32 $0x13, v19;
	v51 =	vld.idx.msk [tilespmem:v5+s12+$0x0], $0xffff;
	[tilespmem:s18+$0x0] =	vst v9  }
0xef: {  	v53 =	vor.u32 $0x11, v2;
	v0 =	vld.idx.msk [tilespmem:v8+s12+$0x0], $0xffff;
	[tilespmem:$0x1FFB0] =	vst v4;
	v4 =	vor.u32 $0x14, v19  }
0xf0: {  	v49 =	vor.u32 $0x8, v19;
	v48 =	vor.u32 $0x9, v19;
	v46 =	vor.u32 $0xA, v19;
	s8 =	sor.u32 s25, s21;
	[tilespmem:$0x1FFC0] =	vst v4  }
0xf1: {  	v45 =	vor.u32 $0xB, v19;
	v10 =	vor.u32 $0x1A, v1;
	v5 =	vor.u32 $0x15, v19;
	[tilespmem:s8+$0x0] =	vst v30  }
0xf2: {  	v44 =	vor.u32 $0xC, v19;
	v42 =	vor.u32 $0xD, v19;
	v4 =	vld.idx.msk [tilespmem:v6+s12+$0x0], $0xffff;
	[tilespmem:$0x1FFD0] =	vst v5;
	v5 =	vor.u32 $0x16, v19  }
0xf3: {  	v41 =	vor.u32 $0xE, v19;
	v40 =	vor.u32 $0xF, v19;
	v39 =	vor.u32 $0x10, v19;
	s6 =	sor.u32 s3, s6;
	s19 =	sadd.s32 $0x11480, s24;
	[tilespmem:$0x1FFE0] =	vst v5  }
0xf4: {  	v47 =	vor.u32 $0x11, v19;
	v37 =	vor.u32 $0x12, v19;
	v31 =	vor.u32 $0x17, v19;
	s21 =	sor.u32 s26, s19;
	s20 =	sadd.s32 $0x10400, s28;
	[tilespmem:s6+$0x0] =	vst v13;
	v5 =	vld.idx.msk [tilespmem:v15+s12+$0x0], $0xffff  }
0xf5: {  	v52 =	vor.u32 $0x1C, v19;
	s31 =	sor.u32 s3, s15;
	s22 =	sor.u32 s29, s20;
	v24 =	vor.u32 $0x1B, v19;
	v28 =	vor.u32 $0x1A, v19;
	[tilespmem:s21+$0x0] =	vst v7;
	v6 =	vld.idx.msk [tilespmem:v50+s12+$0x0], $0xffff  }
0xf6: {  	s7 =	sor.u32 s30, s20;
	s20 =	simm.s32 $0x90;
	v26 =	vor.u32 $0x19, v19;
	v8 =	vor.u32 $0x8, v3;
	v30 =	vor.u32 $0x18, v19;
	s8 =	sor.u32 s3, s9;
	[tilespmem:s22+$0x0] =	vst v17;
	v7 =	vld.idx.msk [tilespmem:v10+s12+$0x0], $0xffff  }
0xf7: {  	s3 =	sshll.u32 s23, $0xC;
	s9 =	simm.s32 $0x6;
	v17 =	vor.u32 $0x1D, v19;
	v13 =	vor.u32 $0x1E, v19;
	v15 =	vor.u32 $0x1F, v19;
	[tilespmem:s2+$0x380] =	vst v51;
	s6 =	sor.u32 s25, s19;
	v9 =	vld.idx.msk [tilespmem:v53+s12+$0x0], $0xffff  }
.LBB2_3:
0xf8: {  	[tilespmem:$0x1FF20] =	vst v26  }
0xf9: {  	[tilespmem:$0x1FF40] =	vst v22  }
0xfa: {  	[tilespmem:$0x1FF10] =	vst v29  }
0xfb: {  	[tilespmem:$0x1FEC0] =	vst v33  }
0xfc: {  	[tilespmem:$0x1FED0] =	vst v30  }
0xfd: {  	[tilespmem:$0x1FF50] =	vst v16  }
0xfe: {  	[tilespmem:$0x1FF60] =	vst v13  }
0xff: {  	[tilespmem:s11+$0x380] =	vst v0  }
0x100: {  	v13 =	vmov v28;
	v54 =	vld.idx.msk [tilespmem:v49+s12+$0x0], $0xffff;
	[tilespmem:s7+$0x0] =	vst v4  }
0x101: {  	v11 =	vld [tilespmem:$0x1FFF0];
	s17 =	sadd.s32 $0x11500, s24;
	[tilespmem:$0x1FEA0] =	vst v13  }
0x102: {  	s19 =	sor.u32 s26, s17;
	v59 =	vld.idx.msk [tilespmem:v43+s12+$0x0], $0xffff;
	[tilespmem:s6+$0x0] =	vst v5  }
0x103: {  	v51 =	vld.idx.msk [tilespmem:v8+s12+$0x0], $0xffff;
	s18 =	sadd.s32 $0x10480, s28;
	[tilespmem:s19+$0x0] =	vst v7  }
0x104: {  	v53 =	vor.u32 $0x1B, v1;
	s7 =	sor.u32 s25, s17;
	s17 =	sor.u32 s29, s18;
	v5 =	vld.idx.msk [tilespmem:v38+s12+$0x0], $0xffff;
	[tilespmem:s31+$0x0] =	vst v6  }
0x105: {  	s2 =	sadd.s32 $0xFFFFFFF0, s20;
	v7 =	vmov v15;
	[tilespmem:s17+$0x0] =	vst v9  }
0x106: {  	v55 =	vor.u32 $0x12, v2;
	v0 =	vmov s2;
	v16 =	vmov v14;
	[tilespmem:$0x1FEF0] =	vst v7  }
0x107: {  	v50 =	vmov s20;
	v57 =	vor.u32 $0x9, v3;
	s15 =	sadd.s32 $0xF400, s10;
	v0 =	vshll.u32 v0, $0x5;
	v9 =	vmovc v12;
	[tilespmem:$0x1FF70] =	vst v16  }
0x108: {  	v8 =	vshll.u32 v50, $0x5;
	s21 =	sor.u32 s0, s15;
	v0 =	vor.u32 v11, v0;
	[tilespmem:$0x1FF30] =	vst v9  }
0x109: {  	s15 =	sor.u32 s1, s15;
	v10 =	vor.u32 v11, v8;
	v36 =	vld.idx.msk [tilespmem:v53+s12+$0x0], $0xffff;
	[tilespmem:s21+$0x0] =	vst v51  }
0x10a: {  	v6 =	vld.idx.msk [tilespmem:v32+s12+$0x0], $0xffff;
	v14 =	vor.u32 $0x6, v10;
	[tilespmem:s15+$0x0] =	vst v54  }
0x10b: {  	v13 =	vor.u32 $0x7, v10;
	v19 =	vld.idx.msk [tilespmem:v55+s12+$0x0], $0xffff;
	[tilespmem:$0x1FEB0] =	vst v14  }
0x10c: {  	s6 =	sor.u32 s30, s18;
	v55 =	vld.idx.msk [tilespmem:v57+s12+$0x0], $0xffff;
	[tilespmem:$0x1FEE0] =	vst v13  }
0x10d: {  	v62 =	vor.u32 $0x1C, v1;
	v15 =	vor.u32 $0x13, v2;
	v51 =	vmovc v17;
	v17 =	vor.u32 $0xA, v3;
	s15 =	sadd.s32 $0x11580, s24;
	[tilespmem:s6+$0x0] =	vst v59;
	v14 =	vld.idx.msk [tilespmem:v0+s12+$0x0], $0xffff  }
0x10e: {  	v30 =	vmovc v25;
	v11 =	vor.u32 $0x1, v10;
	v8 =	vor.u32 $0x2, v10;
	v4 =	vor.u32 $0x3, v10;
	s11 =	sor.u32 s26, s15;
	v16 =	vld.idx.msk [tilespmem:v10+s12+$0x0], $0xffff;
	[tilespmem:s7+$0x0] =	vst v5  }
0x10f: {  	v25 =	vmovc v60;
	v33 =	vmovc v31;
	s5 =	sadd.s32 $0x100, s5;
	v60 =	vor.u32 $0x4, v10;
	v56 =	vor.u32 $0x5, v10;
	v49 =	vor.u32 $0x8, v10;
	s7 =	sadd.s32 $0x10500, s28;
	[tilespmem:s11+$0x0] =	vst v36;
	v21 =	vld.idx.msk [tilespmem:v48+s12+$0x0], $0xffff  }
0x110: {  	v31 =	vmovc v63;
	s14 =	sadd.s32 $0xF480, s10;
	v26 =	vmovc v23;
	s19 =	sand.u32 $0xC00, s5;
	v9 =	vor.u32 $0x9, v10;
	v12 =	vor.u32 $0xA, v10;
	v7 =	vor.u32 $0xC, v10;
	[tilespmem:s8+$0x0] =	vst v6;
	s16 =	sor.u32 s29, s7  }
0x111: {  	s22 =	sand.u32 $0x70, s20;
	s18 =	sor.u32 s0, s14;
	v38 =	vmovc v27;
	v27 =	vmovc v58;
	s17 =	sadd.s32 $0xE400, s19;
	v63 =	vor.u32 $0xD, v10;
	v58 =	vor.u32 $0xE, v10;
	v54 =	vor.u32 $0xF, v10;
	v23 =	vld.idx.msk [tilespmem:v35+s12+$0x0], $0xffff;
	[tilespmem:s16+$0x0] =	vst v19  }
0x112: {  	v43 =	vmovc v47;
	v50 =	vmovc v18;
	v28 =	vor.u32 $0x10, v10;
	v47 =	vor.u32 $0x11, v10;
	v18 =	vor.u32 $0x1, v0;
	s11 =	sor.u32 s22, s17;
	v19 =	vld.idx.msk [tilespmem:v62+s12+$0x0], $0xffff;
	[tilespmem:s18+$0x0] =	vst v55  }
0x113: {  	v29 =	vmovc v20;
	v61 =	vor.u32 $0x12, v10;
	v20 =	vor.u32 $0x13, v10;
	v22 =	vor.u32 $0x14, v10;
	s8 =	sor.u32 s1, s14;
	v15 =	vld.idx.msk [tilespmem:v15+s12+$0x0], $0xffff;
	[tilespmem:s11+$0x0] =	vst v16  }
0x114: {  	v57 =	vor.u32 $0x18, v10;
	v53 =	vor.u32 $0x19, v10;
	v32 =	vor.u32 $0x1F, v10;
	s6 =	sand.u32 $0x60, s2;
	v11 =	vld.idx.msk [tilespmem:v11+s12+$0x0], $0xffff;
	[tilespmem:s8+$0x0] =	vst v21  }
0x115: {  	v13 =	vor.u32 $0xB, v10;
	[tilespmem:$0x1FF00] =	vst v28;
	v28 =	vor.u32 $0x1A, v10;
	v59 =	vor.u32 $0x1D, v10;
	s21 =	sor.u32 s6, s17;
	v35 =	vmovc v34;
	v34 =	vmovc v24;
	v24 =	vld.idx.msk [tilespmem:v46+s12+$0x0], $0xffff  }
0x116: {  	v5 =	vor.u32 $0x16, v10;
	v36 =	vmovc v37;
	v37 =	vmovc v61;
	v61 =	vor.u32 $0x17, v10;
	[tilespmem:s21+$0x0] =	vst v14;
	v46 =	vmov v12;
	v12 =	vld [tilespmem:$0x1FF80]  }
0x117: {  	v48 =	vmovc v9;
	v9 =	vor.u32 $0x15, v10;
	v6 =	vor.u32 $0x1B, v10;
	v14 =	vor.u32 $0x1D, v1;
	v17 =	vld.idx.msk [tilespmem:v17+s12+$0x0], $0xffff  }
0x118: {  	s14 =	sor.u32 s30, s7;
	s16 =	sadd.s32 $0x11600, s24;
	v62 =	vor.u32 $0x1C, v10;
	v55 =	vor.u32 $0x1E, v10;
	v10 =	vor.u32 $0x14, v2  }
0x119: {  	s17 =	sadd.s32 $0x10580, s28;
	s18 =	sor.u32 s26, s16;
	v18 =	vld.idx.msk [tilespmem:v18+s12+$0x0], $0xffff;
	[tilespmem:s14+$0x0] =	vst v23  }
0x11a: {  	s31 =	sor.u32 s29, s17;
	v16 =	vor.u32 $0xB, v3;
	s14 =	sadd.s32 $0xF500, s10;
	[tilespmem:s18+$0x0] =	vst v19  }
0x11b: {  	s2 =	sor.u32 s25, s16;
	v21 =	vor.u32 $0x2, v0;
	s16 =	sor.u32 s0, s14;
	[tilespmem:s31+$0x0] =	vst v15  }
0x11c: {  	v14 =	vld.idx.msk [tilespmem:v14+s12+$0x0], $0xffff;
	[tilespmem:s16+$0x0] =	vst v17  }
0x11d: {  	v10 =	vld.idx.msk [tilespmem:v10+s12+$0x0], $0xffff  }
0x11e: {  	[tilespmem:s21+$0x80] =	vst v18;
	v12 =	vld.idx.msk [tilespmem:v12+s12+$0x0], $0xffff  }
0x11f: {  	v15 =	vld.idx.msk [tilespmem:v16+s12+$0x0], $0xffff  }
0x120: {  	s7 =	sor.u32 s25, s15;
	s15 =	sor.u32 s30, s17;
	s17 =	sor.u32 s1, s14;
	v17 =	vld.idx.msk [tilespmem:v21+s12+$0x0], $0xffff;
	[tilespmem:s11+$0x80] =	vst v11  }
0x121: {  	v8 =	vld.idx.msk [tilespmem:v8+s12+$0x0], $0xffff;
	[tilespmem:s17+$0x0] =	vst v24  }
0x122: {  	v19 =	vmov v20;
	s18 =	sadd.s32 $0x11680, s24;
	v16 =	vor.u32 $0x1E, v1;
	v20 =	vld.idx.msk [tilespmem:v45+s12+$0x0], $0xffff  }
0x123: {  	s14 =	sor.u32 s26, s18;
	v11 =	vor.u32 $0x15, v2;
	[tilespmem:s15+$0x0] =	vst v12;
	v12 =	vld [tilespmem:$0x1FF90]  }
0x124: {  	s31 =	sadd.s32 $0x10600, s28;
	v18 =	vor.u32 $0xC, v3;
	[tilespmem:s14+$0x0] =	vst v14;
	v14 =	vld [tilespmem:$0x1FFC0]  }
0x125: {  	v23 =	vld [tilespmem:$0x1FFB0];
	[tilespmem:$0x1FFB0] =	vst v19;
	v19 =	vor.u32 $0x3, v0;
	s16 =	sor.u32 s29, s31;
	s17 =	sor.u32 s25, s18;
	s18 =	sadd.s32 $0xF580, s10  }
0x126: {  	s14 =	sor.u32 s0, s18;
	[tilespmem:s16+$0x0] =	vst v10  }
0x127: {  	v10 =	vld.idx.msk [tilespmem:v16+s12+$0x0], $0xffff;
	[tilespmem:s14+$0x0] =	vst v15  }
0x128: {  	v45 =	vmov v13;
	v13 =	vmov v22;
	v11 =	vld.idx.msk [tilespmem:v11+s12+$0x0], $0xffff;
	[tilespmem:s21+$0x100] =	vst v17  }
0x129: {  	[tilespmem:$0x1FFC0] =	vst v13;
	v14 =	vmov v14;
	v13 =	vld.idx.msk [tilespmem:v18+s12+$0x0], $0xffff  }
0x12a: {  	[tilespmem:$0x1FF90] =	vst v14;
	v14 =	vor.u32 $0x1F, v1;
	v1 =	vmovc v2;
	v2 =	vmov v3;
	v3 =	vmov v0;
	v0 =	vld.idx.msk [tilespmem:v19+s12+$0x0], $0xffff  }
0x12b: {  	s8 =	sor.u32 s1, s18;
	v12 =	vld.idx.msk [tilespmem:v12+s12+$0x0], $0xffff;
	[tilespmem:s11+$0x100] =	vst v8  }
0x12c: {  	s15 =	sadd.s32 $0x11700, s24;
	v4 =	vld.idx.msk [tilespmem:v4+s12+$0x0], $0xffff;
	[tilespmem:s8+$0x0] =	vst v20  }
0x12d: {  	s16 =	sadd.s32 $0x10680, s28;
	s18 =	sor.u32 s26, s15;
	v8 =	vor.u32 $0x16, v1;
	v17 =	vld.idx.msk [tilespmem:v44+s12+$0x0], $0xffff  }
0x12e: {  	s14 =	sor.u32 s29, s16;
	[tilespmem:s18+$0x0] =	vst v10;
	v44 =	vmov v7;
	v7 =	vld [tilespmem:$0x1FFA0]  }
0x12f: {  	v15 =	vor.u32 $0xD, v2;
	[tilespmem:s14+$0x0] =	vst v11;
	s8 =	sadd.s32 $0xF600, s10  }
0x130: {  	v16 =	vor.u32 $0x4, v3;
	v10 =	vmov v9;
	v9 =	vld.idx.msk [tilespmem:v14+s12+$0x0], $0xffff;
	s18 =	sor.u32 s0, s8  }
0x131: {  	s31 =	sor.u32 s30, s31;
	[tilespmem:s18+$0x0] =	vst v13  }
0x132: {  	[tilespmem:s31+$0x0] =	vst v12;
	v8 =	vld.idx.msk [tilespmem:v8+s12+$0x0], $0xffff  }
0x133: {  	s18 =	sadd.s32 $0x11780, s24;
	s24 =	smov.u32 s28;
	v12 =	vld [tilespmem:$0x1FFD0];
	[tilespmem:s21+$0x180] =	vst v0  }
0x134: {  	s31 =	sor.u32 s25, s15;
	s15 =	sor.u32 s30, s16;
	[tilespmem:$0x1FFD0] =	vst v10;
	s16 =	sor.u32 s26, s18;
	v0 =	vld.idx.msk [tilespmem:v15+s12+$0x0], $0xffff  }
0x135: {  	s14 =	sadd.s32 $0x10700, s24;
	v10 =	vld.idx.msk [tilespmem:v16+s12+$0x0], $0xffff;
	[tilespmem:s16+$0x0] =	vst v9  }
0x136: {  	s26 =	sor.u32 s29, s14;
	v7 =	vld.idx.msk [tilespmem:v7+s12+$0x0], $0xffff;
	[tilespmem:s11+$0x180] =	vst v4;
	v4 =	vor.u32 $0x17, v1  }
0x137: {  	s8 =	sor.u32 s1, s8;
	s28 =	smov.u32 s10;
	v9 =	vld [tilespmem:$0x1FFE0];
	[tilespmem:s26+$0x0] =	vst v8  }
0x138: {  	v12 =	vmov v12;
	v11 =	vld.idx.msk [tilespmem:v60+s12+$0x0], $0xffff;
	[tilespmem:s8+$0x0] =	vst v17;
	s8 =	sor.u32 s25, s18;
	s25 =	sadd.s32 $0xF680, s28  }
0x139: {  	[tilespmem:$0x1FFA0] =	vst v12;
	v12 =	vor.u32 $0xE, v2;
	s18 =	sor.u32 s30, s14;
	s14 =	sor.u32 s0, s25  }
0x13a: {  	v14 =	vld.idx.msk [tilespmem:v42+s12+$0x0], $0xffff;
	[tilespmem:s14+$0x0] =	vst v0  }
0x13b: {  	v13 =	vor.u32 $0x5, v3;
	[tilespmem:s15+$0x0] =	vst v7;
	v0 =	vld.idx.msk [tilespmem:v4+s12+$0x0], $0xffff  }
0x13c: {  	v7 =	vld.idx.msk [tilespmem:v31+s12+$0x0], $0xffff  }
0x13d: {  	v42 =	vmov v63;
	v63 =	vmov v9;
	v9 =	vmov v5;
	[tilespmem:s21+$0x200] =	vst v10;
	v5 =	vld.idx.msk [tilespmem:v25+s12+$0x0], $0xffff  }
0x13e: {  	v4 =	vld.idx.msk [tilespmem:v12+s12+$0x0], $0xffff;
	[tilespmem:s11+$0x200] =	vst v11  }
0x13f: {  	[tilespmem:$0x1FFE0] =	vst v9;
	s15 =	sor.u32 s1, s25;
	v9 =	vld.idx.msk [tilespmem:v56+s12+$0x0], $0xffff  }
0x140: {  	v24 =	vmov v6;
	v6 =	vld.idx.msk [tilespmem:v13+s12+$0x0], $0xffff;
	[tilespmem:s15+$0x0] =	vst v14  }
0x141: {  	s16 =	sadd.s32 $0x10780, s24;
	s26 =	smov.u32 s29;
	s25 =	smov.u32 s30;
	v12 =	vld.idx.msk [tilespmem:v41+s12+$0x0], $0xffff;
	[tilespmem:s18+$0x0] =	vst v7  }
0x142: {  	s30 =	smov.u32 s1;
	s1 =	smov.u32 s22;
	s22 =	sor.u32 s26, s16;
	v7 =	vld.idx.msk [tilespmem:v35+s12+$0x0], $0xffff;
	[tilespmem:s7+$0x0] =	vst v5  }
0x143: {  	[tilespmem:s22+$0x0] =	vst v0;
	v0 =	vld.idx.msk [tilespmem:v27+s12+$0x0], $0xffff  }
0x144: {  	[tilespmem:s11+$0x280] =	vst v9;
	v9 =	vld [tilespmem:$0x1FEB0];
	_ =	sdelay $0x5  }
0x145: {  	s10 =	smov.u32 s19;
	s19 =	sadd.s32 $0xF700, s28  }
0x146: {  	s14 =	sor.u32 s30, s19  }
0x147: {  	v9 =	vld.idx.msk [tilespmem:v9+s12+$0x0], $0xffff;
	[tilespmem:s14+$0x0] =	vst v12  }
0x148: {  	s29 =	smov.u32 s0;
	s0 =	smov.u32 s6;
	s6 =	sor.u32 s25, s16;
	v12 =	vld.idx.msk [tilespmem:v40+s12+$0x0], $0xffff  }
0x149: {  	[tilespmem:s6+$0x0] =	vst v7;
	v7 =	vld [tilespmem:$0x1FEC0];
	_ =	sdelay $0x6  }
0x14a: {  	v8 =	vor.u32 $0x18, v1  }
0x14b: {  	v10 =	vor.u32 $0xF, v2;
	v7 =	vld.idx.msk [tilespmem:v7+s12+$0x0], $0xffff  }
0x14c: {  	[tilespmem:s2+$0x0] =	vst v0;
	v0 =	vld [tilespmem:$0x1FED0]  }
0x14d: {  	v11 =	vor.u32 $0x6, v3;
	s16 =	sor.u32 s29, s19  }
0x14e: {  	[tilespmem:s16+$0x0] =	vst v4  }
0x14f: {  	v4 =	vld.idx.msk [tilespmem:v8+s12+$0x0], $0xffff;
	[tilespmem:s21+$0x280] =	vst v6  }
0x150: {  	v5 =	vld.idx.msk [tilespmem:v10+s12+$0x0], $0xffff  }
0x151: {  	v25 =	vmovc v34;
	v34 =	vmov v33;
	v8 =	vor.u32 $0x19, v1;
	v33 =	vmov v0;
	v0 =	vld [tilespmem:$0x1FEE0]  }
0x152: {  	s18 =	sadd.s32 $0x11400, s24;
	v6 =	vld.idx.msk [tilespmem:v11+s12+$0x0], $0xffff  }
0x153: {  	s19 =	sadd.s32 $0xF780, s28;
	s22 =	sor.u32 s26, s18  }
0x154: {  	s15 =	sor.u32 s29, s19;
	[tilespmem:s22+$0x0] =	vst v4  }
0x155: {  	[tilespmem:s15+$0x0] =	vst v5;
	v5 =	vld [tilespmem:$0x1FF00]  }
0x156: {  	v14 =	vld.idx.msk [tilespmem:v8+s12+$0x0], $0xffff  }
0x157: {  	[tilespmem:s21+$0x300] =	vst v6;
	v6 =	vld [tilespmem:$0x1FF20]  }
0x158: {  	s6 =	sor.u32 s30, s19;
	v13 =	vld.idx.msk [tilespmem:v26+s12+$0x0], $0xffff;
	[tilespmem:s11+$0x300] =	vst v9  }
0x159: {  	v0 =	vld.idx.msk [tilespmem:v0+s12+$0x0], $0xffff;
	[tilespmem:s6+$0x0] =	vst v12  }
0x15a: {  	v10 =	vor.u32 $0x10, v2;
	v4 =	vld.idx.msk [tilespmem:v39+s12+$0x0], $0xffff  }
0x15b: {  	s7 =	sor.u32 s25, s18;
	v11 =	vor.u32 $0x7, v3;
	v39 =	vmov v5;
	v5 =	vld [tilespmem:$0x1FF10]  }
0x15c: {  	[tilespmem:s7+$0x0] =	vst v7;
	v7 =	vld [tilespmem:$0x1FF50]  }
0x15d: {  	v41 =	vmov v58;
	v58 =	vmov v29;
	v29 =	vmov v6;
	v6 =	vld [tilespmem:$0x1FF40]  }
0x15e: {  	v27 =	vld [tilespmem:$0x1FEA0]  }
0x15f: {  	v10 =	vld.idx.msk [tilespmem:v10+s12+$0x0], $0xffff  }
0x160: {  	s16 =	sadd.s32 $0x11480, s24;
	v11 =	vld.idx.msk [tilespmem:v11+s12+$0x0], $0xffff  }
0x161: {  	s19 =	sor.u32 s26, s16;
	v9 =	vor.u32 $0x1A, v1;
	v22 =	vmov v7;
	v7 =	vld [tilespmem:$0x1FF60]  }
0x162: {  	s9 =	sadd.s32 $0x2, s9;
	v23 =	vmov v23;
	v15 =	vor.u32 $0x11, v2;
	[tilespmem:s19+$0x0] =	vst v14;
	v14 =	vld [tilespmem:$0x1FF30]  }
0x163: {  	p1 =	slt.u32 s9, $0x1E;
	[tilespmem:$0x1FF80] =	vst v23;
	s18 =	sadd.s32 $0x10400, s28;
	v12 =	vld [tilespmem:$0x1FEF0]  }
.Ltmp0:
0x164: {  	s22 =	sor.u32 s29, s18;
	v5 =	vld.idx.msk [tilespmem:v5+s12+$0x0], $0xffff;
	[tilespmem:s17+$0x0] =	vst v13;
	(pc) =	sbr.rel @p1 .LBB2_3-.Ltmp0, $4  }
0x165: {  	[tilespmem:s22+$0x0] =	vst v10;
	v6 =	vld.idx.msk [tilespmem:v6+s12+$0x0], $0xffff  }
0x166: {  	v23 =	vmovc v50;
	v18 =	vmovc v51;
	v20 =	vmov v52;
	v52 =	vmov v62;
	v16 =	vmov v7;
	v7 =	vld.idx.msk [tilespmem:v9+s12+$0x0], $0xffff;
	[tilespmem:s21+$0x380] =	vst v11  }
0x167: {  	v60 =	vmovc v30;
	v30 =	vmovc v57;
	v17 =	vmov v59;
	v31 =	vmov v61;
	v35 =	vmov v36;
	v9 =	vld.idx.msk [tilespmem:v15+s12+$0x0], $0xffff  }
0x168: {  	s20 =	sadd.s32 $0x20, s20;
	v8 =	vor.u32 $0x8, v3;
	v40 =	vmovc v54;
	v26 =	vmovc v53;
	s6 =	sor.u32 s25, s16;
	s7 =	sor.u32 s30, s18;
	v13 =	vmov v55;
	v15 =	vmov v32;
	v32 =	vld [tilespmem:$0x1FF70]  }
0x169: {  	_ =	sdelay $0x1  }
0x16a: {  	[tilespmem:s11+$0x380] =	vst v0  }
0x16b: {  	[tilespmem:s7+$0x0] =	vst v4;
	v4 =	vor.u32 $0x1B, v1  }
0x16c: {  	v0 =	vld.idx.msk [tilespmem:v8+s12+$0x0], $0xffff;
	[tilespmem:s6+$0x0] =	vst v5;
	v5 =	vor.u32 $0x12, v2  }
0x16d: {  	s2 =	sadd.s32 $0x11500, s24;
	v8 =	vld.idx.msk [tilespmem:v49+s12+$0x0], $0xffff;
	[tilespmem:s31+$0x0] =	vst v6;
	v6 =	vor.u32 $0x9, v3  }
0x16e: {  	s5 =	sadd.s32 $0x10480, s28;
	s7 =	sor.u32 s26, s2  }
0x16f: {  	s11 =	sadd.s32 $0xF400, s10;
	v11 =	vld.idx.msk [tilespmem:v38+s12+$0x0], $0xffff;
	s9 =	sor.u32 s29, s5;
	[tilespmem:s7+$0x0] =	vst v7  }
0x170: {  	s14 =	sor.u32 s0, s11;
	[tilespmem:s9+$0x0] =	vst v9;
	v36 =	vld.idx.msk [tilespmem:v4+s12+$0x0], $0xffff  }
0x171: {  	s7 =	sor.u32 s1, s11;
	[tilespmem:s14+$0x0] =	vst v0;
	v0 =	vld.idx.msk [tilespmem:v5+s12+$0x0], $0xffff  }
0x172: {  	[tilespmem:s7+$0x0] =	vst v8;
	v4 =	vld.idx.msk [tilespmem:v6+s12+$0x0], $0xffff  }
0x173: {  	v5 =	vor.u32 $0xA, v3;
	v6 =	vld.idx.msk [tilespmem:v48+s12+$0x0], $0xffff;
	_ =	sdelay $0x1  }
0x174: {  	s15 =	sadd.s32 $0xF480, s10;
	s2 =	sor.u32 s25, s2  }
0x175: {  	s16 =	sor.u32 s0, s15;
	[tilespmem:s2+$0x0] =	vst v11  }
0x176: {  	s2 =	sor.u32 s1, s15;
	[tilespmem:s16+$0x0] =	vst v4  }
0x177: {  	v4 =	vld.idx.msk [tilespmem:v5+s12+$0x0], $0xffff;
	[tilespmem:s2+$0x0] =	vst v6  }
0x178: {  	v5 =	vor.u32 $0xB, v3;
	v6 =	vld.idx.msk [tilespmem:v46+s12+$0x0], $0xffff;
	_ =	sdelay $0x1  }
0x179: {  	s17 =	sadd.s32 $0xF500, s10  }
0x17a: {  	s18 =	sor.u32 s0, s17  }
0x17b: {  	s2 =	sor.u32 s1, s17;
	[tilespmem:s18+$0x0] =	vst v4  }
0x17c: {  	v4 =	vld.idx.msk [tilespmem:v5+s12+$0x0], $0xffff;
	[tilespmem:s2+$0x0] =	vst v6  }
0x17d: {  	v5 =	vor.u32 $0xC, v3;
	v6 =	vld.idx.msk [tilespmem:v45+s12+$0x0], $0xffff;
	_ =	sdelay $0x1  }
0x17e: {  	s19 =	sadd.s32 $0xF580, s10  }
0x17f: {  	s20 =	sor.u32 s0, s19  }
0x180: {  	v10 =	vld.idx.msk [tilespmem:v43+s12+$0x0], $0xffff;
	s2 =	sor.u32 s1, s19;
	[tilespmem:s20+$0x0] =	vst v4  }
0x181: {  	v4 =	vld.idx.msk [tilespmem:v5+s12+$0x0], $0xffff;
	[tilespmem:s2+$0x0] =	vst v6  }
0x182: {  	v5 =	vor.u32 $0xD, v3;
	v6 =	vld.idx.msk [tilespmem:v44+s12+$0x0], $0xffff;
	_ =	sdelay $0x1  }
0x183: {  	s21 =	sadd.s32 $0xF600, s10;
	s5 =	sor.u32 s30, s5  }
0x184: {  	s22 =	sor.u32 s0, s21;
	[tilespmem:s5+$0x0] =	vst v10  }
0x185: {  	v55 =	vld.idx.msk [tilespmem:v32+s12+$0x0], $0xffff;
	s2 =	sor.u32 s1, s21;
	[tilespmem:s22+$0x0] =	vst v4  }
0x186: {  	v4 =	vld.idx.msk [tilespmem:v5+s12+$0x0], $0xffff;
	[tilespmem:s2+$0x0] =	vst v6  }
0x187: {  	v5 =	vor.u32 $0xE, v3;
	v6 =	vld.idx.msk [tilespmem:v42+s12+$0x0], $0xffff;
	_ =	sdelay $0x1  }
0x188: {  	s6 =	sadd.s32 $0xF680, s10  }
0x189: {  	s7 =	sor.u32 s0, s6  }
0x18a: {  	s2 =	sor.u32 s1, s6;
	[tilespmem:s7+$0x0] =	vst v4  }
0x18b: {  	v4 =	vld.idx.msk [tilespmem:v5+s12+$0x0], $0xffff;
	[tilespmem:s2+$0x0] =	vst v6  }
0x18c: {  	v5 =	vor.u32 $0xF, v3;
	v6 =	vld.idx.msk [tilespmem:v41+s12+$0x0], $0xffff;
	_ =	sdelay $0x1  }
0x18d: {  	s9 =	sadd.s32 $0xF700, s10  }
0x18e: {  	s11 =	sor.u32 s0, s9  }
0x18f: {  	s2 =	sor.u32 s1, s9;
	[tilespmem:s11+$0x0] =	vst v4  }
0x190: {  	v4 =	vld.idx.msk [tilespmem:v5+s12+$0x0], $0xffff;
	[tilespmem:s2+$0x0] =	vst v6  }
0x191: {  	v5 =	vor.u32 $0x10, v3;
	v6 =	vld.idx.msk [tilespmem:v40+s12+$0x0], $0xffff;
	_ =	sdelay $0x1  }
0x192: {  	s14 =	sadd.s32 $0xF780, s10  }
0x193: {  	s15 =	sor.u32 s0, s14  }
0x194: {  	s2 =	sor.u32 s1, s14;
	[tilespmem:s15+$0x0] =	vst v4  }
0x195: {  	v4 =	vld.idx.msk [tilespmem:v5+s12+$0x0], $0xffff;
	[tilespmem:s2+$0x0] =	vst v6  }
0x196: {  	v5 =	vor.u32 $0x11, v3;
	v6 =	vld.idx.msk [tilespmem:v39+s12+$0x0], $0xffff;
	_ =	sdelay $0x1  }
0x197: {  	s16 =	sadd.s32 $0x10400, s10  }
0x198: {  	s17 =	sor.u32 s0, s16  }
0x199: {  	s2 =	sor.u32 s1, s16;
	[tilespmem:s17+$0x0] =	vst v4  }
0x19a: {  	v4 =	vld.idx.msk [tilespmem:v5+s12+$0x0], $0xffff;
	[tilespmem:s2+$0x0] =	vst v6  }
0x19b: {  	v5 =	vor.u32 $0x12, v3;
	v6 =	vld.idx.msk [tilespmem:v47+s12+$0x0], $0xffff;
	_ =	sdelay $0x1  }
0x19c: {  	s18 =	sadd.s32 $0x10480, s10  }
0x19d: {  	s19 =	sor.u32 s0, s18  }
0x19e: {  	v8 =	vld.idx.msk [tilespmem:v35+s12+$0x0], $0xffff;
	s2 =	sor.u32 s1, s18;
	[tilespmem:s19+$0x0] =	vst v4  }
0x19f: {  	v4 =	vld.idx.msk [tilespmem:v5+s12+$0x0], $0xffff;
	[tilespmem:s2+$0x0] =	vst v6  }
0x1a0: {  	s20 =	sadd.s32 $0x10500, s28;
	v6 =	vld.idx.msk [tilespmem:v37+s12+$0x0], $0xffff  }
0x1a1: {  	s21 =	sor.u32 s29, s20  }
0x1a2: {  	s22 =	sadd.s32 $0x10500, s10;
	[tilespmem:s21+$0x0] =	vst v0;
	s2 =	sor.u32 s30, s20  }
0x1a3: {  	s6 =	sor.u32 s0, s22;
	[tilespmem:s2+$0x0] =	vst v8  }
0x1a4: {  	s7 =	sor.u32 s1, s22;
	v8 =	vld [tilespmem:$0x1FF80];
	[tilespmem:s6+$0x0] =	vst v4  }
0x1a5: {  	[tilespmem:s7+$0x0] =	vst v6  }
0x1a6: {  	v7 =	vor.u32 $0x13, v2;
	v6 =	vld [tilespmem:$0x1FFB0];
	_ =	sdelay $0x1  }
0x1a7: {  	v5 =	vor.u32 $0x13, v3;
	_ =	sdelay $0x2  }
0x1a8: {  	v0 =	vld.idx.msk [tilespmem:v7+s12+$0x0], $0xffff  }
0x1a9: {  	v8 =	vld.idx.msk [tilespmem:v8+s12+$0x0], $0xffff  }
0x1aa: {  	v4 =	vld.idx.msk [tilespmem:v5+s12+$0x0], $0xffff  }
0x1ab: {  	s9 =	sadd.s32 $0x10580, s28;
	v6 =	vld.idx.msk [tilespmem:v6+s12+$0x0], $0xffff  }
0x1ac: {  	s11 =	sor.u32 s29, s9  }
0x1ad: {  	s14 =	sadd.s32 $0x10580, s10;
	s2 =	sor.u32 s30, s9;
	[tilespmem:s11+$0x0] =	vst v0  }
0x1ae: {  	s15 =	sor.u32 s0, s14;
	[tilespmem:s2+$0x0] =	vst v8  }
0x1af: {  	s5 =	sor.u32 s1, s14;
	v8 =	vld [tilespmem:$0x1FF90];
	[tilespmem:s15+$0x0] =	vst v4  }
0x1b0: {  	[tilespmem:s5+$0x0] =	vst v6  }
0x1b1: {  	v7 =	vor.u32 $0x14, v2;
	v6 =	vld [tilespmem:$0x1FFC0];
	_ =	sdelay $0x1  }
0x1b2: {  	v5 =	vor.u32 $0x14, v3;
	_ =	sdelay $0x2  }
0x1b3: {  	v0 =	vld.idx.msk [tilespmem:v7+s12+$0x0], $0xffff  }
0x1b4: {  	v8 =	vld.idx.msk [tilespmem:v8+s12+$0x0], $0xffff  }
0x1b5: {  	v4 =	vld.idx.msk [tilespmem:v5+s12+$0x0], $0xffff  }
0x1b6: {  	s16 =	sadd.s32 $0x10600, s28;
	v6 =	vld.idx.msk [tilespmem:v6+s12+$0x0], $0xffff  }
0x1b7: {  	s17 =	sor.u32 s29, s16  }
0x1b8: {  	s18 =	sadd.s32 $0x10600, s10;
	s2 =	sor.u32 s30, s16;
	[tilespmem:s17+$0x0] =	vst v0  }
0x1b9: {  	s19 =	sor.u32 s0, s18;
	[tilespmem:s2+$0x0] =	vst v8  }
0x1ba: {  	s5 =	sor.u32 s1, s18;
	v8 =	vld [tilespmem:$0x1FFA0];
	[tilespmem:s19+$0x0] =	vst v4  }
0x1bb: {  	[tilespmem:s5+$0x0] =	vst v6  }
0x1bc: {  	v7 =	vor.u32 $0x15, v2;
	v6 =	vld [tilespmem:$0x1FFD0]  }
0x1bd: {  	v5 =	vor.u32 $0x15, v3;
	_ =	sdelay $0x3  }
0x1be: {  	v0 =	vld.idx.msk [tilespmem:v7+s12+$0x0], $0xffff  }
0x1bf: {  	v4 =	vld.idx.msk [tilespmem:v5+s12+$0x0], $0xffff  }
0x1c0: {  	v8 =	vld.idx.msk [tilespmem:v8+s12+$0x0], $0xffff  }
0x1c1: {  	s20 =	sadd.s32 $0x10680, s28;
	v6 =	vld.idx.msk [tilespmem:v6+s12+$0x0], $0xffff  }
0x1c2: {  	s22 =	sadd.s32 $0x10680, s10;
	s21 =	sor.u32 s29, s20  }
0x1c3: {  	s6 =	sor.u32 s0, s22;
	[tilespmem:s21+$0x0] =	vst v0  }
0x1c4: {  	s2 =	sor.u32 s30, s20;
	[tilespmem:s6+$0x0] =	vst v4  }
0x1c5: {  	s5 =	sor.u32 s1, s22;
	[tilespmem:s2+$0x0] =	vst v8  }
0x1c6: {  	v7 =	vor.u32 $0x16, v2;
	[tilespmem:s5+$0x0] =	vst v6  }
0x1c7: {  	v5 =	vor.u32 $0x16, v3;
	v6 =	vld [tilespmem:$0x1FFE0];
	_ =	sdelay $0x3  }
0x1c8: {  	v0 =	vld.idx.msk [tilespmem:v7+s12+$0x0], $0xffff  }
0x1c9: {  	v7 =	vor.u32 $0x17, v2;
	v4 =	vld.idx.msk [tilespmem:v5+s12+$0x0], $0xffff  }
0x1ca: {  	v5 =	vor.u32 $0x17, v3  }
0x1cb: {  	s7 =	sadd.s32 $0x10700, s28;
	v8 =	vld.idx.msk [tilespmem:v63+s12+$0x0], $0xffff  }
0x1cc: {  	s9 =	sor.u32 s29, s7;
	s11 =	sadd.s32 $0x10700, s10;
	v6 =	vld.idx.msk [tilespmem:v6+s12+$0x0], $0xffff  }
0x1cd: {  	s14 =	sor.u32 s0, s11;
	[tilespmem:s9+$0x0] =	vst v0  }
0x1ce: {  	[tilespmem:s14+$0x0] =	vst v4;
	v0 =	vld.idx.msk [tilespmem:v7+s12+$0x0], $0xffff  }
0x1cf: {  	s2 =	sor.u32 s30, s7;
	v7 =	vor.u32 $0x18, v2;
	v4 =	vld.idx.msk [tilespmem:v5+s12+$0x0], $0xffff  }
0x1d0: {  	s5 =	sor.u32 s1, s11;
	[tilespmem:s2+$0x0] =	vst v8;
	v5 =	vor.u32 $0x18, v3  }
0x1d1: {  	s15 =	sadd.s32 $0x10780, s28;
	v8 =	vld.idx.msk [tilespmem:v34+s12+$0x0], $0xffff;
	[tilespmem:s5+$0x0] =	vst v6  }
0x1d2: {  	s16 =	sor.u32 s29, s15;
	s17 =	sadd.s32 $0x10780, s10;
	v6 =	vld.idx.msk [tilespmem:v31+s12+$0x0], $0xffff  }
0x1d3: {  	s18 =	sor.u32 s0, s17;
	[tilespmem:s16+$0x0] =	vst v0  }
0x1d4: {  	[tilespmem:s18+$0x0] =	vst v4;
	v0 =	vld.idx.msk [tilespmem:v7+s12+$0x0], $0xffff  }
0x1d5: {  	s2 =	sor.u32 s30, s15;
	v7 =	vor.u32 $0x19, v2;
	v4 =	vld.idx.msk [tilespmem:v5+s12+$0x0], $0xffff  }
0x1d6: {  	[tilespmem:s2+$0x0] =	vst v8;
	v5 =	vor.u32 $0x19, v3;
	s5 =	sor.u32 s1, s17  }
0x1d7: {  	s19 =	sadd.s32 $0x11400, s28;
	v8 =	vld.idx.msk [tilespmem:v33+s12+$0x0], $0xffff;
	[tilespmem:s5+$0x0] =	vst v6  }
0x1d8: {  	s20 =	sor.u32 s29, s19;
	s21 =	sadd.s32 $0x11400, s10;
	v6 =	vld.idx.msk [tilespmem:v30+s12+$0x0], $0xffff  }
0x1d9: {  	s22 =	sor.u32 s0, s21;
	[tilespmem:s20+$0x0] =	vst v0  }
0x1da: {  	[tilespmem:s22+$0x0] =	vst v4;
	v0 =	vld.idx.msk [tilespmem:v7+s12+$0x0], $0xffff  }
0x1db: {  	s2 =	sor.u32 s30, s19;
	v7 =	vor.u32 $0x1A, v2;
	v4 =	vld.idx.msk [tilespmem:v5+s12+$0x0], $0xffff  }
0x1dc: {  	[tilespmem:s2+$0x0] =	vst v8;
	v5 =	vor.u32 $0x1A, v3;
	s5 =	sor.u32 s1, s21  }
0x1dd: {  	s6 =	sadd.s32 $0x11480, s28;
	v8 =	vld.idx.msk [tilespmem:v29+s12+$0x0], $0xffff;
	[tilespmem:s5+$0x0] =	vst v6  }
0x1de: {  	s7 =	sor.u32 s29, s6;
	s9 =	sadd.s32 $0x11480, s10;
	v6 =	vld.idx.msk [tilespmem:v26+s12+$0x0], $0xffff  }
0x1df: {  	s11 =	sor.u32 s0, s9;
	[tilespmem:s7+$0x0] =	vst v0  }
0x1e0: {  	[tilespmem:s11+$0x0] =	vst v4;
	v0 =	vld.idx.msk [tilespmem:v7+s12+$0x0], $0xffff  }
0x1e1: {  	s2 =	sor.u32 s30, s6;
	v7 =	vor.u32 $0x1B, v2;
	v4 =	vld.idx.msk [tilespmem:v5+s12+$0x0], $0xffff  }
0x1e2: {  	[tilespmem:s2+$0x0] =	vst v8;
	v5 =	vor.u32 $0x1B, v3;
	s5 =	sor.u32 s1, s9  }
0x1e3: {  	s14 =	sadd.s32 $0x11500, s28;
	v8 =	vld.idx.msk [tilespmem:v27+s12+$0x0], $0xffff;
	[tilespmem:s5+$0x0] =	vst v6  }
0x1e4: {  	s15 =	sor.u32 s29, s14;
	s16 =	sadd.s32 $0x11500, s10;
	v6 =	vld.idx.msk [tilespmem:v28+s12+$0x0], $0xffff  }
0x1e5: {  	s17 =	sor.u32 s0, s16;
	[tilespmem:s15+$0x0] =	vst v0  }
0x1e6: {  	v56 =	vor.u32 $0x1C, v1;
	[tilespmem:s17+$0x0] =	vst v4;
	v0 =	vld.idx.msk [tilespmem:v7+s12+$0x0], $0xffff  }
0x1e7: {  	[tilespmem:s8+$0x0] =	vst v55;
	s2 =	sor.u32 s30, s14;
	v7 =	vor.u32 $0x1C, v2;
	v4 =	vld.idx.msk [tilespmem:v5+s12+$0x0], $0xffff  }
0x1e8: {  	v57 =	vld.idx.msk [tilespmem:v60+s12+$0x0], $0xffff;
	s18 =	sadd.s32 $0x11580, s24;
	[tilespmem:s2+$0x0] =	vst v8;
	v5 =	vor.u32 $0x1C, v3;
	s5 =	sor.u32 s1, s16  }
0x1e9: {  	s19 =	sor.u32 s26, s18;
	s21 =	sadd.s32 $0x11580, s28;
	v8 =	vld.idx.msk [tilespmem:v25+s12+$0x0], $0xffff;
	[tilespmem:s5+$0x0] =	vst v6  }
0x1ea: {  	[tilespmem:s19+$0x0] =	vst v36;
	s6 =	sadd.s32 $0x11580, s10;
	s22 =	sor.u32 s29, s21;
	v6 =	vld.idx.msk [tilespmem:v24+s12+$0x0], $0xffff  }
0x1eb: {  	v9 =	vld.idx.msk [tilespmem:v56+s12+$0x0], $0xffff;
	s7 =	sor.u32 s0, s6;
	[tilespmem:s22+$0x0] =	vst v0  }
0x1ec: {  	v59 =	vor.u32 $0x1D, v1;
	s20 =	sor.u32 s25, s18;
	[tilespmem:s7+$0x0] =	vst v4;
	v0 =	vld.idx.msk [tilespmem:v7+s12+$0x0], $0xffff  }
0x1ed: {  	[tilespmem:s20+$0x0] =	vst v57;
	v7 =	vor.u32 $0x1D, v2;
	v4 =	vld.idx.msk [tilespmem:v5+s12+$0x0], $0xffff;
	s5 =	sor.u32 s30, s21  }
0x1ee: {  	s8 =	sadd.s32 $0x11600, s24;
	v60 =	vld.idx.msk [tilespmem:v58+s12+$0x0], $0xffff;
	s9 =	sor.u32 s1, s6;
	v5 =	vor.u32 $0x1D, v3;
	[tilespmem:s5+$0x0] =	vst v8  }
0x1ef: {  	s11 =	sor.u32 s26, s8;
	s15 =	sadd.s32 $0x11600, s28;
	v8 =	vld.idx.msk [tilespmem:v20+s12+$0x0], $0xffff;
	[tilespmem:s9+$0x0] =	vst v6  }
0x1f0: {  	[tilespmem:s11+$0x0] =	vst v9;
	s17 =	sadd.s32 $0x11600, s10;
	s16 =	sor.u32 s29, s15;
	v6 =	vld.idx.msk [tilespmem:v52+s12+$0x0], $0xffff  }
0x1f1: {  	v9 =	vld.idx.msk [tilespmem:v59+s12+$0x0], $0xffff;
	s18 =	sor.u32 s0, s17;
	[tilespmem:s16+$0x0] =	vst v0  }
0x1f2: {  	v61 =	vor.u32 $0x1E, v1;
	s14 =	sor.u32 s25, s8;
	[tilespmem:s18+$0x0] =	vst v4;
	v0 =	vld.idx.msk [tilespmem:v7+s12+$0x0], $0xffff  }
0x1f3: {  	[tilespmem:s14+$0x0] =	vst v60;
	v7 =	vor.u32 $0x1E, v2;
	v4 =	vld.idx.msk [tilespmem:v5+s12+$0x0], $0xffff;
	s5 =	sor.u32 s30, s15  }
0x1f4: {  	s19 =	sadd.s32 $0x11680, s24;
	v11 =	vld.idx.msk [tilespmem:v23+s12+$0x0], $0xffff;
	s2 =	sor.u32 s1, s17;
	v5 =	vor.u32 $0x1E, v3;
	[tilespmem:s5+$0x0] =	vst v8  }
0x1f5: {  	s20 =	sor.u32 s26, s19;
	s22 =	sadd.s32 $0x11680, s28;
	v8 =	vld.idx.msk [tilespmem:v18+s12+$0x0], $0xffff;
	[tilespmem:s2+$0x0] =	vst v6  }
0x1f6: {  	[tilespmem:s20+$0x0] =	vst v9;
	s7 =	sadd.s32 $0x11680, s10;
	s6 =	sor.u32 s29, s22;
	v6 =	vld.idx.msk [tilespmem:v17+s12+$0x0], $0xffff  }
0x1f7: {  	v9 =	vld.idx.msk [tilespmem:v61+s12+$0x0], $0xffff;
	s8 =	sor.u32 s0, s7;
	[tilespmem:s6+$0x0] =	vst v0  }
0x1f8: {  	v1 =	vor.u32 $0x1F, v1;
	s21 =	sor.u32 s25, s19;
	[tilespmem:s8+$0x0] =	vst v4;
	v0 =	vld.idx.msk [tilespmem:v7+s12+$0x0], $0xffff  }
0x1f9: {  	v2 =	vor.u32 $0x1F, v2;
	[tilespmem:s21+$0x0] =	vst v11;
	v4 =	vld.idx.msk [tilespmem:v5+s12+$0x0], $0xffff;
	s5 =	sor.u32 s30, s22  }
0x1fa: {  	v3 =	vor.u32 $0x1F, v3;
	v62 =	vld.idx.msk [tilespmem:v22+s12+$0x0], $0xffff;
	s9 =	sadd.s32 $0x11700, s24;
	s2 =	sor.u32 s1, s7;
	[tilespmem:s5+$0x0] =	vst v8  }
0x1fb: {  	s15 =	sadd.s32 $0x11700, s28;
	s11 =	sor.u32 s26, s9;
	v7 =	vld.idx.msk [tilespmem:v16+s12+$0x0], $0xffff;
	[tilespmem:s2+$0x0] =	vst v6  }
0x1fc: {  	s17 =	sadd.s32 $0x11700, s10;
	s16 =	sor.u32 s29, s15;
	[tilespmem:s11+$0x0] =	vst v9;
	v5 =	vld.idx.msk [tilespmem:v13+s12+$0x0], $0xffff  }
0x1fd: {  	s18 =	sor.u32 s0, s17;
	v1 =	vld.idx.msk [tilespmem:v1+s12+$0x0], $0xffff;
	[tilespmem:s16+$0x0] =	vst v0  }
0x1fe: {  	s14 =	sor.u32 s25, s9;
	[tilespmem:s18+$0x0] =	vst v4;
	v0 =	vld.idx.msk [tilespmem:v2+s12+$0x0], $0xffff  }
0x1ff: {  	[tilespmem:s14+$0x0] =	vst v62;
	v3 =	vld.idx.msk [tilespmem:v3+s12+$0x0], $0xffff;
	s5 =	sor.u32 s30, s15  }
0x200: {  	s19 =	sadd.s32 $0x11780, s24;
	v6 =	vld.idx.msk [tilespmem:v14+s12+$0x0], $0xffff;
	s2 =	sor.u32 s1, s17;
	[tilespmem:s5+$0x0] =	vst v7  }
0x201: {  	s20 =	sor.u32 s26, s19;
	s22 =	sadd.s32 $0x11780, s28;
	v2 =	vld.idx.msk [tilespmem:v12+s12+$0x0], $0xffff;
	[tilespmem:s2+$0x0] =	vst v5  }
0x202: {  	s21 =	sor.u32 s25, s19;
	s25 =	sadd.s32 $0x11780, s10;
	s24 =	sor.u32 s29, s22;
	[tilespmem:s20+$0x0] =	vst v1;
	v1 =	vld.idx.msk [tilespmem:v15+s12+$0x0], $0xffff  }
0x203: {  	s26 =	sor.u32 s0, s25;
	[tilespmem:s24+$0x0] =	vst v0  }
0x204: {  	[tilespmem:s26+$0x0] =	vst v3  }
0x205: {  	p1 =	seq.s32 s23, $0x18;
	s5 =	sor.u32 s30, s22;
	[tilespmem:s21+$0x0] =	vst v6  }
0x206: {  	s24 =	sshrl.u32 @!p1 s3, $0x2;
	s2 =	sor.u32 s1, s25;
	[tilespmem:s5+$0x0] =	vst v2  }
0x207: {  	s0 =	sadd.s32 @!p1 $0x400, s24;
	s1 =	simm.s32 @!p1 $0x200;
	[tilespmem:s2+$0x0] =	vst v1;
	s2 =	simm.s32 @!p1 $0x6400  }
0x208: {  	[tilespmem:s2], [sflag:$0x1] =	stream.indirect.gather @!p1 [hbm4b:s4+s1], $0x20, s0, s1, $0xb8;
	[tilespmem:$0x16400] =	vst v63  }
0x209: {  	s9 =	simm.s32 $0x1000;
	s5 =	sshll.u32 s23, $0x11;
	s6 =	rddreg [dreg:$0x5]  }
0x20a: {  	s10 =	simm.s32 $0x20000;
	s7 =	rddreg [dreg:$0x1];
	s25 =	sor.u32 s6, s5  }
0x20b: {  	s11 =	simm.s32 $0xE400;
	s14 =	simm.s32 $0x2;
	s0 =	sadd.s32 s7, s25  }
0x20c: {  	[hbm4b:s0+s9] =	stream.strided.scatter [tilespmem:s11], [sflag:$0x3], $0x4000, s10, s9, $0x38;
	[tilespmem:$0x16400] =	vst v63  }
0x20d: {  	_ =	swait.ge [sflag:s14], $0x4000  }
0x20e: {  	v19 =	vld [tilespmem:$0x1FFF0];
	_ =	sdelay $0x1  }
0x20f: {  	s8 =	simm.s32 $0x0  }
0x210: {  	v0 =	vmov s8  }
0x211: {  	v0 =	vshll.u32 v0, $0x5  }
0x212: {  	[sflag:s14] =	ssyncset.done $0x0;
	v5 =	vor.u32 v19, v0  }
0x213: {  	s0 =	simm.s32 @!p0 $0x4;
	[sflag:s14] =	ssyncadd.s32 $0xFFFFC000  }
0x214: {  	s15 =	simm.s32 $0x10;
	_ =	swait.ge @!p0 [sflag:s0], $0x4000  }
0x215: {  	[sflag:s0] =	ssyncset.done @!p0 $0x0;
	v0 =	vmov s15  }
0x216: {  	[sflag:s0] =	ssyncadd.s32 @!p0 $0xFFFFC000;
	v0 =	vshll.u32 v0, $0x5  }
0x217: {  	v4 =	vor.u32 v19, v0;
	v0 =	vld.idx.msk [tilespmem:v5+s13+$0x0], $0xffff  }
0x218: {  	s16 =	simm.s32 $0x0;
	v1 =	vor.u32 $0x1, v5  }
0x219: {  	s11 =	sand.u32 $0xC00, s16  }
0x21a: {  	s9 =	sand.u32 $0x60, s8;
	s0 =	sadd.s32 $0x12400, s11  }
0x21b: {  	s1 =	sor.u32 s9, s0  }
0x21c: {  	v2 =	vld.idx.msk [tilespmem:v4+s13+$0x0], $0xffff;
	[tilespmem:s1+$0x0] =	vst v0  }
0x21d: {  	v0 =	vor.u32 $0x1, v4;
	v1 =	vld.idx.msk [tilespmem:v1+s13+$0x0], $0xffff  }
0x21e: {  	v3 =	vor.u32 $0x2, v5  }
0x21f: {  	s5 =	sand.u32 $0x70, s15  }
0x220: {  	s0 =	sor.u32 s5, s0  }
0x221: {  	[tilespmem:s0+$0x0] =	vst v2  }
0x222: {  	v0 =	vld.idx.msk [tilespmem:v0+s13+$0x0], $0xffff;
	[tilespmem:s1+$0x80] =	vst v1  }
0x223: {  	v1 =	vor.u32 $0x2, v4;
	v2 =	vld.idx.msk [tilespmem:v3+s13+$0x0], $0xffff  }
0x224: {  	v3 =	vor.u32 $0x3, v5;
	_ =	sdelay $0x2  }
0x225: {  	[tilespmem:s0+$0x80] =	vst v0  }
0x226: {  	v0 =	vld.idx.msk [tilespmem:v1+s13+$0x0], $0xffff;
	[tilespmem:s1+$0x100] =	vst v2  }
0x227: {  	v1 =	vor.u32 $0x3, v4;
	v2 =	vld.idx.msk [tilespmem:v3+s13+$0x0], $0xffff  }
0x228: {  	v3 =	vor.u32 $0x4, v5;
	_ =	sdelay $0x2  }
0x229: {  	[tilespmem:s0+$0x100] =	vst v0  }
0x22a: {  	v0 =	vld.idx.msk [tilespmem:v1+s13+$0x0], $0xffff;
	[tilespmem:s1+$0x180] =	vst v2  }
0x22b: {  	v1 =	vor.u32 $0x4, v4;
	v2 =	vld.idx.msk [tilespmem:v3+s13+$0x0], $0xffff  }
0x22c: {  	v3 =	vor.u32 $0x5, v5;
	_ =	sdelay $0x2  }
0x22d: {  	[tilespmem:s0+$0x180] =	vst v0  }
0x22e: {  	v0 =	vld.idx.msk [tilespmem:v1+s13+$0x0], $0xffff;
	[tilespmem:s1+$0x200] =	vst v2  }
0x22f: {  	v1 =	vor.u32 $0x5, v4;
	v2 =	vld.idx.msk [tilespmem:v3+s13+$0x0], $0xffff  }
0x230: {  	v3 =	vor.u32 $0x6, v5;
	_ =	sdelay $0x2  }
0x231: {  	[tilespmem:s0+$0x200] =	vst v0  }
0x232: {  	v0 =	vld.idx.msk [tilespmem:v1+s13+$0x0], $0xffff;
	[tilespmem:s1+$0x280] =	vst v2  }
0x233: {  	v1 =	vor.u32 $0x6, v4;
	v2 =	vld.idx.msk [tilespmem:v3+s13+$0x0], $0xffff  }
0x234: {  	v3 =	vor.u32 $0x7, v5;
	_ =	sdelay $0x2  }
0x235: {  	[tilespmem:s0+$0x280] =	vst v0  }
0x236: {  	v0 =	vld.idx.msk [tilespmem:v1+s13+$0x0], $0xffff;
	[tilespmem:s1+$0x300] =	vst v2  }
0x237: {  	v1 =	vor.u32 $0x7, v4;
	v2 =	vld.idx.msk [tilespmem:v3+s13+$0x0], $0xffff  }
0x238: {  	v3 =	vor.u32 $0x8, v5;
	_ =	sdelay $0x2  }
0x239: {  	[tilespmem:s0+$0x300] =	vst v0  }
0x23a: {  	s17 =	simm.s32 $0x20;
	v0 =	vld.idx.msk [tilespmem:v1+s13+$0x0], $0xffff;
	[tilespmem:s1+$0x380] =	vst v2  }
0x23b: {  	v1 =	vmov s17;
	v2 =	vor.u32 $0x8, v4;
	v3 =	vld.idx.msk [tilespmem:v3+s13+$0x0], $0xffff  }
0x23c: {  	v7 =	vor.u32 $0x9, v5;
	v1 =	vshll.u32 v1, $0x5  }
0x23d: {  	s18 =	simm.s32 $0x30;
	v1 =	vor.u32 v19, v1  }
0x23e: {  	v6 =	vmov s18;
	s19 =	sadd.s32 $0x13400, s11  }
0x23f: {  	s20 =	sor.u32 s9, s19;
	[tilespmem:s0+$0x380] =	vst v0;
	v0 =	vshll.u32 v6, $0x5  }
0x240: {  	v2 =	vld.idx.msk [tilespmem:v2+s13+$0x0], $0xffff;
	v6 =	vor.u32 v19, v0;
	[tilespmem:s20+$0x0] =	vst v3  }
0x241: {  	v0 =	vor.u32 $0x9, v4;
	v3 =	vld.idx.msk [tilespmem:v7+s13+$0x0], $0xffff  }
0x242: {  	v8 =	vor.u32 $0xA, v5;
	v7 =	vld.idx.msk [tilespmem:v1+s13+$0x0], $0xffff  }
0x243: {  	s21 =	simm.s32 $0x100;
	v63 =	vor.u32 $0x1, v1  }
0x244: {  	s26 =	sand.u32 $0xC00, s21;
	s22 =	sadd.s32 $0x13480, s11;
	s3 =	sor.u32 s5, s19  }
0x245: {  	s29 =	sand.u32 $0x60, s17;
	s4 =	sor.u32 s9, s22;
	s0 =	sadd.s32 $0x12400, s26;
	[tilespmem:s3+$0x0] =	vst v2;
	v2 =	vld.idx.msk [tilespmem:v6+s13+$0x0], $0xffff  }
0x246: {  	s1 =	sor.u32 s29, s0;
	v32 =	vor.u32 $0x1, v6;
	v0 =	vld.idx.msk [tilespmem:v0+s13+$0x0], $0xffff;
	[tilespmem:s4+$0x0] =	vst v3  }
0x247: {  	v3 =	vor.u32 $0xA, v4;
	[tilespmem:s1+$0x0] =	vst v7;
	v7 =	vld.idx.msk [tilespmem:v8+s13+$0x0], $0xffff  }
0x248: {  	s28 =	sand.u32 $0x70, s18;
	v33 =	vor.u32 $0xB, v5;
	v8 =	vld.idx.msk [tilespmem:v63+s13+$0x0], $0xffff  }
0x249: {  	v34 =	vor.u32 $0x2, v1;
	s0 =	sor.u32 s28, s0  }
0x24a: {  	s8 =	sadd.s32 $0x13500, s11;
	s7 =	sor.u32 s5, s22;
	[tilespmem:s0+$0x0] =	vst v2  }
0x24b: {  	s10 =	sor.u32 s9, s8;
	v2 =	vld.idx.msk [tilespmem:v32+s13+$0x0], $0xffff;
	[tilespmem:s7+$0x0] =	vst v0  }
0x24c: {  	v0 =	vor.u32 $0x2, v6;
	v3 =	vld.idx.msk [tilespmem:v3+s13+$0x0], $0xffff;
	[tilespmem:s10+$0x0] =	vst v7  }
0x24d: {  	v7 =	vor.u32 $0xB, v4;
	[tilespmem:s1+$0x80] =	vst v8;
	v8 =	vld.idx.msk [tilespmem:v33+s13+$0x0], $0xffff  }
0x24e: {  	v36 =	vor.u32 $0xC, v5;
	v35 =	vld.idx.msk [tilespmem:v34+s13+$0x0], $0xffff  }
0x24f: {  	v37 =	vor.u32 $0x3, v1  }
0x250: {  	s14 =	sor.u32 s5, s8;
	s15 =	sadd.s32 $0x13580, s11;
	[tilespmem:s0+$0x80] =	vst v2  }
0x251: {  	s16 =	sor.u32 s9, s15;
	v0 =	vld.idx.msk [tilespmem:v0+s13+$0x0], $0xffff;
	[tilespmem:s14+$0x0] =	vst v3  }
0x252: {  	v2 =	vor.u32 $0x3, v6;
	v3 =	vld.idx.msk [tilespmem:v7+s13+$0x0], $0xffff;
	[tilespmem:s16+$0x0] =	vst v8  }
0x253: {  	v7 =	vor.u32 $0xC, v4;
	[tilespmem:s1+$0x100] =	vst v35;
	v8 =	vld.idx.msk [tilespmem:v36+s13+$0x0], $0xffff  }
0x254: {  	v38 =	vor.u32 $0xD, v5;
	v9 =	vld.idx.msk [tilespmem:v37+s13+$0x0], $0xffff  }
0x255: {  	v39 =	vor.u32 $0x4, v1  }
0x256: {  	s18 =	sadd.s32 $0x13600, s11;
	s17 =	sor.u32 s5, s15;
	[tilespmem:s0+$0x100] =	vst v0  }
0x257: {  	s19 =	sor.u32 s9, s18;
	v0 =	vld.idx.msk [tilespmem:v2+s13+$0x0], $0xffff;
	[tilespmem:s17+$0x0] =	vst v3  }
0x258: {  	v2 =	vor.u32 $0x4, v6;
	v3 =	vld.idx.msk [tilespmem:v7+s13+$0x0], $0xffff;
	[tilespmem:s19+$0x0] =	vst v8  }
0x259: {  	v7 =	vor.u32 $0xD, v4;
	[tilespmem:s1+$0x180] =	vst v9;
	v8 =	vld.idx.msk [tilespmem:v38+s13+$0x0], $0xffff  }
0x25a: {  	v40 =	vor.u32 $0xE, v5;
	v9 =	vld.idx.msk [tilespmem:v39+s13+$0x0], $0xffff  }
0x25b: {  	v41 =	vor.u32 $0x5, v1  }
0x25c: {  	s21 =	sadd.s32 $0x13680, s11;
	s20 =	sor.u32 s5, s18;
	[tilespmem:s0+$0x180] =	vst v0  }
0x25d: {  	s22 =	sor.u32 s9, s21;
	v0 =	vld.idx.msk [tilespmem:v2+s13+$0x0], $0xffff;
	[tilespmem:s20+$0x0] =	vst v3  }
0x25e: {  	v2 =	vor.u32 $0x5, v6;
	v3 =	vld.idx.msk [tilespmem:v7+s13+$0x0], $0xffff;
	[tilespmem:s22+$0x0] =	vst v8  }
0x25f: {  	v7 =	vor.u32 $0xE, v4;
	[tilespmem:s1+$0x200] =	vst v9;
	v8 =	vld.idx.msk [tilespmem:v40+s13+$0x0], $0xffff  }
0x260: {  	v42 =	vor.u32 $0xF, v5;
	v9 =	vld.idx.msk [tilespmem:v41+s13+$0x0], $0xffff  }
0x261: {  	v43 =	vor.u32 $0x6, v1  }
0x262: {  	s6 =	sadd.s32 $0x13700, s11;
	s4 =	sor.u32 s5, s21;
	[tilespmem:s0+$0x200] =	vst v0  }
0x263: {  	s7 =	sor.u32 s9, s6;
	v0 =	vld.idx.msk [tilespmem:v2+s13+$0x0], $0xffff;
	[tilespmem:s4+$0x0] =	vst v3  }
0x264: {  	v2 =	vor.u32 $0x6, v6;
	v3 =	vld.idx.msk [tilespmem:v7+s13+$0x0], $0xffff;
	[tilespmem:s7+$0x0] =	vst v8  }
0x265: {  	v7 =	vor.u32 $0xF, v4;
	[tilespmem:s1+$0x280] =	vst v9;
	v8 =	vld.idx.msk [tilespmem:v42+s13+$0x0], $0xffff  }
0x266: {  	v44 =	vor.u32 $0x10, v5;
	v9 =	vld.idx.msk [tilespmem:v43+s13+$0x0], $0xffff  }
0x267: {  	v45 =	vor.u32 $0x7, v1  }
0x268: {  	s8 =	sor.u32 s5, s6;
	s10 =	sadd.s32 $0x13780, s11;
	[tilespmem:s0+$0x280] =	vst v0  }
0x269: {  	s14 =	sor.u32 s9, s10;
	v0 =	vld.idx.msk [tilespmem:v2+s13+$0x0], $0xffff;
	[tilespmem:s8+$0x0] =	vst v3  }
0x26a: {  	v2 =	vor.u32 $0x7, v6;
	v3 =	vld.idx.msk [tilespmem:v7+s13+$0x0], $0xffff;
	[tilespmem:s14+$0x0] =	vst v8  }
0x26b: {  	v7 =	vor.u32 $0x10, v4;
	[tilespmem:s1+$0x300] =	vst v9;
	v8 =	vld.idx.msk [tilespmem:v44+s13+$0x0], $0xffff  }
0x26c: {  	v46 =	vor.u32 $0x11, v5;
	v9 =	vld.idx.msk [tilespmem:v45+s13+$0x0], $0xffff  }
0x26d: {  	v47 =	vor.u32 $0x8, v1  }
0x26e: {  	s15 =	sor.u32 s5, s10;
	s16 =	sadd.s32 $0x14400, s11;
	[tilespmem:s0+$0x300] =	vst v0  }
0x26f: {  	s17 =	sor.u32 s9, s16;
	v0 =	vld.idx.msk [tilespmem:v2+s13+$0x0], $0xffff;
	[tilespmem:s15+$0x0] =	vst v3  }
0x270: {  	v3 =	vor.u32 $0x8, v6;
	v7 =	vld.idx.msk [tilespmem:v7+s13+$0x0], $0xffff;
	[tilespmem:s17+$0x0] =	vst v8  }
0x271: {  	s18 =	simm.s32 $0x40;
	v8 =	vor.u32 $0x11, v4;
	[tilespmem:s1+$0x380] =	vst v9;
	v48 =	vld.idx.msk [tilespmem:v46+s13+$0x0], $0xffff  }
0x272: {  	v50 =	vor.u32 $0x12, v5;
	s19 =	simm.s32 $0x50;
	v2 =	vmov s18;
	v49 =	vld.idx.msk [tilespmem:v47+s13+$0x0], $0xffff  }
0x273: {  	v13 =	vor.u32 $0x9, v1;
	v12 =	vmov s19;
	v2 =	vshll.u32 v2, $0x5  }
0x274: {  	s3 =	sor.u32 s5, s16;
	s20 =	sadd.s32 $0x14480, s11;
	v2 =	vor.u32 v19, v2;
	[tilespmem:s0+$0x380] =	vst v0;
	v0 =	vshll.u32 v12, $0x5  }
0x275: {  	s21 =	sadd.s32 $0x13400, s26;
	s22 =	sor.u32 s9, s20;
	v3 =	vld.idx.msk [tilespmem:v3+s13+$0x0], $0xffff;
	[tilespmem:s3+$0x0] =	vst v7;
	v14 =	vor.u32 v19, v0  }
0x276: {  	s4 =	sor.u32 s29, s21;
	v0 =	vor.u32 $0x9, v6;
	v7 =	vld.idx.msk [tilespmem:v8+s13+$0x0], $0xffff;
	[tilespmem:s22+$0x0] =	vst v48  }
0x277: {  	v8 =	vor.u32 $0x12, v4;
	[tilespmem:s4+$0x0] =	vst v49;
	v9 =	vld.idx.msk [tilespmem:v50+s13+$0x0], $0xffff  }
0x278: {  	v51 =	vor.u32 $0x13, v5;
	v10 =	vld.idx.msk [tilespmem:v13+s13+$0x0], $0xffff  }
0x279: {  	s3 =	sor.u32 s28, s21;
	v12 =	vld.idx.msk [tilespmem:v2+s13+$0x0], $0xffff;
	v13 =	vor.u32 $0xA, v1  }
0x27a: {  	s10 =	sadd.s32 $0x14500, s11;
	s8 =	simm.s32 $0x200;
	v15 =	vor.u32 $0x1, v2;
	s0 =	sor.u32 s5, s20;
	[tilespmem:s3+$0x0] =	vst v3;
	v3 =	vld.idx.msk [tilespmem:v14+s13+$0x0], $0xffff  }
0x27b: {  	s30 =	sand.u32 $0xC00, s8;
	s14 =	sadd.s32 $0x13480, s26;
	s15 =	sor.u32 s9, s10;
	v16 =	vor.u32 $0x1, v14;
	[tilespmem:s0+$0x0] =	vst v7;
	v0 =	vld.idx.msk [tilespmem:v0+s13+$0x0], $0xffff  }
0x27c: {  	s31 =	sand.u32 $0x60, s18;
	s16 =	sadd.s32 $0x12400, s30;
	s17 =	sor.u32 s29, s14;
	v7 =	vor.u32 $0xA, v6;
	v8 =	vld.idx.msk [tilespmem:v8+s13+$0x0], $0xffff;
	[tilespmem:s15+$0x0] =	vst v9  }
0x27d: {  	v52 =	vor.u32 $0x13, v4;
	s2 =	sor.u32 s31, s16;
	s0 =	sand.u32 $0x70, s19;
	[tilespmem:s17+$0x0] =	vst v10;
	v53 =	vld.idx.msk [tilespmem:v51+s13+$0x0], $0xffff  }
0x27e: {  	[tilespmem:s2+$0x0] =	vst v12;
	v12 =	vor.u32 $0x14, v5;
	s1 =	sor.u32 s0, s16;
	v54 =	vld.idx.msk [tilespmem:v13+s13+$0x0], $0xffff  }
0x27f: {  	s3 =	sor.u32 s28, s14;
	v13 =	vld.idx.msk [tilespmem:v15+s13+$0x0], $0xffff;
	[tilespmem:s1+$0x0] =	vst v3;
	v3 =	vor.u32 $0xB, v1  }
0x280: {  	s6 =	sor.u32 s5, s10;
	s18 =	sadd.s32 $0x14580, s11;
	v15 =	vld.idx.msk [tilespmem:v16+s13+$0x0], $0xffff;
	[tilespmem:s3+$0x0] =	vst v0;
	v0 =	vor.u32 $0x2, v2  }
0x281: {  	s20 =	sor.u32 s9, s18;
	s19 =	sadd.s32 $0x13500, s26;
	v16 =	vor.u32 $0x2, v14;
	v7 =	vld.idx.msk [tilespmem:v7+s13+$0x0], $0xffff;
	[tilespmem:s6+$0x0] =	vst v8  }
0x282: {  	s21 =	sor.u32 s29, s19;
	v8 =	vor.u32 $0xB, v6;
	v9 =	vld.idx.msk [tilespmem:v52+s13+$0x0], $0xffff;
	[tilespmem:s20+$0x0] =	vst v53  }
0x283: {  	v55 =	vor.u32 $0x14, v4;
	[tilespmem:s21+$0x0] =	vst v54;
	v56 =	vld.idx.msk [tilespmem:v12+s13+$0x0], $0xffff  }
0x284: {  	[tilespmem:s2+$0x80] =	vst v13;
	v3 =	vld.idx.msk [tilespmem:v3+s13+$0x0], $0xffff;
	v12 =	vor.u32 $0x15, v5  }
0x285: {  	s6 =	sor.u32 s28, s19;
	v13 =	vor.u32 $0xC, v1;
	v0 =	vld.idx.msk [tilespmem:v0+s13+$0x0], $0xffff;
	[tilespmem:s1+$0x80] =	vst v15  }
0x286: {  	s22 =	sadd.s32 $0x14600, s11;
	s3 =	sor.u32 s5, s18;
	v15 =	vld.idx.msk [tilespmem:v16+s13+$0x0], $0xffff;
	[tilespmem:s6+$0x0] =	vst v7;
	v7 =	vor.u32 $0x3, v2  }
0x287: {  	s4 =	sadd.s32 $0x13580, s26;
	s10 =	sor.u32 s9, s22;
	v16 =	vor.u32 $0x3, v14;
	v8 =	vld.idx.msk [tilespmem:v8+s13+$0x0], $0xffff;
	[tilespmem:s3+$0x0] =	vst v9  }
0x288: {  	v57 =	vor.u32 $0xC, v6;
	s14 =	sor.u32 s29, s4;
	v10 =	vld.idx.msk [tilespmem:v55+s13+$0x0], $0xffff;
	[tilespmem:s10+$0x0] =	vst v56  }
0x289: {  	v58 =	vor.u32 $0x15, v4;
	[tilespmem:s14+$0x0] =	vst v3;
	v3 =	vld.idx.msk [tilespmem:v12+s13+$0x0], $0xffff  }
0x28a: {  	[tilespmem:s2+$0x100] =	vst v0;
	v0 =	vld.idx.msk [tilespmem:v13+s13+$0x0], $0xffff;
	v12 =	vor.u32 $0x16, v5  }
0x28b: {  	s3 =	sor.u32 s28, s4;
	v13 =	vor.u32 $0xD, v1;
	v7 =	vld.idx.msk [tilespmem:v7+s13+$0x0], $0xffff;
	[tilespmem:s1+$0x100] =	vst v15  }
0x28c: {  	s15 =	sadd.s32 $0x14680, s11;
	s6 =	sor.u32 s5, s22;
	v15 =	vld.idx.msk [tilespmem:v16+s13+$0x0], $0xffff;
	[tilespmem:s3+$0x0] =	vst v8;
	v8 =	vor.u32 $0x4, v2  }
0x28d: {  	s16 =	sadd.s32 $0x13600, s26;
	s17 =	sor.u32 s9, s15;
	v16 =	vor.u32 $0x4, v14;
	v9 =	vld.idx.msk [tilespmem:v57+s13+$0x0], $0xffff;
	[tilespmem:s6+$0x0] =	vst v10  }
0x28e: {  	v59 =	vor.u32 $0xD, v6;
	s18 =	sor.u32 s29, s16;
	v11 =	vld.idx.msk [tilespmem:v58+s13+$0x0], $0xffff;
	[tilespmem:s17+$0x0] =	vst v3  }
0x28f: {  	v3 =	vor.u32 $0x16, v4;
	[tilespmem:s18+$0x0] =	vst v0;
	v0 =	vld.idx.msk [tilespmem:v12+s13+$0x0], $0xffff  }
0x290: {  	[tilespmem:s2+$0x180] =	vst v7;
	v7 =	vld.idx.msk [tilespmem:v13+s13+$0x0], $0xffff;
	v12 =	vor.u32 $0x17, v5  }
0x291: {  	s6 =	sor.u32 s28, s16;
	v13 =	vor.u32 $0xE, v1;
	v8 =	vld.idx.msk [tilespmem:v8+s13+$0x0], $0xffff;
	[tilespmem:s1+$0x180] =	vst v15  }
0x292: {  	v60 =	vor.u32 $0x5, v2;
	s19 =	sadd.s32 $0x14700, s11;
	s3 =	sor.u32 s5, s15;
	v15 =	vld.idx.msk [tilespmem:v16+s13+$0x0], $0xffff;
	[tilespmem:s6+$0x0] =	vst v9  }
0x293: {  	s20 =	sadd.s32 $0x13680, s26;
	s21 =	sor.u32 s9, s19;
	v16 =	vor.u32 $0x5, v14;
	v10 =	vld.idx.msk [tilespmem:v59+s13+$0x0], $0xffff;
	[tilespmem:s3+$0x0] =	vst v11  }
0x294: {  	v61 =	vor.u32 $0xE, v6;
	s22 =	sor.u32 s29, s20;
	v3 =	vld.idx.msk [tilespmem:v3+s13+$0x0], $0xffff;
	[tilespmem:s21+$0x0] =	vst v0  }
0x295: {  	v0 =	vor.u32 $0x17, v4;
	[tilespmem:s22+$0x0] =	vst v7;
	v7 =	vld.idx.msk [tilespmem:v12+s13+$0x0], $0xffff  }
0x296: {  	[tilespmem:s2+$0x200] =	vst v8;
	v8 =	vld.idx.msk [tilespmem:v13+s13+$0x0], $0xffff;
	v12 =	vor.u32 $0x18, v5  }
0x297: {  	s3 =	sor.u32 s28, s20;
	v13 =	vor.u32 $0xF, v1;
	v9 =	vld.idx.msk [tilespmem:v60+s13+$0x0], $0xffff;
	[tilespmem:s1+$0x200] =	vst v15  }
0x298: {  	v62 =	vor.u32 $0x6, v2;
	s4 =	sadd.s32 $0x14780, s11;
	s6 =	sor.u32 s5, s19;
	v15 =	vld.idx.msk [tilespmem:v16+s13+$0x0], $0xffff;
	[tilespmem:s3+$0x0] =	vst v10  }
0x299: {  	s10 =	sadd.s32 $0x13700, s26;
	s14 =	sor.u32 s9, s4;
	v16 =	vor.u32 $0x6, v14;
	v11 =	vld.idx.msk [tilespmem:v61+s13+$0x0], $0xffff;
	[tilespmem:s6+$0x0] =	vst v3  }
0x29a: {  	s15 =	sor.u32 s29, s10;
	v3 =	vor.u32 $0xF, v6;
	v0 =	vld.idx.msk [tilespmem:v0+s13+$0x0], $0xffff;
	[tilespmem:s14+$0x0] =	vst v7  }
0x29b: {  	v7 =	vor.u32 $0x18, v4;
	[tilespmem:s15+$0x0] =	vst v8;
	v8 =	vld.idx.msk [tilespmem:v12+s13+$0x0], $0xffff  }
0x29c: {  	[tilespmem:s2+$0x280] =	vst v9;
	v63 =	vld.idx.msk [tilespmem:v13+s13+$0x0], $0xffff;
	v12 =	vor.u32 $0x19, v5  }
0x29d: {  	s6 =	sor.u32 s28, s10;
	v13 =	vor.u32 $0x10, v1;
	v10 =	vld.idx.msk [tilespmem:v62+s13+$0x0], $0xffff;
	[tilespmem:s1+$0x280] =	vst v15  }
0x29e: {  	v32 =	vor.u32 $0x7, v2;
	s16 =	sadd.s32 $0x15400, s11;
	s3 =	sor.u32 s5, s4;
	v15 =	vld.idx.msk [tilespmem:v16+s13+$0x0], $0xffff;
	[tilespmem:s6+$0x0] =	vst v11  }
0x29f: {  	s17 =	sadd.s32 $0x13780, s26;
	s18 =	sor.u32 s9, s16;
	v16 =	vor.u32 $0x7, v14;
	v3 =	vld.idx.msk [tilespmem:v3+s13+$0x0], $0xffff;
	[tilespmem:s3+$0x0] =	vst v0  }
0x2a0: {  	s19 =	sor.u32 s29, s17;
	v0 =	vor.u32 $0x10, v6;
	v7 =	vld.idx.msk [tilespmem:v7+s13+$0x0], $0xffff;
	[tilespmem:s18+$0x0] =	vst v8  }
0x2a1: {  	v8 =	vor.u32 $0x19, v4;
	[tilespmem:s19+$0x0] =	vst v63;
	v33 =	vld.idx.msk [tilespmem:v12+s13+$0x0], $0xffff  }
0x2a2: {  	[tilespmem:s2+$0x300] =	vst v10;
	v34 =	vld.idx.msk [tilespmem:v13+s13+$0x0], $0xffff;
	v12 =	vor.u32 $0x1A, v5  }
0x2a3: {  	s3 =	sor.u32 s28, s17;
	v13 =	vor.u32 $0x11, v1;
	v11 =	vld.idx.msk [tilespmem:v32+s13+$0x0], $0xffff;
	[tilespmem:s1+$0x300] =	vst v15  }
0x2a4: {  	s20 =	sadd.s32 $0x15480, s11;
	s6 =	sor.u32 s5, s16;
	v15 =	vld.idx.msk [tilespmem:v16+s13+$0x0], $0xffff;
	[tilespmem:s3+$0x0] =	vst v3;
	v3 =	vor.u32 $0x8, v2  }
0x2a5: {  	s21 =	sadd.s32 $0x14400, s26;
	s22 =	sor.u32 s9, s20;
	v16 =	vor.u32 $0x8, v14;
	v0 =	vld.idx.msk [tilespmem:v0+s13+$0x0], $0xffff;
	[tilespmem:s6+$0x0] =	vst v7  }
0x2a6: {  	s4 =	sor.u32 s29, s21;
	v7 =	vor.u32 $0x11, v6;
	v8 =	vld.idx.msk [tilespmem:v8+s13+$0x0], $0xffff;
	[tilespmem:s22+$0x0] =	vst v33  }
0x2a7: {  	v35 =	vor.u32 $0x1A, v4;
	[tilespmem:s4+$0x0] =	vst v34;
	v36 =	vld.idx.msk [tilespmem:v12+s13+$0x0], $0xffff  }
0x2a8: {  	[tilespmem:s2+$0x380] =	vst v11;
	v37 =	vld.idx.msk [tilespmem:v13+s13+$0x0], $0xffff;
	s2 =	simm.s32 $0x60;
	v12 =	vor.u32 $0x1B, v5  }
0x2a9: {  	s7 =	simm.s32 $0x70;
	s6 =	sor.u32 s28, s21;
	v13 =	vld.idx.msk [tilespmem:v3+s13+$0x0], $0xffff;
	[tilespmem:s1+$0x380] =	vst v15;
	v3 =	vmov s2;
	v15 =	vor.u32 $0x12, v1  }
0x2aa: {  	v17 =	vmov s7;
	v18 =	vor.u32 $0x9, v2;
	s10 =	sor.u32 s5, s20;
	s14 =	sadd.s32 $0x15500, s11;
	v16 =	vld.idx.msk [tilespmem:v16+s13+$0x0], $0xffff;
	[tilespmem:s6+$0x0] =	vst v0;
	v0 =	vshll.u32 v3, $0x5  }
0x2ab: {  	v17 =	vshll.u32 v17, $0x5;
	s15 =	sadd.s32 $0x14480, s26;
	s16 =	sor.u32 s9, s14;
	v7 =	vld.idx.msk [tilespmem:v7+s13+$0x0], $0xffff;
	[tilespmem:s10+$0x0] =	vst v8;
	v3 =	vor.u32 v19, v0  }
0x2ac: {  	v20 =	vor.u32 v19, v17;
	s17 =	sadd.s32 $0x13400, s30;
	s18 =	sor.u32 s29, s15;
	v0 =	vld.idx.msk [tilespmem:v35+s13+$0x0], $0xffff;
	[tilespmem:s16+$0x0] =	vst v36  }
0x2ad: {  	s19 =	sor.u32 s31, s17;
	v8 =	vor.u32 $0x9, v14;
	[tilespmem:s18+$0x0] =	vst v37;
	v38 =	vld.idx.msk [tilespmem:v12+s13+$0x0], $0xffff  }
0x2ae: {  	v39 =	vor.u32 $0x12, v6;
	s20 =	sor.u32 s0, s17;
	[tilespmem:s19+$0x0] =	vst v13;
	v11 =	vld.idx.msk [tilespmem:v15+s13+$0x0], $0xffff  }
0x2af: {  	s1 =	sor.u32 s28, s15;
	v13 =	vor.u32 $0x1C, v5;
	v12 =	vld.idx.msk [tilespmem:v18+s13+$0x0], $0xffff;
	[tilespmem:s20+$0x0] =	vst v16  }
0x2b0: {  	s17 =	sadd.s32 $0x15580, s11;
	s3 =	sor.u32 s5, s14;
	v16 =	vor.u32 $0x13, v1;
	v15 =	vld.idx.msk [tilespmem:v3+s13+$0x0], $0xffff;
	[tilespmem:s1+$0x0] =	vst v7  }
0x2b1: {  	s8 =	simm.s32 $0x300;
	v17 =	vor.u32 $0xA, v2;
	s21 =	sadd.s32 $0x14500, s26;
	s22 =	sor.u32 s9, s17;
	v7 =	vld.idx.msk [tilespmem:v20+s13+$0x0], $0xffff;
	[tilespmem:s3+$0x0] =	vst v0  }
0x2b2: {  	s14 =	sadd.s32 $0x13480, s30;
	s4 =	sor.u32 s29, s21;
	v8 =	vld.idx.msk [tilespmem:v8+s13+$0x0], $0xffff;
	v0 =	vor.u32 $0x1, v3;
	s3 =	sand.u32 $0xC00, s8;
	[tilespmem:s22+$0x0] =	vst v38  }
0x2b3: {  	s16 =	sor.u32 s31, s14;
	v18 =	vor.u32 $0x1, v20;
	s1 =	sand.u32 $0x60, s2;
	v10 =	vld.idx.msk [tilespmem:v39+s13+$0x0], $0xffff;
	s15 =	sadd.s32 $0x12400, s3;
	[tilespmem:s4+$0x0] =	vst v11  }
0x2b4: {  	v40 =	vor.u32 $0xA, v14;
	s10 =	sand.u32 $0x70, s7;
	s2 =	sor.u32 s1, s15;
	v41 =	vld.idx.msk [tilespmem:v13+s13+$0x0], $0xffff;
	[tilespmem:s16+$0x0] =	vst v12  }
0x2b5: {  	s20 =	sor.u32 s10, s15;
	v13 =	vor.u32 $0x13, v6;
	v12 =	vld.idx.msk [tilespmem:v16+s13+$0x0], $0xffff;
	[tilespmem:s2+$0x0] =	vst v15  }
0x2b6: {  	s18 =	sor.u32 s0, s14;
	v16 =	vor.u32 $0x1D, v5;
	v15 =	vld.idx.msk [tilespmem:v17+s13+$0x0], $0xffff;
	[tilespmem:s20+$0x0] =	vst v7  }
0x2b7: {  	s6 =	sor.u32 s28, s21;
	s15 =	sadd.s32 $0x15600, s11;
	v7 =	vor.u32 $0x14, v1;
	[tilespmem:s18+$0x0] =	vst v8;
	v0 =	vld.idx.msk [tilespmem:v0+s13+$0x0], $0xffff  }
0x2b8: {  	s7 =	sadd.s32 $0x14580, s26;
	s19 =	sor.u32 s9, s15;
	v17 =	vld.idx.msk [tilespmem:v18+s13+$0x0], $0xffff;
	v18 =	vor.u32 $0xB, v2;
	[tilespmem:s6+$0x0] =	vst v10  }
0x2b9: {  	s21 =	sadd.s32 $0x13500, s30;
	s22 =	sor.u32 s29, s7;
	v8 =	vor.u32 $0x2, v3;
	v9 =	vld.idx.msk [tilespmem:v40+s13+$0x0], $0xffff;
	[tilespmem:s19+$0x0] =	vst v41  }
0x2ba: {  	v42 =	vor.u32 $0x2, v20;
	s4 =	sor.u32 s31, s21;
	v13 =	vld.idx.msk [tilespmem:v13+s13+$0x0], $0xffff;
	[tilespmem:s22+$0x0] =	vst v12  }
0x2bb: {  	v43 =	vor.u32 $0xB, v14;
	v12 =	vld.idx.msk [tilespmem:v16+s13+$0x0], $0xffff;
	[tilespmem:s4+$0x0] =	vst v15  }
0x2bc: {  	v16 =	vor.u32 $0x14, v6;
	v7 =	vld.idx.msk [tilespmem:v7+s13+$0x0], $0xffff;
	[tilespmem:s2+$0x80] =	vst v0  }
0x2bd: {  	s18 =	sor.u32 s0, s21;
	v15 =	vor.u32 $0x1E, v5;
	v0 =	vld.idx.msk [tilespmem:v18+s13+$0x0], $0xffff;
	[tilespmem:s20+$0x80] =	vst v17  }
0x2be: {  	s7 =	sor.u32 s28, s7;
	s6 =	sadd.s32 $0x15680, s11;
	v17 =	vor.u32 $0x15, v1;
	[tilespmem:s18+$0x0] =	vst v9;
	v8 =	vld.idx.msk [tilespmem:v8+s13+$0x0], $0xffff  }
0x2bf: {  	s21 =	sor.u32 s9, s6;
	s19 =	sadd.s32 $0x14600, s26;
	v18 =	vor.u32 $0xC, v2;
	v10 =	vld.idx.msk [tilespmem:v42+s13+$0x0], $0xffff;
	[tilespmem:s7+$0x0] =	vst v13  }
0x2c0: {  	v44 =	vor.u32 $0x3, v3;
	s22 =	sadd.s32 $0x13580, s30;
	s18 =	sor.u32 s29, s19;
	v11 =	vld.idx.msk [tilespmem:v43+s13+$0x0], $0xffff;
	[tilespmem:s21+$0x0] =	vst v12  }
0x2c1: {  	s4 =	sor.u32 s31, s22;
	v13 =	vor.u32 $0x3, v20;
	v16 =	vld.idx.msk [tilespmem:v16+s13+$0x0], $0xffff;
	[tilespmem:s18+$0x0] =	vst v7  }
0x2c2: {  	v12 =	vor.u32 $0xC, v14;
	v7 =	vld.idx.msk [tilespmem:v15+s13+$0x0], $0xffff;
	[tilespmem:s4+$0x0] =	vst v0  }
0x2c3: {  	v15 =	vor.u32 $0x15, v6;
	v0 =	vld.idx.msk [tilespmem:v17+s13+$0x0], $0xffff;
	[tilespmem:s2+$0x100] =	vst v8  }
0x2c4: {  	v5 =	vor.u32 $0x1F, v5;
	s18 =	sor.u32 s0, s22;
	v8 =	vld.idx.msk [tilespmem:v18+s13+$0x0], $0xffff;
	[tilespmem:s20+$0x100] =	vst v10  }
0x2c5: {  	v45 =	vor.u32 $0x16, v1;
	s14 =	sor.u32 s28, s19;
	s7 =	sadd.s32 $0x15700, s11;
	[tilespmem:s18+$0x0] =	vst v11;
	v9 =	vld.idx.msk [tilespmem:v44+s13+$0x0], $0xffff  }
0x2c6: {  	s16 =	sadd.s32 $0x14680, s26;
	s19 =	sor.u32 s9, s7;
	v17 =	vor.u32 $0xD, v2;
	v13 =	vld.idx.msk [tilespmem:v13+s13+$0x0], $0xffff;
	[tilespmem:s14+$0x0] =	vst v16  }
0x2c7: {  	v46 =	vor.u32 $0x4, v3;
	s21 =	sadd.s32 $0x13600, s30;
	s22 =	sor.u32 s29, s16;
	v12 =	vld.idx.msk [tilespmem:v12+s13+$0x0], $0xffff;
	[tilespmem:s19+$0x0] =	vst v7  }
0x2c8: {  	s4 =	sor.u32 s31, s21;
	v16 =	vor.u32 $0x4, v20;
	v7 =	vld.idx.msk [tilespmem:v15+s13+$0x0], $0xffff;
	[tilespmem:s22+$0x0] =	vst v0  }
0x2c9: {  	v15 =	vor.u32 $0xD, v14;
	v0 =	vld.idx.msk [tilespmem:v5+s13+$0x0], $0xffff;
	[tilespmem:s4+$0x0] =	vst v8  }
0x2ca: {  	v5 =	vor.u32 $0x16, v6;
	v8 =	vld.idx.msk [tilespmem:v45+s13+$0x0], $0xffff;
	[tilespmem:s2+$0x180] =	vst v9  }
0x2cb: {  	v47 =	vor.u32 $0x1B, v4;
	s18 =	sor.u32 s0, s21;
	v48 =	vld.idx.msk [tilespmem:v17+s13+$0x0], $0xffff;
	[tilespmem:s20+$0x180] =	vst v13  }
0x2cc: {  	s11 =	sadd.s32 $0x15780, s11;
	s16 =	sor.u32 s28, s16;
	v11 =	vld.idx.msk [tilespmem:v46+s13+$0x0], $0xffff;
	v13 =	vor.u32 $0x17, v1;
	[tilespmem:s18+$0x0] =	vst v12  }
0x2cd: {  	s9 =	sor.u32 s9, s11;
	s19 =	sadd.s32 $0x14700, s26;
	v17 =	vor.u32 $0xE, v2;
	v16 =	vld.idx.msk [tilespmem:v16+s13+$0x0], $0xffff;
	[tilespmem:s16+$0x0] =	vst v7  }
0x2ce: {  	s21 =	sadd.s32 $0x13680, s30;
	s22 =	sor.u32 s29, s19;
	v12 =	vor.u32 $0x5, v3;
	v15 =	vld.idx.msk [tilespmem:v15+s13+$0x0], $0xffff;
	[tilespmem:s9+$0x0] =	vst v0  }
0x2cf: {  	s4 =	sor.u32 s31, s21;
	v7 =	vor.u32 $0x5, v20;
	v0 =	vld.idx.msk [tilespmem:v5+s13+$0x0], $0xffff;
	[tilespmem:s22+$0x0] =	vst v8  }
0x2d0: {  	v5 =	vor.u32 $0xE, v14;
	v8 =	vld.idx.msk [tilespmem:v47+s13+$0x0], $0xffff;
	[tilespmem:s4+$0x0] =	vst v48  }
0x2d1: {  	v49 =	vor.u32 $0x17, v6;
	v50 =	vld.idx.msk [tilespmem:v13+s13+$0x0], $0xffff;
	[tilespmem:s2+$0x200] =	vst v11  }
0x2d2: {  	s16 =	sor.u32 s0, s21;
	v13 =	vor.u32 $0x1C, v4;
	v17 =	vld.idx.msk [tilespmem:v17+s13+$0x0], $0xffff;
	[tilespmem:s20+$0x200] =	vst v16  }
0x2d3: {  	s14 =	sor.u32 s28, s19;
	v18 =	vld.idx.msk [tilespmem:v12+s13+$0x0], $0xffff;
	v16 =	vor.u32 $0x18, v1;
	[tilespmem:s16+$0x0] =	vst v15  }
0x2d4: {  	s19 =	sadd.s32 $0x14780, s26;
	s18 =	sor.u32 s5, s17;
	v7 =	vld.idx.msk [tilespmem:v7+s13+$0x0], $0xffff;
	[tilespmem:s14+$0x0] =	vst v0  }
0x2d5: {  	s21 =	sadd.s32 $0x13700, s30;
	s22 =	sor.u32 s29, s19;
	v5 =	vld.idx.msk [tilespmem:v5+s13+$0x0], $0xffff;
	[tilespmem:s18+$0x0] =	vst v8  }
0x2d6: {  	v22 =	vor.u32 $0x1E, v4;
	v21 =	vor.u32 $0xF, v2;
	s4 =	sor.u32 s31, s21;
	v8 =	vld.idx.msk [tilespmem:v49+s13+$0x0], $0xffff;
	[tilespmem:s22+$0x0] =	vst v50  }
0x2d7: {  	v25 =	vor.u32 $0x1F, v4;
	v26 =	vor.u32 $0x19, v6;
	v53 =	vor.u32 $0x13, v14;
	v52 =	vld.idx.msk [tilespmem:v13+s13+$0x0], $0xffff;
	[tilespmem:s4+$0x0] =	vst v17  }
0x2d8: {  	v27 =	vor.u32 $0x1A, v6;
	v54 =	vor.u32 $0x14, v14;
	v23 =	vor.u32 $0x6, v3;
	v17 =	vld.idx.msk [tilespmem:v16+s13+$0x0], $0xffff;
	[tilespmem:$0x1FE50] =	vst v53  }
0x2d9: {  	v24 =	vor.u32 $0x1D, v6;
	v31 =	vor.u32 $0x19, v14;
	v0 =	vor.u32 $0x6, v20;
	[tilespmem:$0x1FE60] =	vst v54  }
0x2da: {  	v29 =	vor.u32 $0x1A, v14;
	v51 =	vor.u32 $0xF, v14;
	v55 =	vor.u32 $0x15, v14;
	[tilespmem:s2+$0x280] =	vst v18  }
0x2db: {  	v56 =	vor.u32 $0x12, v14;
	v19 =	vor.u32 $0x1D, v4;
	v4 =	vor.u32 $0x18, v6;
	v28 =	vld.idx.msk [tilespmem:v21+s13+$0x0], $0xffff;
	[tilespmem:$0x1FE70] =	vst v55  }
0x2dc: {  	v57 =	vor.u32 $0x10, v2;
	v58 =	vor.u32 $0x1C, v6;
	v60 =	vor.u32 $0x1B, v6;
	s14 =	sor.u32 s0, s21;
	[tilespmem:s20+$0x280] =	vst v7  }
0x2dd: {  	v63 =	vor.u32 $0x16, v14;
	v34 =	vor.u32 $0x18, v14;
	v35 =	vor.u32 $0x17, v14;
	s17 =	sor.u32 s28, s19;
	v30 =	vld.idx.msk [tilespmem:v23+s13+$0x0], $0xffff;
	[tilespmem:s14+$0x0] =	vst v5  }
0x2de: {  	v37 =	vor.u32 $0x11, v14;
	s19 =	sadd.s32 $0x15400, s26;
	v12 =	vor.u32 $0x1F, v6;
	s18 =	sor.u32 s5, s15;
	v7 =	vor.u32 $0x19, v1;
	[tilespmem:s17+$0x0] =	vst v8;
	v0 =	vld.idx.msk [tilespmem:v0+s13+$0x0], $0xffff  }
0x2df: {  	v15 =	vor.u32 $0x1E, v6;
	v6 =	vor.u32 $0x10, v14;
	s21 =	sadd.s32 $0x13780, s30;
	s22 =	sor.u32 s29, s19;
	v5 =	vor.u32 $0x7, v3;
	v9 =	vld.idx.msk [tilespmem:v51+s13+$0x0], $0xffff;
	[tilespmem:s18+$0x0] =	vst v52  }
0x2e0: {  	v13 =	vor.u32 $0x1F, v14;
	s4 =	sor.u32 s31, s21;
	v16 =	vor.u32 $0x1E, v14;
	v8 =	vor.u32 $0x7, v20;
	v59 =	vld.idx.msk [tilespmem:v4+s13+$0x0], $0xffff;
	[tilespmem:s22+$0x0] =	vst v17  }
0x2e1: {  	v21 =	vor.u32 $0x1C, v14;
	v18 =	vor.u32 $0x1D, v14;
	v23 =	vor.u32 $0x1B, v14;
	v14 =	vld.idx.msk [tilespmem:v19+s13+$0x0], $0xffff;
	[tilespmem:s4+$0x0] =	vst v28  }
0x2e2: {  	v17 =	vld.idx.msk [tilespmem:v57+s13+$0x0], $0xffff;
	[tilespmem:s2+$0x300] =	vst v30  }
0x2e3: {  	v62 =	vor.u32 $0x12, v20;
	v33 =	vor.u32 $0x1A, v20;
	v39 =	vor.u32 $0x16, v20;
	s16 =	sor.u32 s0, s21;
	v7 =	vld.idx.msk [tilespmem:v7+s13+$0x0], $0xffff;
	[tilespmem:s20+$0x300] =	vst v0  }
0x2e4: {  	v38 =	vor.u32 $0x10, v20;
	v40 =	vor.u32 $0x15, v20;
	v5 =	vld.idx.msk [tilespmem:v5+s13+$0x0], $0xffff;
	[tilespmem:s16+$0x0] =	vst v9;
	v0 =	vor.u32 $0x13, v20  }
0x2e5: {  	v41 =	vor.u32 $0xF, v20;
	v51 =	vor.u32 $0x1A, v1;
	v4 =	vld.idx.msk [tilespmem:v8+s13+$0x0], $0xffff;
	[tilespmem:$0x1FE80] =	vst v0;
	v0 =	vor.u32 $0x14, v20  }
0x2e6: {  	v43 =	vor.u32 $0xD, v20;
	v42 =	vor.u32 $0xE, v20;
	s17 =	sor.u32 s28, s19;
	v8 =	vor.u32 $0x11, v2;
	[tilespmem:$0x1FE90] =	vst v0  }
0x2e7: {  	s6 =	sor.u32 s5, s6;
	v44 =	vor.u32 $0xC, v20;
	v45 =	vor.u32 $0xB, v20;
	v46 =	vor.u32 $0xA, v20;
	s18 =	sadd.s32 $0x15480, s26;
	v0 =	vld.idx.msk [tilespmem:v6+s13+$0x0], $0xffff;
	[tilespmem:s17+$0x0] =	vst v59  }
0x2e8: {  	v47 =	vor.u32 $0x11, v20;
	v48 =	vor.u32 $0x9, v20;
	v49 =	vor.u32 $0x8, v20;
	s19 =	sadd.s32 $0x14400, s30;
	s21 =	sor.u32 s29, s18;
	[tilespmem:s6+$0x0] =	vst v14;
	v52 =	vld.idx.msk [tilespmem:v26+s13+$0x0], $0xffff  }
0x2e9: {  	s22 =	sor.u32 s31, s19;
	v19 =	vor.u32 $0x1C, v20;
	v28 =	vor.u32 $0x18, v20;
	v30 =	vor.u32 $0x17, v20;
	[tilespmem:s21+$0x0] =	vst v7;
	v50 =	vld.idx.msk [tilespmem:v22+s13+$0x0], $0xffff  }
0x2ea: {  	s9 =	sor.u32 s5, s7;
	s5 =	sor.u32 s5, s11;
	s11 =	simm.s32 $0x6;
	[tilespmem:s22+$0x0] =	vst v17;
	v17 =	vor.u32 $0x1D, v20;
	v14 =	vor.u32 $0x1E, v20;
	v6 =	vor.u32 $0x8, v3;
	v51 =	vld.idx.msk [tilespmem:v51+s13+$0x0], $0xffff  }
0x2eb: {  	s17 =	sor.u32 s28, s18;
	s6 =	sor.u32 s0, s19;
	v26 =	vor.u32 $0x19, v20;
	v22 =	vor.u32 $0x1B, v20;
	v20 =	vor.u32 $0x1F, v20;
	s21 =	simm.s32 $0x90;
	[tilespmem:s2+$0x380] =	vst v5;
	v5 =	vld.idx.msk [tilespmem:v8+s13+$0x0], $0xffff  }
.LBB2_5:
0x2ec: {  	[tilespmem:$0x1FDD0] =	vst v38  }
0x2ed: {  	[tilespmem:$0x1FDA0] =	vst v17  }
0x2ee: {  	[tilespmem:$0x1FDF0] =	vst v31  }
0x2ef: {  	[tilespmem:$0x1FD70] =	vst v28  }
0x2f0: {  	[tilespmem:$0x1FE10] =	vst v26  }
0x2f1: {  	[tilespmem:$0x1FE30] =	vst v16  }
0x2f2: {  	[tilespmem:$0x1FE20] =	vst v15  }
0x2f3: {  	[tilespmem:$0x1FE40] =	vst v14  }
0x2f4: {  	[tilespmem:s20+$0x380] =	vst v4  }
0x2f5: {  	s20 =	sadd.s32 $0x15500, s26;
	v14 =	vmov v47;
	v53 =	vld.idx.msk [tilespmem:v49+s13+$0x0], $0xffff;
	[tilespmem:s6+$0x0] =	vst v0  }
0x2f6: {  	[tilespmem:$0x1FD50] =	vst v14;
	s15 =	sor.u32 s29, s20  }
0x2f7: {  	s7 =	sadd.s32 $0xFFFFFFF0, s21;
	v6 =	vld.idx.msk [tilespmem:v6+s13+$0x0], $0xffff;
	s14 =	sadd.s32 $0x14480, s30;
	[tilespmem:s15+$0x0] =	vst v51  }
0x2f8: {  	v9 =	vor.u32 $0x1B, v1;
	v4 =	vmov s7;
	s16 =	sor.u32 s31, s14;
	v57 =	vld.idx.msk [tilespmem:v37+s13+$0x0], $0xffff;
	[tilespmem:s17+$0x0] =	vst v52  }
0x2f9: {  	v0 =	vshll.u32 v4, $0x5;
	v4 =	vld [tilespmem:$0x1FFF0];
	[tilespmem:s16+$0x0] =	vst v5  }
0x2fa: {  	v15 =	vmov v12;
	v59 =	vld.idx.msk [tilespmem:v27+s13+$0x0], $0xffff;
	[tilespmem:s9+$0x0] =	vst v50  }
0x2fb: {  	v7 =	vmov s21;
	s22 =	sadd.s32 $0x13400, s3;
	v5 =	vmov v20;
	[tilespmem:$0x1FD80] =	vst v15  }
0x2fc: {  	v54 =	vor.u32 $0x12, v2;
	v7 =	vshll.u32 v7, $0x5;
	s4 =	sor.u32 s1, s22;
	[tilespmem:$0x1FE00] =	vst v5  }
0x2fd: {  	v55 =	vor.u32 $0x9, v3;
	v52 =	vmov v33;
	s9 =	sor.u32 s10, s22;
	v33 =	vld.idx.msk [tilespmem:v9+s13+$0x0], $0xffff;
	[tilespmem:s4+$0x0] =	vst v6  }
0x2fe: {  	v61 =	vld.idx.msk [tilespmem:v25+s13+$0x0], $0xffff;
	[tilespmem:s9+$0x0] =	vst v53;
	v10 =	vor.u32 v4, v7;
	v0 =	vor.u32 v4, v0;
	v4 =	vmov v29  }
0x2ff: {  	v7 =	vmov v13;
	[tilespmem:$0x1FD90] =	vst v4  }
0x300: {  	v14 =	vor.u32 $0x6, v10;
	[tilespmem:$0x1FDC0] =	vst v7  }
0x301: {  	s14 =	sor.u32 s0, s14;
	v6 =	vld.idx.msk [tilespmem:v54+s13+$0x0], $0xffff;
	[tilespmem:$0x1FD60] =	vst v14  }
0x302: {  	s6 =	sor.u32 s28, s20;
	v20 =	vld.idx.msk [tilespmem:v55+s13+$0x0], $0xffff;
	[tilespmem:s14+$0x0] =	vst v57  }
0x303: {  	v55 =	vor.u32 $0x1C, v1;
	s9 =	sadd.s32 $0x15580, s26;
	v12 =	vor.u32 $0x7, v10;
	v16 =	vld.idx.msk [tilespmem:v10+s13+$0x0], $0xffff;
	[tilespmem:s6+$0x0] =	vst v59  }
0x304: {  	s8 =	sadd.s32 $0x100, s8;
	v29 =	vmov v21;
	s17 =	sor.u32 s29, s9;
	v11 =	vor.u32 $0x1, v10;
	[tilespmem:$0x1FDB0] =	vst v12;
	v21 =	vld.idx.msk [tilespmem:v48+s13+$0x0], $0xffff  }
0x305: {  	s2 =	sand.u32 $0x70, s21;
	s14 =	sadd.s32 $0x14500, s30;
	v14 =	vld.idx.msk [tilespmem:v0+s13+$0x0], $0xffff;
	s6 =	sand.u32 $0xC00, s8;
	[tilespmem:s17+$0x0] =	vst v33  }
0x306: {  	v28 =	vmovc v60;
	v32 =	vmovc v63;
	v17 =	vor.u32 $0xA, v3;
	s7 =	sand.u32 $0x60, s7;
	v15 =	vor.u32 $0x13, v2;
	v8 =	vor.u32 $0x2, v10;
	s19 =	sor.u32 s31, s14;
	[tilespmem:s5+$0x0] =	vst v61;
	s20 =	sadd.s32 $0x12400, s6  }
0x307: {  	s18 =	sadd.s32 $0x13480, s3;
	v38 =	vmovc v30;
	v30 =	vmovc v23;
	v4 =	vor.u32 $0x3, v10;
	v60 =	vor.u32 $0x4, v10;
	v50 =	vor.u32 $0x5, v10;
	[tilespmem:s19+$0x0] =	vst v6;
	v23 =	vld.idx.msk [tilespmem:v56+s13+$0x0], $0xffff;
	s22 =	sor.u32 s7, s20;
	s20 =	sor.u32 s2, s20  }
0x308: {  	v31 =	vmovc v34;
	v26 =	vmovc v24;
	v49 =	vor.u32 $0x8, v10;
	v5 =	vor.u32 $0x9, v10;
	v13 =	vor.u32 $0xB, v10;
	s5 =	sor.u32 s10, s18;
	v24 =	vld.idx.msk [tilespmem:v55+s13+$0x0], $0xffff;
	[tilespmem:s20+$0x0] =	vst v16  }
0x309: {  	v34 =	vmovc v19;
	v27 =	vmovc v58;
	s4 =	sor.u32 s1, s18;
	v7 =	vor.u32 $0xC, v10;
	v63 =	vor.u32 $0xD, v10;
	v58 =	vor.u32 $0xE, v10;
	v11 =	vld.idx.msk [tilespmem:v11+s13+$0x0], $0xffff;
	[tilespmem:s5+$0x0] =	vst v21  }
0x30a: {  	v51 =	vmovc v18;
	v37 =	vmovc v35;
	v54 =	vor.u32 $0xF, v10;
	v47 =	vor.u32 $0x11, v10;
	v12 =	vor.u32 $0xA, v10;
	[tilespmem:s4+$0x0] =	vst v20;
	v20 =	vld.idx.msk [tilespmem:v46+s13+$0x0], $0xffff  }
0x30b: {  	v35 =	vmovc v22;
	v18 =	vor.u32 $0x1, v0;
	v19 =	vor.u32 $0x13, v10;
	v22 =	vor.u32 $0x14, v10;
	v46 =	vmovc v12;
	v12 =	vld [tilespmem:$0x1FE50]  }
0x30c: {  	v9 =	vor.u32 $0x15, v10;
	v53 =	vor.u32 $0x19, v10;
	v57 =	vor.u32 $0x10, v10  }
0x30d: {  	v36 =	vmovc v62;
	v62 =	vor.u32 $0x1C, v10;
	[tilespmem:$0x1FDE0] =	vst v57;
	v57 =	vor.u32 $0x18, v10;
	v59 =	vor.u32 $0x12, v10  }
0x30e: {  	v33 =	vor.u32 $0x1F, v10;
	v48 =	vmovc v5;
	v5 =	vor.u32 $0x16, v10;
	v61 =	vor.u32 $0x17, v10;
	v15 =	vld.idx.msk [tilespmem:v15+s13+$0x0], $0xffff;
	[tilespmem:s22+$0x0] =	vst v14  }
0x30f: {  	v25 =	vmovc v59;
	v6 =	vor.u32 $0x1B, v10;
	v59 =	vor.u32 $0x1D, v10;
	v14 =	vld.idx.msk [tilespmem:v17+s13+$0x0], $0xffff;
	v17 =	vor.u32 $0x1D, v1  }
0x310: {  	s15 =	sor.u32 s28, s9;
	s9 =	sadd.s32 $0x15600, s26;
	s14 =	sor.u32 s0, s14;
	v56 =	vor.u32 $0x1A, v10;
	v55 =	vor.u32 $0x1E, v10;
	v10 =	vor.u32 $0x14, v2  }
0x311: {  	s16 =	sadd.s32 $0x14580, s30;
	s18 =	sor.u32 s29, s9;
	v18 =	vld.idx.msk [tilespmem:v18+s13+$0x0], $0xffff;
	[tilespmem:s14+$0x0] =	vst v23  }
0x312: {  	s19 =	sadd.s32 $0x13500, s3;
	s4 =	sor.u32 s31, s16;
	[tilespmem:s18+$0x0] =	vst v24;
	v24 =	vld [tilespmem:$0x1FE80]  }
0x313: {  	s18 =	sor.u32 s1, s19;
	[tilespmem:s4+$0x0] =	vst v15;
	v12 =	vld.idx.msk [tilespmem:v12+s13+$0x0], $0xffff  }
0x314: {  	v16 =	vor.u32 $0xB, v3;
	v15 =	vld.idx.msk [tilespmem:v17+s13+$0x0], $0xffff;
	[tilespmem:s18+$0x0] =	vst v14  }
0x315: {  	s5 =	sor.u32 s10, s19;
	v10 =	vld.idx.msk [tilespmem:v10+s13+$0x0], $0xffff;
	[tilespmem:s20+$0x80] =	vst v11  }
0x316: {  	v8 =	vld.idx.msk [tilespmem:v8+s13+$0x0], $0xffff;
	[tilespmem:s5+$0x0] =	vst v20  }
0x317: {  	s17 =	sor.u32 s28, s9;
	s9 =	sor.u32 s0, s16;
	v21 =	vor.u32 $0x2, v0;
	[tilespmem:s22+$0x80] =	vst v18;
	v20 =	vld.idx.msk [tilespmem:v45+s13+$0x0], $0xffff  }
0x318: {  	[tilespmem:s9+$0x0] =	vst v12;
	v12 =	vld [tilespmem:$0x1FE60]  }
0x319: {  	v14 =	vld.idx.msk [tilespmem:v16+s13+$0x0], $0xffff;
	v16 =	vor.u32 $0x1E, v1  }
0x31a: {  	s19 =	sadd.s32 $0x15680, s26;
	v11 =	vor.u32 $0x15, v2  }
0x31b: {  	s14 =	sadd.s32 $0x14600, s30;
	s4 =	sor.u32 s29, s19  }
0x31c: {  	s16 =	sadd.s32 $0x13580, s3;
	s18 =	sor.u32 s31, s14;
	v17 =	vld.idx.msk [tilespmem:v21+s13+$0x0], $0xffff;
	[tilespmem:s4+$0x0] =	vst v15  }
0x31d: {  	v15 =	vld [tilespmem:$0x1FE90];
	s4 =	sor.u32 s1, s16;
	[tilespmem:s18+$0x0] =	vst v10  }
0x31e: {  	v23 =	vmov v24;
	v10 =	vld.idx.msk [tilespmem:v16+s13+$0x0], $0xffff;
	[tilespmem:s4+$0x0] =	vst v14  }
0x31f: {  	v18 =	vor.u32 $0xC, v3;
	[tilespmem:$0x1FE50] =	vst v23;
	v11 =	vld.idx.msk [tilespmem:v11+s13+$0x0], $0xffff  }
0x320: {  	s5 =	sor.u32 s10, s16;
	v12 =	vld.idx.msk [tilespmem:v12+s13+$0x0], $0xffff;
	[tilespmem:s20+$0x100] =	vst v8  }
0x321: {  	v23 =	vmov v19;
	v19 =	vor.u32 $0x3, v0;
	v4 =	vld.idx.msk [tilespmem:v4+s13+$0x0], $0xffff;
	[tilespmem:s5+$0x0] =	vst v20  }
0x322: {  	[tilespmem:s22+$0x100] =	vst v17;
	v17 =	vld.idx.msk [tilespmem:v44+s13+$0x0], $0xffff  }
0x323: {  	v45 =	vmov v13;
	v13 =	vmov v22;
	v44 =	vmov v7;
	v7 =	vld [tilespmem:$0x1FE70]  }
0x324: {  	s18 =	sadd.s32 $0x15700, s26;
	[tilespmem:$0x1FE90] =	vst v13;
	v14 =	vor.u32 $0x1F, v1;
	v1 =	vmov v2;
	v15 =	vmov v15;
	v13 =	vld.idx.msk [tilespmem:v18+s13+$0x0], $0xffff  }
0x325: {  	s16 =	sadd.s32 $0x14680, s30;
	s4 =	sor.u32 s29, s18;
	[tilespmem:$0x1FE60] =	vst v15;
	v8 =	vor.u32 $0x16, v1  }
0x326: {  	v2 =	vmov v3;
	v3 =	vmov v0;
	s9 =	sor.u32 s28, s18;
	s18 =	sor.u32 s31, s16;
	v0 =	vld.idx.msk [tilespmem:v19+s13+$0x0], $0xffff;
	[tilespmem:s4+$0x0] =	vst v10  }
0x327: {  	v15 =	vor.u32 $0xD, v2;
	[tilespmem:s18+$0x0] =	vst v11;
	v20 =	vmovc v33;
	v33 =	vmovc v56;
	v56 =	vmov v36;
	s5 =	sadd.s32 $0x13600, s3;
	v36 =	vmov v40  }
0x328: {  	[tilespmem:$0x1FE70] =	vst v36;
	s4 =	sor.u32 s1, s5  }
0x329: {  	s14 =	sor.u32 s0, s14;
	v16 =	vor.u32 $0x4, v3;
	v36 =	vld.idx.msk [tilespmem:v14+s13+$0x0], $0xffff;
	[tilespmem:s4+$0x0] =	vst v13  }
0x32a: {  	[tilespmem:s14+$0x0] =	vst v12;
	v8 =	vld.idx.msk [tilespmem:v8+s13+$0x0], $0xffff  }
0x32b: {  	[tilespmem:s22+$0x180] =	vst v0;
	v7 =	vld.idx.msk [tilespmem:v7+s13+$0x0], $0xffff  }
0x32c: {  	s18 =	sadd.s32 $0x15780, s26;
	v0 =	vld.idx.msk [tilespmem:v15+s13+$0x0], $0xffff;
	[tilespmem:s20+$0x180] =	vst v4  }
0x32d: {  	[tilespmem:$0x1FE80] =	vst v23;
	s14 =	sor.u32 s29, s18;
	v11 =	vld.idx.msk [tilespmem:v60+s13+$0x0], $0xffff  }
0x32e: {  	s26 =	smov.u32 s30;
	s5 =	sor.u32 s10, s5;
	v10 =	vld.idx.msk [tilespmem:v16+s13+$0x0], $0xffff;
	[tilespmem:s14+$0x0] =	vst v36  }
0x32f: {  	v23 =	vmov v35;
	v35 =	vmov v38;
	v38 =	vld [tilespmem:$0x1FD60];
	s16 =	sor.u32 s0, s16;
	s4 =	sadd.s32 $0x14700, s26;
	v4 =	vor.u32 $0x17, v1;
	[tilespmem:s5+$0x0] =	vst v17  }
0x330: {  	s30 =	smov.u32 s3;
	v12 =	vor.u32 $0xE, v2;
	s5 =	sor.u32 s28, s18;
	s18 =	sor.u32 s31, s4;
	v14 =	vld.idx.msk [tilespmem:v43+s13+$0x0], $0xffff;
	[tilespmem:s16+$0x0] =	vst v7  }
0x331: {  	[tilespmem:s18+$0x0] =	vst v8;
	s16 =	sadd.s32 $0x13680, s30;
	v7 =	vld.idx.msk [tilespmem:v32+s13+$0x0], $0xffff  }
0x332: {  	v43 =	vmov v63;
	v63 =	vmov v39;
	v39 =	vmov v5;
	s14 =	sor.u32 s1, s16;
	v5 =	vld.idx.msk [tilespmem:v28+s13+$0x0], $0xffff;
	[tilespmem:s20+$0x200] =	vst v11  }
0x333: {  	v40 =	vmov v9;
	v13 =	vor.u32 $0x5, v3;
	[tilespmem:s14+$0x0] =	vst v0;
	v9 =	vld.idx.msk [tilespmem:v50+s13+$0x0], $0xffff  }
0x334: {  	s16 =	sor.u32 s10, s16;
	v0 =	vld.idx.msk [tilespmem:v4+s13+$0x0], $0xffff;
	[tilespmem:s22+$0x200] =	vst v10  }
0x335: {  	s4 =	sor.u32 s0, s4;
	[tilespmem:s16+$0x0] =	vst v14;
	v4 =	vld.idx.msk [tilespmem:v12+s13+$0x0], $0xffff  }
0x336: {  	s19 =	sor.u32 s28, s19;
	v12 =	vld.idx.msk [tilespmem:v42+s13+$0x0], $0xffff;
	[tilespmem:s4+$0x0] =	vst v7  }
0x337: {  	s3 =	smov.u32 s6;
	s6 =	sadd.s32 $0x14780, s26;
	s29 =	smov.u32 s31;
	v7 =	vld.idx.msk [tilespmem:v37+s13+$0x0], $0xffff  }
0x338: {  	v22 =	vmov v6;
	s28 =	smov.u32 s0;
	s0 =	smov.u32 s10;
	s14 =	sor.u32 s29, s6;
	v6 =	vld.idx.msk [tilespmem:v13+s13+$0x0], $0xffff;
	[tilespmem:s15+$0x0] =	vst v5  }
0x339: {  	s31 =	smov.u32 s1;
	s1 =	smov.u32 s7;
	s7 =	sadd.s32 $0x13700, s30;
	[tilespmem:s14+$0x0] =	vst v0;
	v0 =	vld.idx.msk [tilespmem:v27+s13+$0x0], $0xffff  }
0x33a: {  	s4 =	sor.u32 s0, s7;
	[tilespmem:s20+$0x280] =	vst v9  }
0x33b: {  	s10 =	smov.u32 s2;
	s2 =	sor.u32 s28, s6;
	v9 =	vld.idx.msk [tilespmem:v38+s13+$0x0], $0xffff;
	[tilespmem:s4+$0x0] =	vst v12  }
0x33c: {  	v12 =	vld.idx.msk [tilespmem:v41+s13+$0x0], $0xffff;
	[tilespmem:s2+$0x0] =	vst v7  }
0x33d: {  	v7 =	vld.idx.msk [tilespmem:v31+s13+$0x0], $0xffff  }
0x33e: {  	[tilespmem:s17+$0x0] =	vst v0;
	v0 =	vld [tilespmem:$0x1FD70];
	_ =	sdelay $0x4  }
0x33f: {  	v21 =	vmov v34;
	v34 =	vmov v0;
	v0 =	vld [tilespmem:$0x1FDA0];
	_ =	sdelay $0x2  }
0x340: {  	v8 =	vor.u32 $0x18, v1;
	_ =	sdelay $0x1  }
0x341: {  	v10 =	vor.u32 $0xF, v2;
	v18 =	vmov v0;
	v0 =	vld [tilespmem:$0x1FDB0]  }
0x342: {  	v50 =	vor.u32 $0x6, v3;
	s16 =	sor.u32 s31, s7  }
0x343: {  	[tilespmem:s16+$0x0] =	vst v4  }
0x344: {  	v4 =	vld.idx.msk [tilespmem:v8+s13+$0x0], $0xffff  }
0x345: {  	[tilespmem:s22+$0x280] =	vst v6  }
0x346: {  	v5 =	vld.idx.msk [tilespmem:v10+s13+$0x0], $0xffff  }
0x347: {  	s18 =	sadd.s32 $0x15400, s26;
	v6 =	vld.idx.msk [tilespmem:v50+s13+$0x0], $0xffff  }
0x348: {  	s7 =	sor.u32 s29, s18;
	v13 =	vld.idx.msk [tilespmem:v26+s13+$0x0], $0xffff;
	[tilespmem:s20+$0x300] =	vst v9  }
0x349: {  	[tilespmem:s7+$0x0] =	vst v4;
	v4 =	vld.idx.msk [tilespmem:v0+s13+$0x0], $0xffff  }
0x34a: {  	v0 =	vld [tilespmem:$0x1FDD0];
	_ =	sdelay $0x4  }
0x34b: {  	s6 =	sadd.s32 $0x13780, s30;
	v8 =	vor.u32 $0x19, v1  }
0x34c: {  	s2 =	sor.u32 s0, s6  }
0x34d: {  	s14 =	sor.u32 s31, s6;
	v50 =	vor.u32 $0x10, v2;
	[tilespmem:s2+$0x0] =	vst v12  }
0x34e: {  	v42 =	vmovc v58;
	v58 =	vmov v29;
	v29 =	vmov v52;
	v52 =	vor.u32 $0x7, v3;
	s4 =	sor.u32 s28, s18;
	[tilespmem:s14+$0x0] =	vst v5;
	v0 =	vld.idx.msk [tilespmem:v0+s13+$0x0], $0xffff  }
0x34f: {  	[tilespmem:s4+$0x0] =	vst v7;
	v7 =	vld [tilespmem:$0x1FDE0]  }
0x350: {  	v5 =	vld.idx.msk [tilespmem:v8+s13+$0x0], $0xffff  }
0x351: {  	[tilespmem:s22+$0x300] =	vst v6  }
0x352: {  	v8 =	vld.idx.msk [tilespmem:v50+s13+$0x0], $0xffff  }
0x353: {  	v28 =	vmov v57;
	s15 =	sadd.s32 $0x15480, s26;
	v57 =	vld.idx.msk [tilespmem:v52+s13+$0x0], $0xffff  }
0x354: {  	s18 =	sor.u32 s29, s15;
	v38 =	vmov v7;
	v7 =	vld [tilespmem:$0x1FDF0]  }
0x355: {  	[tilespmem:s18+$0x0] =	vst v5;
	v5 =	vld [tilespmem:$0x1FE20];
	_ =	sdelay $0x6  }
0x356: {  	v52 =	vld.idx.msk [tilespmem:v7+s13+$0x0], $0xffff;
	[tilespmem:s19+$0x0] =	vst v13  }
0x357: {  	v50 =	vld.idx.msk [tilespmem:v5+s13+$0x0], $0xffff  }
0x358: {  	v5 =	vld [tilespmem:$0x1FE30];
	_ =	sdelay $0x1  }
0x359: {  	v19 =	vmov v62;
	v62 =	vmov v25;
	v25 =	vld [tilespmem:$0x1FD80]  }
0x35a: {  	v37 =	vld [tilespmem:$0x1FD50]  }
0x35b: {  	s11 =	sadd.s32 $0x2, s11;
	v17 =	vmov v59;
	v59 =	vor.u32 $0x1A, v1;
	v7 =	vld [tilespmem:$0x1FE10]  }
0x35c: {  	p0 =	slt.u32 s11, $0x1E;
	v60 =	vmovc v30;
	v30 =	vmov v61;
	v61 =	vor.u32 $0x11, v2;
	v15 =	vmov v5;
	v5 =	vld [tilespmem:$0x1FE40]  }
.Ltmp1:
0x35d: {  	v27 =	vld [tilespmem:$0x1FD90];
	s16 =	sadd.s32 $0x14400, s30;
	(pc) =	sbr.rel @p0 .LBB2_5-.Ltmp1, $4  }
0x35e: {  	v12 =	vld [tilespmem:$0x1FDC0];
	s19 =	sor.u32 s31, s16  }
0x35f: {  	v13 =	vld [tilespmem:$0x1FE00];
	[tilespmem:s19+$0x0] =	vst v8  }
0x360: {  	v24 =	vmov v51;
	v14 =	vmov v55;
	v51 =	vld.idx.msk [tilespmem:v59+s13+$0x0], $0xffff;
	[tilespmem:s22+$0x380] =	vst v57  }
0x361: {  	s21 =	sadd.s32 $0x20, s21;
	v41 =	vmovc v54;
	s6 =	sor.u32 s0, s16;
	s17 =	sor.u32 s28, s15;
	v26 =	vmovc v53;
	v6 =	vor.u32 $0x8, v3;
	v31 =	vmov v7;
	v16 =	vmov v5;
	v5 =	vld.idx.msk [tilespmem:v61+s13+$0x0], $0xffff  }
0x362: {  	_ =	sdelay $0x3  }
0x363: {  	v6 =	vld.idx.msk [tilespmem:v6+s13+$0x0], $0xffff;
	[tilespmem:s20+$0x380] =	vst v4  }
0x364: {  	v7 =	vor.u32 $0x9, v3;
	v4 =	vld.idx.msk [tilespmem:v49+s13+$0x0], $0xffff;
	_ =	sdelay $0x1  }
0x365: {  	s2 =	sadd.s32 $0x13400, s3  }
0x366: {  	s4 =	sor.u32 s1, s2  }
0x367: {  	s2 =	sor.u32 s10, s2;
	[tilespmem:s4+$0x0] =	vst v6  }
0x368: {  	v6 =	vld.idx.msk [tilespmem:v7+s13+$0x0], $0xffff;
	[tilespmem:s2+$0x0] =	vst v4  }
0x369: {  	v61 =	vor.u32 $0xA, v3;
	v9 =	vld.idx.msk [tilespmem:v48+s13+$0x0], $0xffff;
	_ =	sdelay $0x1  }
0x36a: {  	s19 =	sadd.s32 $0x13480, s3  }
0x36b: {  	s20 =	sor.u32 s1, s19  }
0x36c: {  	s2 =	sor.u32 s10, s19;
	[tilespmem:s20+$0x0] =	vst v6  }
0x36d: {  	v4 =	vld.idx.msk [tilespmem:v61+s13+$0x0], $0xffff;
	[tilespmem:s2+$0x0] =	vst v9  }
0x36e: {  	v10 =	vor.u32 $0xB, v3;
	v7 =	vld.idx.msk [tilespmem:v46+s13+$0x0], $0xffff;
	_ =	sdelay $0x1  }
0x36f: {  	s21 =	sadd.s32 $0x13500, s3  }
0x370: {  	s22 =	sor.u32 s1, s21  }
0x371: {  	s2 =	sor.u32 s10, s21;
	[tilespmem:s22+$0x0] =	vst v4  }
0x372: {  	v4 =	vld.idx.msk [tilespmem:v10+s13+$0x0], $0xffff;
	[tilespmem:s2+$0x0] =	vst v7  }
0x373: {  	v11 =	vor.u32 $0xC, v3;
	v7 =	vld.idx.msk [tilespmem:v45+s13+$0x0], $0xffff;
	_ =	sdelay $0x1  }
0x374: {  	s4 =	sadd.s32 $0x13580, s3  }
0x375: {  	s7 =	sor.u32 s1, s4  }
0x376: {  	s2 =	sor.u32 s10, s4;
	[tilespmem:s7+$0x0] =	vst v4  }
0x377: {  	v4 =	vld.idx.msk [tilespmem:v11+s13+$0x0], $0xffff;
	[tilespmem:s2+$0x0] =	vst v7  }
0x378: {  	v32 =	vor.u32 $0xD, v3;
	v7 =	vld.idx.msk [tilespmem:v44+s13+$0x0], $0xffff;
	_ =	sdelay $0x1  }
0x379: {  	s8 =	sadd.s32 $0x13600, s3  }
0x37a: {  	s11 =	sor.u32 s1, s8  }
0x37b: {  	s2 =	sor.u32 s10, s8;
	[tilespmem:s11+$0x0] =	vst v4  }
0x37c: {  	v4 =	vld.idx.msk [tilespmem:v32+s13+$0x0], $0xffff;
	[tilespmem:s2+$0x0] =	vst v7  }
0x37d: {  	v36 =	vor.u32 $0xE, v3;
	v7 =	vld.idx.msk [tilespmem:v43+s13+$0x0], $0xffff;
	_ =	sdelay $0x1  }
0x37e: {  	s14 =	sadd.s32 $0x13680, s3  }
0x37f: {  	s15 =	sor.u32 s1, s14  }
0x380: {  	s2 =	sor.u32 s10, s14;
	[tilespmem:s15+$0x0] =	vst v4  }
0x381: {  	v4 =	vld.idx.msk [tilespmem:v36+s13+$0x0], $0xffff;
	[tilespmem:s2+$0x0] =	vst v7  }
0x382: {  	v43 =	vor.u32 $0xF, v3;
	v7 =	vld.idx.msk [tilespmem:v42+s13+$0x0], $0xffff;
	_ =	sdelay $0x1  }
0x383: {  	s16 =	sadd.s32 $0x13700, s3  }
0x384: {  	s18 =	sor.u32 s1, s16  }
0x385: {  	s2 =	sor.u32 s10, s16;
	[tilespmem:s18+$0x0] =	vst v4  }
0x386: {  	v4 =	vld.idx.msk [tilespmem:v43+s13+$0x0], $0xffff;
	[tilespmem:s2+$0x0] =	vst v7  }
0x387: {  	v44 =	vor.u32 $0x10, v3;
	v7 =	vld.idx.msk [tilespmem:v41+s13+$0x0], $0xffff;
	_ =	sdelay $0x1  }
0x388: {  	s19 =	sadd.s32 $0x13780, s3  }
0x389: {  	s20 =	sor.u32 s1, s19  }
0x38a: {  	s2 =	sor.u32 s10, s19;
	[tilespmem:s20+$0x0] =	vst v4  }
0x38b: {  	v46 =	vor.u32 $0x12, v2;
	v4 =	vld.idx.msk [tilespmem:v44+s13+$0x0], $0xffff;
	[tilespmem:s2+$0x0] =	vst v7  }
0x38c: {  	[tilespmem:s6+$0x0] =	vst v0;
	v45 =	vor.u32 $0x11, v3;
	v7 =	vld.idx.msk [tilespmem:v38+s13+$0x0], $0xffff  }
0x38d: {  	v8 =	vld.idx.msk [tilespmem:v37+s13+$0x0], $0xffff;
	s4 =	sadd.s32 $0x14480, s30  }
0x38e: {  	s21 =	sadd.s32 $0x14400, s3;
	s6 =	sor.u32 s31, s4  }
0x38f: {  	s22 =	sor.u32 s1, s21;
	[tilespmem:s6+$0x0] =	vst v5  }
0x390: {  	v0 =	vld.idx.msk [tilespmem:v46+s13+$0x0], $0xffff;
	s2 =	sor.u32 s10, s21;
	[tilespmem:s22+$0x0] =	vst v4  }
0x391: {  	v4 =	vld.idx.msk [tilespmem:v45+s13+$0x0], $0xffff;
	[tilespmem:s2+$0x0] =	vst v7;
	s2 =	sor.u32 s0, s4  }
0x392: {  	v7 =	vld.idx.msk [tilespmem:v47+s13+$0x0], $0xffff;
	[tilespmem:s2+$0x0] =	vst v8  }
0x393: {  	v48 =	vor.u32 $0x12, v3;
	s11 =	sadd.s32 $0x14500, s30;
	v8 =	vld.idx.msk [tilespmem:v56+s13+$0x0], $0xffff  }
0x394: {  	s7 =	sadd.s32 $0x14480, s3;
	s14 =	sor.u32 s31, s11  }
0x395: {  	s8 =	sor.u32 s1, s7;
	[tilespmem:s14+$0x0] =	vst v0  }
0x396: {  	s4 =	sor.u32 s10, s7;
	[tilespmem:s8+$0x0] =	vst v4  }
0x397: {  	s2 =	sor.u32 s0, s11;
	[tilespmem:s4+$0x0] =	vst v7  }
0x398: {  	v4 =	vld.idx.msk [tilespmem:v48+s13+$0x0], $0xffff;
	[tilespmem:s2+$0x0] =	vst v8  }
0x399: {  	v8 =	vld [tilespmem:$0x1FE50]  }
0x39a: {  	v49 =	vor.u32 $0x13, v2;
	v7 =	vld.idx.msk [tilespmem:v62+s13+$0x0], $0xffff;
	_ =	sdelay $0x1  }
0x39b: {  	s15 =	sadd.s32 $0x14500, s3  }
0x39c: {  	s16 =	sor.u32 s1, s15  }
0x39d: {  	s18 =	sor.u32 s10, s15;
	[tilespmem:s16+$0x0] =	vst v4  }
0x39e: {  	v0 =	vld.idx.msk [tilespmem:v49+s13+$0x0], $0xffff;
	[tilespmem:s18+$0x0] =	vst v7  }
0x39f: {  	v7 =	vld [tilespmem:$0x1FE80]  }
0x3a0: {  	v53 =	vor.u32 $0x13, v3;
	v8 =	vld.idx.msk [tilespmem:v8+s13+$0x0], $0xffff;
	_ =	sdelay $0x1  }
0x3a1: {  	s19 =	sadd.s32 $0x14580, s30  }
0x3a2: {  	s20 =	sor.u32 s31, s19  }
0x3a3: {  	s2 =	sor.u32 s0, s19;
	[tilespmem:s20+$0x0] =	vst v0  }
0x3a4: {  	v4 =	vld.idx.msk [tilespmem:v53+s13+$0x0], $0xffff;
	[tilespmem:s2+$0x0] =	vst v8  }
0x3a5: {  	v8 =	vld [tilespmem:$0x1FE60]  }
0x3a6: {  	v54 =	vor.u32 $0x14, v2;
	v7 =	vld.idx.msk [tilespmem:v7+s13+$0x0], $0xffff;
	_ =	sdelay $0x1  }
0x3a7: {  	s21 =	sadd.s32 $0x14580, s3  }
0x3a8: {  	s22 =	sor.u32 s1, s21  }
0x3a9: {  	s4 =	sor.u32 s10, s21;
	[tilespmem:s22+$0x0] =	vst v4  }
0x3aa: {  	v0 =	vld.idx.msk [tilespmem:v54+s13+$0x0], $0xffff;
	[tilespmem:s4+$0x0] =	vst v7  }
0x3ab: {  	v7 =	vld [tilespmem:$0x1FE90]  }
0x3ac: {  	v55 =	vor.u32 $0x14, v3;
	v8 =	vld.idx.msk [tilespmem:v8+s13+$0x0], $0xffff;
	_ =	sdelay $0x1  }
0x3ad: {  	s6 =	sadd.s32 $0x14600, s30  }
0x3ae: {  	s7 =	sor.u32 s31, s6  }
0x3af: {  	s2 =	sor.u32 s0, s6;
	[tilespmem:s7+$0x0] =	vst v0  }
0x3b0: {  	v4 =	vld.idx.msk [tilespmem:v55+s13+$0x0], $0xffff;
	[tilespmem:s2+$0x0] =	vst v8  }
0x3b1: {  	v56 =	vor.u32 $0x15, v2;
	v8 =	vld [tilespmem:$0x1FE70]  }
0x3b2: {  	v57 =	vor.u32 $0x15, v3;
	v7 =	vld.idx.msk [tilespmem:v7+s13+$0x0], $0xffff;
	_ =	sdelay $0x1  }
0x3b3: {  	s8 =	sadd.s32 $0x14600, s3  }
0x3b4: {  	s11 =	sor.u32 s1, s8  }
0x3b5: {  	s4 =	sor.u32 s10, s8;
	v0 =	vld.idx.msk [tilespmem:v56+s13+$0x0], $0xffff;
	[tilespmem:s11+$0x0] =	vst v4  }
0x3b6: {  	v59 =	vor.u32 $0x16, v2;
	v4 =	vld.idx.msk [tilespmem:v57+s13+$0x0], $0xffff;
	[tilespmem:s4+$0x0] =	vst v7  }
0x3b7: {  	v61 =	vor.u32 $0x16, v3;
	v7 =	vld.idx.msk [tilespmem:v40+s13+$0x0], $0xffff  }
0x3b8: {  	s14 =	sadd.s32 $0x14680, s30;
	v8 =	vld.idx.msk [tilespmem:v8+s13+$0x0], $0xffff  }
0x3b9: {  	s15 =	sor.u32 s31, s14;
	s16 =	sadd.s32 $0x14680, s3  }
0x3ba: {  	s18 =	sor.u32 s1, s16;
	[tilespmem:s15+$0x0] =	vst v0  }
0x3bb: {  	v0 =	vld.idx.msk [tilespmem:v59+s13+$0x0], $0xffff;
	s4 =	sor.u32 s10, s16;
	[tilespmem:s18+$0x0] =	vst v4  }
0x3bc: {  	v62 =	vor.u32 $0x17, v2;
	s2 =	sor.u32 s0, s14;
	v4 =	vld.idx.msk [tilespmem:v61+s13+$0x0], $0xffff;
	[tilespmem:s4+$0x0] =	vst v7  }
0x3bd: {  	v32 =	vor.u32 $0x17, v3;
	v7 =	vld.idx.msk [tilespmem:v39+s13+$0x0], $0xffff;
	[tilespmem:s2+$0x0] =	vst v8  }
0x3be: {  	s19 =	sadd.s32 $0x14700, s30;
	v8 =	vld.idx.msk [tilespmem:v63+s13+$0x0], $0xffff  }
0x3bf: {  	s21 =	sadd.s32 $0x14700, s3;
	s20 =	sor.u32 s31, s19  }
0x3c0: {  	s22 =	sor.u32 s1, s21;
	[tilespmem:s20+$0x0] =	vst v0  }
0x3c1: {  	v0 =	vld.idx.msk [tilespmem:v62+s13+$0x0], $0xffff;
	s4 =	sor.u32 s10, s21;
	[tilespmem:s22+$0x0] =	vst v4  }
0x3c2: {  	v36 =	vor.u32 $0x18, v2;
	s2 =	sor.u32 s0, s19;
	v4 =	vld.idx.msk [tilespmem:v32+s13+$0x0], $0xffff;
	[tilespmem:s4+$0x0] =	vst v7  }
0x3c3: {  	v37 =	vor.u32 $0x18, v3;
	v7 =	vld.idx.msk [tilespmem:v30+s13+$0x0], $0xffff;
	[tilespmem:s2+$0x0] =	vst v8  }
0x3c4: {  	s4 =	sadd.s32 $0x14780, s30;
	v8 =	vld.idx.msk [tilespmem:v35+s13+$0x0], $0xffff  }
0x3c5: {  	s7 =	sadd.s32 $0x14780, s3;
	s6 =	sor.u32 s31, s4  }
0x3c6: {  	s8 =	sor.u32 s1, s7;
	[tilespmem:s6+$0x0] =	vst v0  }
0x3c7: {  	[tilespmem:s8+$0x0] =	vst v4;
	s2 =	sor.u32 s0, s4;
	v0 =	vld.idx.msk [tilespmem:v36+s13+$0x0], $0xffff;
	s4 =	sor.u32 s10, s7  }
0x3c8: {  	v38 =	vor.u32 $0x19, v2;
	v4 =	vld.idx.msk [tilespmem:v37+s13+$0x0], $0xffff;
	[tilespmem:s4+$0x0] =	vst v7  }
0x3c9: {  	v39 =	vor.u32 $0x19, v3;
	v7 =	vld.idx.msk [tilespmem:v28+s13+$0x0], $0xffff;
	[tilespmem:s2+$0x0] =	vst v8  }
0x3ca: {  	s11 =	sadd.s32 $0x15400, s30;
	v8 =	vld.idx.msk [tilespmem:v34+s13+$0x0], $0xffff  }
0x3cb: {  	s15 =	sadd.s32 $0x15400, s3;
	[tilespmem:s9+$0x0] =	vst v50;
	s14 =	sor.u32 s31, s11  }
0x3cc: {  	v11 =	vld.idx.msk [tilespmem:v25+s13+$0x0], $0xffff;
	s16 =	sor.u32 s1, s15;
	[tilespmem:s14+$0x0] =	vst v0  }
0x3cd: {  	s4 =	sor.u32 s10, s15;
	[tilespmem:s16+$0x0] =	vst v4;
	v0 =	vld.idx.msk [tilespmem:v38+s13+$0x0], $0xffff  }
0x3ce: {  	v40 =	vor.u32 $0x1A, v2;
	s2 =	sor.u32 s0, s11;
	v4 =	vld.idx.msk [tilespmem:v39+s13+$0x0], $0xffff;
	[tilespmem:s4+$0x0] =	vst v7  }
0x3cf: {  	v41 =	vor.u32 $0x1A, v3;
	v7 =	vld.idx.msk [tilespmem:v26+s13+$0x0], $0xffff;
	[tilespmem:s2+$0x0] =	vst v8  }
0x3d0: {  	[tilespmem:s17+$0x0] =	vst v52;
	s19 =	sadd.s32 $0x15480, s30;
	v8 =	vld.idx.msk [tilespmem:v31+s13+$0x0], $0xffff  }
0x3d1: {  	[tilespmem:s5+$0x0] =	vst v11;
	s21 =	sadd.s32 $0x15480, s3;
	s20 =	sor.u32 s31, s19  }
0x3d2: {  	v10 =	vor.u32 $0x1B, v1;
	v9 =	vld.idx.msk [tilespmem:v27+s13+$0x0], $0xffff;
	s22 =	sor.u32 s1, s21;
	[tilespmem:s20+$0x0] =	vst v0  }
0x3d3: {  	s4 =	sor.u32 s10, s21;
	[tilespmem:s22+$0x0] =	vst v4;
	v0 =	vld.idx.msk [tilespmem:v40+s13+$0x0], $0xffff  }
0x3d4: {  	v42 =	vor.u32 $0x1B, v2;
	s17 =	sadd.s32 $0x15500, s26;
	s6 =	sor.u32 s0, s19;
	v4 =	vld.idx.msk [tilespmem:v41+s13+$0x0], $0xffff;
	[tilespmem:s4+$0x0] =	vst v7  }
0x3d5: {  	v43 =	vor.u32 $0x1B, v3;
	s18 =	sor.u32 s29, s17;
	v7 =	vld.idx.msk [tilespmem:v33+s13+$0x0], $0xffff;
	[tilespmem:s6+$0x0] =	vst v8  }
0x3d6: {  	[tilespmem:s18+$0x0] =	vst v51;
	s7 =	sadd.s32 $0x15500, s30;
	s2 =	sor.u32 s28, s17;
	v8 =	vld.idx.msk [tilespmem:v29+s13+$0x0], $0xffff  }
0x3d7: {  	s9 =	sadd.s32 $0x15500, s3;
	v44 =	vld.idx.msk [tilespmem:v10+s13+$0x0], $0xffff;
	s8 =	sor.u32 s31, s7;
	[tilespmem:s2+$0x0] =	vst v9  }
0x3d8: {  	v45 =	vor.u32 $0x1C, v1;
	s11 =	sor.u32 s1, s9;
	v46 =	vld.idx.msk [tilespmem:v60+s13+$0x0], $0xffff;
	[tilespmem:s8+$0x0] =	vst v0  }
0x3d9: {  	s4 =	sor.u32 s10, s9;
	[tilespmem:s11+$0x0] =	vst v4;
	v0 =	vld.idx.msk [tilespmem:v42+s13+$0x0], $0xffff  }
0x3da: {  	v47 =	vor.u32 $0x1C, v2;
	s14 =	sadd.s32 $0x15580, s26;
	s2 =	sor.u32 s0, s7;
	v4 =	vld.idx.msk [tilespmem:v43+s13+$0x0], $0xffff;
	[tilespmem:s4+$0x0] =	vst v7  }
0x3db: {  	v48 =	vor.u32 $0x1C, v3;
	s15 =	sor.u32 s29, s14;
	v7 =	vld.idx.msk [tilespmem:v22+s13+$0x0], $0xffff;
	[tilespmem:s2+$0x0] =	vst v8  }
0x3dc: {  	s16 =	sor.u32 s28, s14;
	[tilespmem:s15+$0x0] =	vst v44;
	s17 =	sadd.s32 $0x15580, s30;
	v8 =	vld.idx.msk [tilespmem:v23+s13+$0x0], $0xffff  }
0x3dd: {  	s20 =	sadd.s32 $0x15580, s3;
	v9 =	vld.idx.msk [tilespmem:v45+s13+$0x0], $0xffff;
	s18 =	sor.u32 s31, s17;
	[tilespmem:s16+$0x0] =	vst v46  }
0x3de: {  	v49 =	vor.u32 $0x1D, v1;
	s21 =	sor.u32 s1, s20;
	v11 =	vld.idx.msk [tilespmem:v58+s13+$0x0], $0xffff;
	[tilespmem:s18+$0x0] =	vst v0  }
0x3df: {  	s4 =	sor.u32 s10, s20;
	[tilespmem:s21+$0x0] =	vst v4;
	v0 =	vld.idx.msk [tilespmem:v47+s13+$0x0], $0xffff  }
0x3e0: {  	v50 =	vor.u32 $0x1D, v2;
	s22 =	sadd.s32 $0x15600, s26;
	s19 =	sor.u32 s0, s17;
	v4 =	vld.idx.msk [tilespmem:v48+s13+$0x0], $0xffff;
	[tilespmem:s4+$0x0] =	vst v7  }
0x3e1: {  	v51 =	vor.u32 $0x1D, v3;
	s6 =	sor.u32 s29, s22;
	v7 =	vld.idx.msk [tilespmem:v19+s13+$0x0], $0xffff;
	[tilespmem:s19+$0x0] =	vst v8  }
0x3e2: {  	s7 =	sor.u32 s28, s22;
	s8 =	sadd.s32 $0x15600, s30;
	[tilespmem:s6+$0x0] =	vst v9;
	v8 =	vld.idx.msk [tilespmem:v21+s13+$0x0], $0xffff  }
0x3e3: {  	s11 =	sadd.s32 $0x15600, s3;
	s9 =	sor.u32 s31, s8;
	v9 =	vld.idx.msk [tilespmem:v49+s13+$0x0], $0xffff;
	[tilespmem:s7+$0x0] =	vst v11  }
0x3e4: {  	v52 =	vor.u32 $0x1E, v1;
	s14 =	sor.u32 s1, s11;
	v11 =	vld.idx.msk [tilespmem:v24+s13+$0x0], $0xffff;
	[tilespmem:s9+$0x0] =	vst v0  }
0x3e5: {  	s2 =	sor.u32 s10, s11;
	[tilespmem:s14+$0x0] =	vst v4;
	v0 =	vld.idx.msk [tilespmem:v50+s13+$0x0], $0xffff  }
0x3e6: {  	v53 =	vor.u32 $0x1E, v2;
	s15 =	sadd.s32 $0x15680, s26;
	s4 =	sor.u32 s0, s8;
	v4 =	vld.idx.msk [tilespmem:v51+s13+$0x0], $0xffff;
	[tilespmem:s2+$0x0] =	vst v7  }
0x3e7: {  	v54 =	vor.u32 $0x1E, v3;
	s16 =	sor.u32 s29, s15;
	v7 =	vld.idx.msk [tilespmem:v17+s13+$0x0], $0xffff;
	[tilespmem:s4+$0x0] =	vst v8  }
0x3e8: {  	s17 =	sor.u32 s28, s15;
	s18 =	sadd.s32 $0x15680, s30;
	[tilespmem:s16+$0x0] =	vst v9;
	v8 =	vld.idx.msk [tilespmem:v18+s13+$0x0], $0xffff  }
0x3e9: {  	s20 =	sadd.s32 $0x15680, s3;
	v9 =	vld.idx.msk [tilespmem:v52+s13+$0x0], $0xffff;
	s19 =	sor.u32 s31, s18;
	[tilespmem:s17+$0x0] =	vst v11  }
0x3ea: {  	v55 =	vor.u32 $0x1F, v1;
	s21 =	sor.u32 s1, s20;
	v56 =	vld.idx.msk [tilespmem:v15+s13+$0x0], $0xffff;
	[tilespmem:s19+$0x0] =	vst v0  }
0x3eb: {  	s2 =	sor.u32 s10, s20;
	[tilespmem:s21+$0x0] =	vst v4;
	v0 =	vld.idx.msk [tilespmem:v53+s13+$0x0], $0xffff  }
0x3ec: {  	v57 =	vor.u32 $0x1F, v2;
	s22 =	sadd.s32 $0x15700, s26;
	s4 =	sor.u32 s0, s18;
	v4 =	vld.idx.msk [tilespmem:v54+s13+$0x0], $0xffff;
	[tilespmem:s2+$0x0] =	vst v7  }
0x3ed: {  	v59 =	vor.u32 $0x1F, v3;
	s6 =	sor.u32 s29, s22;
	v60 =	vld.idx.msk [tilespmem:v14+s13+$0x0], $0xffff;
	[tilespmem:s4+$0x0] =	vst v8  }
0x3ee: {  	s7 =	sor.u32 s28, s22;
	s8 =	sadd.s32 $0x15700, s30;
	[tilespmem:s6+$0x0] =	vst v9;
	v58 =	vld.idx.msk [tilespmem:v16+s13+$0x0], $0xffff  }
0x3ef: {  	s11 =	sadd.s32 $0x15700, s3;
	s9 =	sor.u32 s31, s8;
	v1 =	vld.idx.msk [tilespmem:v55+s13+$0x0], $0xffff;
	[tilespmem:s7+$0x0] =	vst v56  }
0x3f0: {  	s14 =	sor.u32 s1, s11;
	v61 =	vld.idx.msk [tilespmem:v12+s13+$0x0], $0xffff;
	[tilespmem:s9+$0x0] =	vst v0  }
0x3f1: {  	s2 =	sor.u32 s10, s11;
	[tilespmem:s14+$0x0] =	vst v4;
	v0 =	vld.idx.msk [tilespmem:v57+s13+$0x0], $0xffff  }
0x3f2: {  	s15 =	sadd.s32 $0x15780, s26;
	s4 =	sor.u32 s0, s8;
	v3 =	vld.idx.msk [tilespmem:v59+s13+$0x0], $0xffff;
	[tilespmem:s2+$0x0] =	vst v60  }
0x3f3: {  	s16 =	sor.u32 s29, s15;
	v63 =	vld.idx.msk [tilespmem:v20+s13+$0x0], $0xffff;
	[tilespmem:s4+$0x0] =	vst v58  }
0x3f4: {  	s17 =	sor.u32 s28, s15;
	s18 =	sadd.s32 $0x15780, s30;
	[tilespmem:s16+$0x0] =	vst v1;
	v62 =	vld.idx.msk [tilespmem:v13+s13+$0x0], $0xffff  }
0x3f5: {  	s21 =	sadd.s32 $0x15780, s3;
	s19 =	sor.u32 s31, s18;
	[tilespmem:s17+$0x0] =	vst v61  }
0x3f6: {  	s22 =	sor.u32 s1, s21;
	[tilespmem:s19+$0x0] =	vst v0  }
0x3f7: {  	s26 =	sor.u32 s10, s21;
	[tilespmem:s22+$0x0] =	vst v3  }
0x3f8: {  	s23 =	sadd.s32 $0x1, s23;
	s20 =	sor.u32 s0, s18;
	[tilespmem:s26+$0x0] =	vst v63  }
0x3f9: {  	p0 =	sne.s32 s23, $0x19;
	s29 =	simm.s32 $0x1000;
	[tilespmem:s20+$0x0] =	vst v62  }
.Ltmp2:
0x3fa: {  	s1 =	simm.s32 @!p1 $0x200;
	s4 =	rddreg [dreg:$0x3];
	(pc) =	sbr.rel @p0 .LBB2_2-.Ltmp2, $4  }
0x3fb: {  	s0 =	sadd.s32 @!p1 $0x600, s24;
	s2 =	simm.s32 @!p1 $0xA400;
	s28 =	rddreg [dreg:$0x6]  }
0x3fc: {  	[tilespmem:s2], [sflag:$0x2] =	stream.indirect.gather @!p1 [hbm4b:s4+s1], $0x20, s0, s1, $0xb8;
	[tilespmem:$0x16400] =	vst v63  }
0x3fd: {  	s30 =	simm.s32 $0x20000;
	s31 =	simm.s32 $0x12400;
	s0 =	sadd.s32 s25, s28  }
0x3fe: {  	[hbm4b:s0+s29] =	stream.strided.scatter [tilespmem:s31], [sflag:$0x4], $0x4000, s30, s29, $0x38;
	[tilespmem:$0x16400] =	vst v63  }
0x3ff: {  	s0 =	simm.s32 $0x3  }
0x400: {  	_ =	swait.ge [sflag:s0], $0x4000  }
0x401: {  	[sflag:s0] =	ssyncset.done $0x0  }
0x402: {  	s1 =	simm.s32 $0x4;
	[sflag:s0] =	ssyncadd.s32 $0xFFFFC000  }
0x403: {  	_ =	swait.ge [sflag:s1], $0x4000  }
0x404: {  	s2 =	rddreg [dreg:$0x8]  }
0x405: {  	s31 =	rddreg [dreg:$0x7];
	s2 =	sadd.s32 $0x1, s2  }
0x406: {  	p0 =	sne.s32 s2, s31  }
.Ltmp3:
0x407: {  	_ = 	snop;
	(pc) =	sbr.rel @p0 .LBB2_1-.Ltmp3, $3  }
0x408: {  	_ =	sdelay $0x1  }
0x409: {  	[sflag:s1] =	ssyncset.done $0x0  }
0x40a: {  	[sflag:s1] =	ssyncadd.s32 $0xFFFFC000  }
0x40b: {  	_ =	sfence.sel $0x180000  }
0x40c: {  	[bflag:$0x0] =	sbarrier.arrive $0xFFFF  }
0x40d: {  	_ =	strace $0x90000047  }
0x40e: {  	s0 =	stileid.u32;
	[bflag:$0x2] =	sbarrier.arrive $0xFFFF  }
0x40f: {  	p0 =	sne.s32 s0, $0x0;
	s0 =	rddreg [dreg:$0x2]  }
0x410: {  	s0 =	sadd.s32 @!p0 $0x100000, s0  }
0x411: {  	[sflag:s0] =	ssyncadd.tile.s32 @!p0 $0x1;
	_ =	shalt  }
.Lfunc_end2:
_tile_overlayer_lowered:
.L_overlay_start_2:
0x412: {  	(tag) =	ssettag $0x2  }
0x413: {  	s0 =	rddreg [dreg:$0x0];
	s2 =	stileid.u32  }
0x414: {  	s1 =	rddreg [dreg:$0x1];
	p0 =	sne.s32 s2, $0x0  }
0x415: {  	s3 =	rddreg [dreg:$0x2];
	[bflag:$0x3] =	sbarrier.arrive $0xFFFF;
	s2 =	simm.s32 @!p0 $0x1C05  }
0x416: {  	[timem:s3], [sflag:s2] =	dma.local @!p0 [hbm:s0], s1  }
0x417: {  	s0 =	simm.s32 @!p0 $0x5  }
0x418: {  	_ =	swait.ge @!p0 [sflag:s0], s1  }
0x419: {  	s1 =	ssub.s32 @!p0 $0x0, s1;
	[sflag:s0] =	ssyncset.done @!p0 $0x0  }
0x41a: {  	[sflag:s0] =	ssyncadd.s32 @!p0 s1  }
0x41b: {  	[bflag:$0x3] =	sbarrier.arrive $0xFFFF  }
0x41c: {  	_ =	shalt  }

</sc_bundles>
